<compile_context>
chip_gen: v7x
topology: tpu7x:2x2x1
jax: 0.10.2.dev20260603
libtpu: 0.0.44.dev20260713+nightly
codegen_flags: <defaults>
</compile_context>

<pallas_src>
import jax
import jax.numpy as jnp
from jax import lax
from jax.experimental import pallas as pl
from jax.experimental.pallas import tpu as pltpu
from jax.experimental.pallas import tpu_sc as plsc

N = 10000
E = 320000
B = 8
F_IN = 8
D1 = 256
C2 = 128

NP = 10112
E_PAD = 323584
K = 64
TBLK = 1264
STRIPE = NP // 16
DRP = 80

_mesh = plsc.VectorSubcoreMesh(core_axis_name="c", subcore_axis_name="s")
_f32 = jnp.float32
_i32 = jnp.int32


def _lanesum(v, lane):
    for sh in (1, 2, 4, 8):
        perm = lane ^ sh
        v = v + jnp.take_along_axis(v, perm, axis=0,
                                    mode="promise_in_bounds")
    return v


def _sc_common_init(zbuf, accum, den_acc, den_tile, nden, sid):
    for i in range(8):
        for v in range(8):
            zbuf[i, pl.ds(v * 16, 16)] = jnp.zeros((16,), _f32)

    def zd(i, _):
        for v in range(8):
            den_tile[i, pl.ds(v * 16, 16)] = jnp.zeros((16,), _f32)
        return 0

    lax.fori_loop(0, nden, zd, 0)
    r0 = sid * STRIPE

    def z1(j, _):
        pltpu.sync_copy(zbuf, accum.at[pl.ds(r0 + j * 8, 8)])
        return 0

    lax.fori_loop(0, STRIPE // 8, z1, 0)
    nchunk = nden // 8
    for t in range(2):
        j = sid + 16 * t

        @pl.when(j < nchunk)
        def _():
            pltpu.sync_copy(zbuf, den_acc.at[pl.ds(j * 8, 8)])


def _fill_iota(ref, nrows, lane, base):
    def f1(j, _):
        ref[pl.ds(j * 16, 16)] = lane + (base + j * 16)
        return 0
    lax.fori_loop(0, nrows // 16, f1, 0)


def _edge_loop(xl_ref, xr_ref, src, dst, attr, idx_s, idx_d, idx_dp, attr_v,
               xl_buf, xr_buf, val_buf, par_v, den_tile, accum,
               semA, semB, lane, base0, nchunks, heads2):
    wev = [par_v[pl.ds(v * 16, 16)] for v in range(8)]
    attv = [par_v[pl.ds(128 + v * 16, 16)] for v in range(8)]
    zero16 = jnp.zeros((16,), _f32)

    def chunk(j, _):
        base = base0 + j * K
        c1 = pltpu.async_copy(src.at[pl.ds(base, K)], idx_s, semA)
        c2 = pltpu.async_copy(dst.at[pl.ds(base, K)], idx_d, semA)
        c3 = pltpu.async_copy(attr.at[pl.ds(base, K)], attr_v.at[pl.ds(0, K)],
                              semA)
        c1.wait()
        c2.wait()
        c3.wait()
        for t in range(K // 16):
            idx_dp[pl.ds(t * 16, 16)] = idx_d[pl.ds(t * 16, 16)]
        g1 = pltpu.async_copy(xl_ref.at[idx_s], xl_buf, semB)
        g2 = pltpu.async_copy(xr_ref.at[idx_d], xr_buf, semB)
        g1.wait()
        g2.wait()

        def edge(k, _):
            av = jnp.broadcast_to(attr_v[pl.ds(k, 16)][0], (16,))
            d16 = idx_dp[pl.ds(k, 16)]
            d0 = d16[0]
            xls = [xl_buf[k, pl.ds(v * 16, 16)] for v in range(8)]
            if heads2:
                acc0 = zero16
                acc1 = zero16
                for v in range(8):
                    z = xls[v] + xr_buf[k, pl.ds(v * 16, 16)] + av * wev[v]
                    z = jnp.where(z >= 0, z, 0.2 * z)
                    if v < 4:
                        acc0 = acc0 + attv[v] * z
                    else:
                        acc1 = acc1 + attv[v] * z
                ex0 = jnp.exp(_lanesum(acc0, lane))
                ex1 = jnp.exp(_lanesum(acc1, lane))
                for v in range(4):
                    val_buf[k, pl.ds(v * 16, 16)] = ex0 * xls[v]
                for v in range(4, 8):
                    val_buf[k, pl.ds(v * 16, 16)] = ex1 * xls[v]
                cbase = (d0 & 63) * 2
                row = lax.shift_right_logical(d0, 6)
                cb = cbase & 0x70
                liv = jnp.broadcast_to(cbase & 15, (16,))
                cur = den_tile[row, pl.ds(cb, 16)]
                cur = (cur + jnp.where(lane == liv, ex0, zero16)
                       + jnp.where(lane == liv + 1, ex1, zero16))
                den_tile[row, pl.ds(cb, 16)] = cur
            else:
                acc = zero16
                for v in range(8):
                    z = xls[v] + xr_buf[k, pl.ds(v * 16, 16)] + av * wev[v]
                    z = jnp.where(z >= 0, z, 0.2 * z)
                    acc = acc + attv[v] * z
                ex = jnp.exp(_lanesum(acc, lane))
                for v in range(8):
                    val_buf[k, pl.ds(v * 16, 16)] = ex * xls[v]
                c = d0 & 127
                row = lax.shift_right_logical(d0, 7)
                cb = c & 0x70
                liv = jnp.broadcast_to(c & 15, (16,))
                cur = den_tile[row, pl.ds(cb, 16)]
                den_tile[row, pl.ds(cb, 16)] = (
                    cur + jnp.where(lane == liv, ex, zero16))
            return 0

        lax.fori_loop(0, K, edge, 0)
        pltpu.sync_copy(val_buf, accum.at[idx_d], add=True)
        return 0

    lax.fori_loop(0, nchunks, chunk, 0)


def _merge_den(den_tile, den_acc, idx_mA, idx_mB, heads2):
    pltpu.sync_copy(den_tile.at[pl.ds(0, DRP)], den_acc.at[idx_mA], add=True)
    if heads2:
        pltpu.sync_copy(den_tile.at[pl.ds(DRP, DRP)], den_acc.at[idx_mB],
                        add=True)


def _copy_out(accum, den_acc, out_num, out_den, nden, sid):
    r0 = sid * STRIPE
    pltpu.sync_copy(accum.at[pl.ds(r0, STRIPE)], out_num.at[pl.ds(r0, STRIPE)])
    nchunk = nden // 8
    for t in range(2):
        j = sid + 16 * t

        @pl.when(j < nchunk)
        def _():
            pltpu.sync_copy(den_acc.at[pl.ds(j * 8, 8)],
                            out_den.at[pl.ds(j * 8, 8)])


def _gat1_body(xl_a, xr_a, xl_b, xr_b, src, dst, attr, par_a, par_b,
               na, nb, da, db,
               idx_s, idx_d, idx_dp, attr_v, xl_buf, xr_buf, val_buf, par_v,
               zbuf, idx_mA, idx_mB, den_tile, accum, den_acc, semA, semB):
    cid = lax.axis_index("c")
    sid = lax.axis_index("s")
    lane = lax.iota(_i32, 16)
    nden = 2 * DRP
    _sc_common_init(zbuf, accum, den_acc, den_tile, nden, sid)
    _fill_iota(idx_mA, DRP, lane, 0)
    _fill_iota(idx_mB, DRP, lane, DRP)
    plsc.subcore_barrier()

    ept = E_PAD // 16

    @pl.when(cid == 0)
    def _():
        pltpu.sync_copy(par_a, par_v)
        _edge_loop(xl_a, xr_a, src, dst, attr, idx_s, idx_d, idx_dp, attr_v,
                   xl_buf, xr_buf, val_buf, par_v, den_tile, accum,
                   semA, semB, lane, sid * ept, ept // K, True)

    @pl.when(cid == 1)
    def _():
        pltpu.sync_copy(par_b, par_v)
        _edge_loop(xl_b, xr_b, src, dst, attr, idx_s, idx_d, idx_dp, attr_v,
                   xl_buf, xr_buf, val_buf, par_v, den_tile, accum,
                   semA, semB, lane, sid * ept, ept // K, True)

    _merge_den(den_tile, den_acc, idx_mA, idx_mB, True)
    plsc.subcore_barrier()

    @pl.when(cid == 0)
    def _():
        _copy_out(accum, den_acc, na, da, nden, sid)

    @pl.when(cid == 1)
    def _():
        _copy_out(accum, den_acc, nb, db, nden, sid)


def _gat2_body(xl, xr, src, dst, attr, par,
               na, nb, da, db,
               idx_s, idx_d, idx_dp, attr_v, xl_buf, xr_buf, val_buf, par_v,
               zbuf, idx_mA, idx_mB, den_tile, accum, den_acc, semA, semB):
    cid = lax.axis_index("c")
    sid = lax.axis_index("s")
    lane = lax.iota(_i32, 16)
    _sc_common_init(zbuf, accum, den_acc, den_tile, DRP, sid)
    _fill_iota(idx_mA, DRP, lane, 0)
    plsc.subcore_barrier()

    pltpu.sync_copy(par, par_v)
    wid = cid * 16 + sid
    ept = E_PAD // 32
    _edge_loop(xl, xr, src, dst, attr, idx_s, idx_d, idx_dp, attr_v,
               xl_buf, xr_buf, val_buf, par_v, den_tile, accum,
               semA, semB, lane, wid * ept, ept // K, False)
    _merge_den(den_tile, den_acc, idx_mA, idx_mB, False)
    plsc.subcore_barrier()

    @pl.when(cid == 0)
    def _():
        _copy_out(accum, den_acc, na, da, DRP, sid)

    @pl.when(cid == 1)
    def _():
        _copy_out(accum, den_acc, nb, db, DRP, sid)


def _sc_scratch(nden):
    return [
        pltpu.VMEM((K,), _i32),
        pltpu.VMEM((K,), _i32),
        pltpu.VMEM((K + 16,), _i32),
        pltpu.VMEM((K + 16,), _f32),
        pltpu.VMEM((K, 128), _f32),
        pltpu.VMEM((K, 128), _f32),
        pltpu.VMEM((K, 128), _f32),
        pltpu.VMEM((D1,), _f32),
        pltpu.VMEM((8, 128), _f32),
        pltpu.VMEM((DRP,), _i32),
        pltpu.VMEM((DRP,), _i32),
        pltpu.VMEM((nden, 128), _f32),
        pltpu.VMEM_SHARED((NP, 128), _f32),
        pltpu.VMEM_SHARED((nden, 128), _f32),
        pltpu.SemaphoreType.DMA,
        pltpu.SemaphoreType.DMA,
    ]


@jax.jit
def _gat1_call(xl_a, xr_a, xl_b, xr_b, src, dst, attr, par_a, par_b):
    return pl.kernel(
        _gat1_body,
        out_type=[jax.ShapeDtypeStruct((NP, 128), _f32)] * 2
        + [jax.ShapeDtypeStruct((2 * DRP, 128), _f32)] * 2,
        mesh=_mesh,
        scratch_types=_sc_scratch(2 * DRP),
    )(xl_a, xr_a, xl_b, xr_b, src, dst, attr, par_a, par_b)


@jax.jit
def _gat2_call(xl, xr, src, dst, attr, par):
    return pl.kernel(
        _gat2_body,
        out_type=[jax.ShapeDtypeStruct((NP, 128), _f32)] * 2
        + [jax.ShapeDtypeStruct((DRP, 128), _f32)] * 2,
        mesh=_mesh,
        scratch_types=_sc_scratch(DRP),
    )(xl, xr, src, dst, attr, par)



def _mm1_body(x_ref, wl_ref, wr_ref, o1, o2, o3, o4):
    xb = x_ref[...]
    xl = jnp.dot(xb, wl_ref[...], preferred_element_type=_f32)
    xr = jnp.dot(xb, wr_ref[...], preferred_element_type=_f32)
    o1[...] = xl[:, :128]
    o2[...] = xl[:, 128:]
    o3[...] = xr[:, :128]
    o4[...] = xr[:, 128:]


def _stage1(xp, wl, wr):
    return pl.pallas_call(
        _mm1_body,
        grid=(NP // TBLK,),
        in_specs=[
            pl.BlockSpec((TBLK, F_IN), lambda i: (i, 0)),
            pl.BlockSpec((F_IN, D1), lambda i: (0, 0)),
            pl.BlockSpec((F_IN, D1), lambda i: (0, 0)),
        ],
        out_specs=[pl.BlockSpec((TBLK, 128), lambda i: (i, 0))] * 4,
        out_shape=[jax.ShapeDtypeStruct((NP, 128), _f32)] * 4,
    )(xp, wl, wr)


def _ln_elu(h, g, b):
    mu = jnp.mean(h, axis=1, keepdims=True)
    var = jnp.mean((h - mu) ** 2, axis=1, keepdims=True)
    hn = (h - mu) * lax.rsqrt(var + 1e-5) * g + b
    return jnp.where(hn > 0, hn, jnp.exp(hn) - 1.0)


def _upd1_body(na_ref, nb_ref, d0_ref, d1_ref, d2_ref, d3_ref,
               b1_ref, g1_ref, be1_ref, wl2_ref, wr2_ref,
               xl2_ref, xr2_ref):
    num = jnp.concatenate([na_ref[...], nb_ref[...]], axis=1)
    dens = [d0_ref[0, 0, :], d1_ref[0, 0, :], d2_ref[0, 0, :], d3_ref[0, 0, :]]
    den = jnp.concatenate(
        [jnp.broadcast_to(d[:, None], (TBLK, 64)) for d in dens], axis=1)
    h = num / (den + 1e-16) + b1_ref[...]
    h = _ln_elu(h, g1_ref[...], be1_ref[...])
    xl2_ref[...] = jnp.dot(h, wl2_ref[...], preferred_element_type=_f32)
    xr2_ref[...] = jnp.dot(h, wr2_ref[...], preferred_element_type=_f32)


def _stage3(na, nb, d0, d1, d2, d3, b1, g1, be1, wl2, wr2):
    dspec = pl.BlockSpec((1, 1, TBLK), lambda i: (i, 0, 0))
    pspec = pl.BlockSpec((1, D1), lambda i: (0, 0))
    return pl.pallas_call(
        _upd1_body,
        grid=(NP // TBLK,),
        in_specs=[
            pl.BlockSpec((TBLK, 128), lambda i: (i, 0)),
            pl.BlockSpec((TBLK, 128), lambda i: (i, 0)),
            dspec, dspec, dspec, dspec,
            pspec, pspec, pspec,
            pl.BlockSpec((D1, C2), lambda i: (0, 0)),
            pl.BlockSpec((D1, C2), lambda i: (0, 0)),
        ],
        out_specs=[pl.BlockSpec((TBLK, C2), lambda i: (i, 0))] * 2,
        out_shape=[jax.ShapeDtypeStruct((NP, C2), _f32)] * 2,
    )(na, nb, d0, d1, d2, d3, b1, g1, be1, wl2, wr2)


def _pool_body(na_ref, nb_ref, da_ref, db_ref, b2_ref, g2_ref, be2_ref,
               bt_ref, out_ref, acc, cnt):
    i = pl.program_id(0)
    num = na_ref[...] + nb_ref[...]
    den = (da_ref[0, 0, :] + db_ref[0, 0, :])[:, None]
    h = num / (den + 1e-16) + b2_ref[...]
    h = _ln_elu(h, g2_ref[...], be2_ref[...])
    bt = bt_ref[0, 0, :]
    onehot = (bt[None, :] ==
              lax.broadcasted_iota(_i32, (B, TBLK), 0)).astype(_f32)
    pm = jnp.dot(onehot, h, preferred_element_type=_f32)
    rs = jnp.broadcast_to(jnp.sum(onehot, axis=1, keepdims=True), (B, C2))

    @pl.when(i == 0)
    def _():
        acc[...] = pm
        cnt[...] = rs

    @pl.when(i > 0)
    def _():
        acc[...] += pm
        cnt[...] += rs

    @pl.when(i == NP // TBLK - 1)
    def _():
        out_ref[...] = acc[...] / jnp.maximum(cnt[...], 1.0)


def _stage5(na, nb, da, db, b2, g2, be2, bt):
    dspec = pl.BlockSpec((1, 1, TBLK), lambda i: (i, 0, 0))
    pspec = pl.BlockSpec((1, C2), lambda i: (0, 0))
    return pl.pallas_call(
        _pool_body,
        grid=(NP // TBLK,),
        in_specs=[
            pl.BlockSpec((TBLK, 128), lambda i: (i, 0)),
            pl.BlockSpec((TBLK, 128), lambda i: (i, 0)),
            dspec, dspec,
            pspec, pspec, pspec,
            dspec,
        ],
        out_specs=pl.BlockSpec((B, C2), lambda i: (0, 0)),
        out_shape=jax.ShapeDtypeStruct((B, C2), _f32),
        scratch_shapes=[pltpu.VMEM((B, C2), _f32), pltpu.VMEM((B, C2), _f32)],
    )(na, nb, da, db, b2, g2, be2, bt)


def _to_blocks(v):
    return v.reshape(NP // TBLK, 1, TBLK)


def kernel(x, edge_index, edge_attr, batch, W_l1, W_r1, W_e1, att1, b1, g1,
           be1, W_l2, W_r2, W_e2, att2, b2, g2, be2):
    x = x.astype(_f32)
    xp = jnp.zeros((NP, F_IN), _f32).at[:N].set(x)
    src = edge_index[0].astype(_i32)
    dst = edge_index[1].astype(_i32)
    pad_e = E_PAD - E
    srcp = jnp.concatenate([src, jnp.full((pad_e,), N, _i32)])
    dstp = jnp.concatenate([dst, jnp.full((pad_e,), N, _i32)])
    attrp = jnp.concatenate([edge_attr[:, 0].astype(_f32),
                             jnp.zeros((pad_e,), _f32)])
    btp = _to_blocks(jnp.concatenate([batch.astype(_i32),
                                      jnp.full((NP - N,), B, _i32)]))

    par_a1 = jnp.concatenate([W_e1[0, :128], att1[0:2].reshape(128)])
    par_b1 = jnp.concatenate([W_e1[0, 128:], att1[2:4].reshape(128)])
    par2 = jnp.concatenate([W_e2[0], att2[0]])

    xl_a, xl_b, xr_a, xr_b = _stage1(xp, W_l1, W_r1)
    na1, nb1, da1, db1 = _gat1_call(xl_a, xr_a, xl_b, xr_b, srcp, dstp,
                                    attrp, par_a1, par_b1)
    da1f = da1.reshape(DRP * 128, 2)
    db1f = db1.reshape(DRP * 128, 2)
    d10 = _to_blocks(da1f[:NP, 0])
    d11 = _to_blocks(da1f[:NP, 1])
    d12 = _to_blocks(db1f[:NP, 0])
    d13 = _to_blocks(db1f[:NP, 1])
    xl2, xr2 = _stage3(na1, nb1, d10, d11, d12, d13,
                       b1.reshape(1, D1), g1.reshape(1, D1),
                       be1.reshape(1, D1), W_l2, W_r2)
    na2, nb2, da2, db2 = _gat2_call(xl2, xr2, srcp, dstp, attrp, par2)
    d2a = _to_blocks(da2.reshape(-1)[:NP])
    d2b = _to_blocks(db2.reshape(-1)[:NP])
    return _stage5(na2, nb2, d2a, d2b, b2.reshape(1, C2), g2.reshape(1, C2),
                   be2.reshape(1, C2), btp)

# --- scband reference (transcript-rebuilt; emitter-appended) ---
"""Pipeline reference for scband-farm-gnn-67740224193326 (READ-ONLY COPY).

The authoritative reference and input builder live on the scoring server;
editing this copy changes nothing except your own understanding.
"""

import jax, jax.numpy as jnp
import numpy as np

N = 10000
E = 320000
B = 8
F_IN = 8
H1, C1 = 4, 64
C2 = 128


def _glorot(key, shape):
    fan_in, fan_out = shape[0], shape[1]
    s = float(np.sqrt(6.0 / (fan_in + fan_out)))
    return jax.random.uniform(key, shape, minval=-s, maxval=s, dtype=jnp.float32)


def setup_inputs(seed: int = 0) -> dict:
    key = jax.random.key(seed)
    ks = jax.random.split(key, 16)
    x = jax.random.normal(ks[0], (N, F_IN), dtype=jnp.float32)
    edge_index = jax.random.randint(ks[1], (2, E), 0, N)
    edge_attr = jax.random.uniform(ks[2], (E, 1), dtype=jnp.float32)
    batch = jnp.sort(jax.random.randint(ks[3], (N,), 0, B))
    W_l1 = _glorot(ks[4], (F_IN, H1 * C1))
    W_r1 = _glorot(ks[5], (F_IN, H1 * C1))
    W_e1 = _glorot(ks[6], (1, H1 * C1))
    att1 = _glorot(ks[7], (H1, C1))
    b1 = jnp.zeros((H1 * C1,), dtype=jnp.float32)
    g1 = jnp.ones((H1 * C1,), dtype=jnp.float32)
    be1 = jnp.zeros((H1 * C1,), dtype=jnp.float32)
    W_l2 = _glorot(ks[8], (H1 * C1, C2))
    W_r2 = _glorot(ks[9], (H1 * C1, C2))
    W_e2 = _glorot(ks[10], (1, C2))
    att2 = _glorot(ks[11], (1, C2))
    b2 = jnp.zeros((C2,), dtype=jnp.float32)
    g2 = jnp.ones((C2,), dtype=jnp.float32)
    be2 = jnp.zeros((C2,), dtype=jnp.float32)
    return {"x": x, "edge_index": edge_index, "edge_attr": edge_attr, "batch": batch,
            "W_l1": W_l1, "W_r1": W_r1, "W_e1": W_e1, "att1": att1, "b1": b1, "g1": g1, "be1": be1,
            "W_l2": W_l2, "W_r2": W_r2, "W_e2": W_e2, "att2": att2, "b2": b2, "g2": g2, "be2": be2}


def _gatv2(x, edge_index, edge_attr, W_l, W_r, W_e, att, bias, heads, ch, concat):
    n = x.shape[0]
    src = edge_index[0]
    dst = edge_index[1]
    x_l = (x @ W_l).reshape(n, heads, ch)
    x_r = (x @ W_r).reshape(n, heads, ch)
    e = (edge_attr @ W_e).reshape(-1, heads, ch)
    x_j = x_l[src]
    x_i = x_r[dst]
    z = jax.nn.leaky_relu(x_j + x_i + e, negative_slope=0.2)
    score = jnp.sum(z * att[None, :, :], axis=-1)
    m = jax.ops.segment_max(score, dst, num_segments=n)
    m = jax.lax.stop_gradient(jnp.where(jnp.isfinite(m), m, 0.0))
    ex = jnp.exp(score - m[dst])
    den = jax.ops.segment_sum(ex, dst, num_segments=n)
    alpha = ex / (den[dst] + 1e-16)
    out = jax.ops.segment_sum(x_j * alpha[:, :, None], dst, num_segments=n)
    if concat:
        out = out.reshape(n, heads * ch)
    else:
        out = out.mean(axis=1)
    return out + bias


def _ln(x, g, b, eps=1e-5):
    mu = jnp.mean(x, axis=-1, keepdims=True)
    var = jnp.mean((x - mu) ** 2, axis=-1, keepdims=True)
    return (x - mu) * jax.lax.rsqrt(var + eps) * g + b


def reference(x, edge_index, edge_attr, batch, W_l1, W_r1, W_e1, att1, b1, g1, be1, W_l2, W_r2, W_e2, att2, b2, g2, be2):
    h = _gatv2(x, edge_index, edge_attr, W_l1, W_r1, W_e1, att1, b1, H1, C1, True)
    h = jax.nn.elu(_ln(h, g1, be1))
    h = _gatv2(h, edge_index, edge_attr, W_l2, W_r2, W_e2, att2, b2, 1, C2, False)
    h = jax.nn.elu(_ln(h, g2, be2))
    sums = jax.ops.segment_sum(h, batch, num_segments=B)
    cnt = jax.ops.segment_sum(jnp.ones((h.shape[0], 1), dtype=h.dtype), batch, num_segments=B)
    return sums / jnp.maximum(cnt, 1.0)

if __name__ == "__main__":
    import jax
    _d = setup_inputs()
    print(jax.jit(kernel)(*tuple(_d.values())))

</pallas_src>

<mosaic_0001>
#map = affine_map<(d0, d1) -> (0, 0)>
#map1 = affine_map<(d0, d1) -> (0)>
module attributes {stable_mosaic.version = 14 : i64} {
  func.func @_gat1_body(%arg0: i32, %arg1: i32, %arg2: memref<10112x128xf32, #tpu.memory_space<hbm>>, %arg3: memref<10112x128xf32, #tpu.memory_space<hbm>>, %arg4: memref<10112x128xf32, #tpu.memory_space<hbm>>, %arg5: memref<10112x128xf32, #tpu.memory_space<hbm>>, %arg6: memref<323584xi32, #tpu.memory_space<hbm>>, %arg7: memref<323584xi32, #tpu.memory_space<hbm>>, %arg8: memref<323584xf32, #tpu.memory_space<hbm>>, %arg9: memref<256xf32, #tpu.memory_space<hbm>>, %arg10: memref<256xf32, #tpu.memory_space<hbm>>, %arg11: memref<10112x128xf32, #tpu.memory_space<hbm>>, %arg12: memref<10112x128xf32, #tpu.memory_space<hbm>>, %arg13: memref<160x128xf32, #tpu.memory_space<hbm>>, %arg14: memref<160x128xf32, #tpu.memory_space<hbm>>, %arg15: memref<64xi32, #tpu.memory_space<vmem>>, %arg16: memref<64xi32, #tpu.memory_space<vmem>>, %arg17: memref<80xi32, #tpu.memory_space<vmem>>, %arg18: memref<80xf32, #tpu.memory_space<vmem>>, %arg19: memref<64x128xf32, #tpu.memory_space<vmem>>, %arg20: memref<64x128xf32, #tpu.memory_space<vmem>>, %arg21: memref<64x128xf32, #tpu.memory_space<vmem>>, %arg22: memref<256xf32, #tpu.memory_space<vmem>>, %arg23: memref<8x128xf32, #tpu.memory_space<vmem>>, %arg24: memref<80xi32, #tpu.memory_space<vmem>>, %arg25: memref<80xi32, #tpu.memory_space<vmem>>, %arg26: memref<160x128xf32, #tpu.memory_space<vmem>>, %arg27: memref<10112x128xf32, #tpu.memory_space<vmem_shared>>, %arg28: memref<160x128xf32, #tpu.memory_space<vmem_shared>>, %arg29: memref<!tpu.dma_semaphore, #tpu.memory_space<semaphore_mem>>, %arg30: memref<!tpu.dma_semaphore, #tpu.memory_space<semaphore_mem>>) attributes {dimension_semantics = [#tpu.dimension_semantics<core_parallel>, #tpu.dimension_semantics<subcore_parallel>], iteration_bounds = array<i64: 2, 16>, scalar_prefetch = 0 : i64, scratch_operands = 16 : i64, tpu.core_type = #tpu.core_type<sc_vector_subcore>, window_params = [{transform_indices = #map}, {transform_indices = #map}, {transform_indices = #map}, {transform_indices = #map}, {transform_indices = #map1}, {transform_indices = #map1}, {transform_indices = #map1}, {transform_indices = #map1}, {transform_indices = #map1}, {transform_indices = #map}, {transform_indices = #map}, {transform_indices = #map}, {transform_indices = #map}]} {
    %iota3A = tpu.iota {dimensions = array<i32: 0>} : vector<16xi32>
    %broadcast_in_dim3A = arith.constant 0.000000e+00 : f32
    %broadcast_in_dim3A_0 = vector.broadcast %broadcast_in_dim3A : f32 to vector<16xf32>
    %swap3A = arith.constant 0 : i32
    %swap3A_1 = arith.index_cast %swap3A : i32 to index
    %swap3A_2 = arith.constant 0 : index
    %swap3A_3 = tpu.vector_load %arg23[%swap3A_1, %swap3A_2] {strides = array<i32>} : memref<8x128xf32, #tpu.memory_space<vmem>>, vector<1x16xf32>,
    %swap3A_4 = vector.shape_cast %swap3A_3 : vector<1x16xf32> to vector<16xf32>
    %swap3A_5 = vector.shape_cast %broadcast_in_dim3A_0 : vector<16xf32> to vector<1x16xf32>
    tpu.vector_store %arg23[%swap3A_1, %swap3A_2], %swap3A_5 {strides = array<i32>} : memref<8x128xf32, #tpu.memory_space<vmem>>, vector<1x16xf32>,
    %broadcast_in_dim3A_6 = arith.constant 0.000000e+00 : f32
    %broadcast_in_dim3A_7 = vector.broadcast %broadcast_in_dim3A_6 : f32 to vector<16xf32>
    %swap3A_8 = arith.constant 0 : i32
    %swap3A_9 = arith.index_cast %swap3A_8 : i32 to index
    %swap3A_10 = arith.constant 16 : index
    %swap3A_11 = tpu.vector_load %arg23[%swap3A_9, %swap3A_10] {strides = array<i32>} : memref<8x128xf32, #tpu.memory_space<vmem>>, vector<1x16xf32>,
    %swap3A_12 = vector.shape_cast %swap3A_11 : vector<1x16xf32> to vector<16xf32>
    %swap3A_13 = vector.shape_cast %broadcast_in_dim3A_7 : vector<16xf32> to vector<1x16xf32>
    tpu.vector_store %arg23[%swap3A_9, %swap3A_10], %swap3A_13 {strides = array<i32>} : memref<8x128xf32, #tpu.memory_space<vmem>>, vector<1x16xf32>,
    %broadcast_in_dim3A_14 = arith.constant 0.000000e+00 : f32
    %broadcast_in_dim3A_15 = vector.broadcast %broadcast_in_dim3A_14 : f32 to vector<16xf32>
    %swap3A_16 = arith.constant 0 : i32
    %swap3A_17 = arith.index_cast %swap3A_16 : i32 to index
    %swap3A_18 = arith.constant 32 : index
    %swap3A_19 = tpu.vector_load %arg23[%swap3A_17, %swap3A_18] {strides = array<i32>} : memref<8x128xf32, #tpu.memory_space<vmem>>, vector<1x16xf32>,
    %swap3A_20 = vector.shape_cast %swap3A_19 : vector<1x16xf32> to vector<16xf32>
    %swap3A_21 = vector.shape_cast %broadcast_in_dim3A_15 : vector<16xf32> to vector<1x16xf32>
    tpu.vector_store %arg23[%swap3A_17, %swap3A_18], %swap3A_21 {strides = array<i32>} : memref<8x128xf32, #tpu.memory_space<vmem>>, vector<1x16xf32>,
    %broadcast_in_dim3A_22 = arith.constant 0.000000e+00 : f32
    %broadcast_in_dim3A_23 = vector.broadcast %broadcast_in_dim3A_22 : f32 to vector<16xf32>
    %swap3A_24 = arith.constant 0 : i32
    %swap3A_25 = arith.index_cast %swap3A_24 : i32 to index
    %swap3A_26 = arith.constant 48 : index
    %swap3A_27 = tpu.vector_load %arg23[%swap3A_25, %swap3A_26] {strides = array<i32>} : memref<8x128xf32, #tpu.memory_space<vmem>>, vector<1x16xf32>,
    %swap3A_28 = vector.shape_cast %swap3A_27 : vector<1x16xf32> to vector<16xf32>
    %swap3A_29 = vector.shape_cast %broadcast_in_dim3A_23 : vector<16xf32> to vector<1x16xf32>
    tpu.vector_store %arg23[%swap3A_25, %swap3A_26], %swap3A_29 {strides = array<i32>} : memref<8x128xf32, #tpu.memory_space<vmem>>, vector<1x16xf32>,
    %broadcast_in_dim3A_30 = arith.constant 0.000000e+00 : f32
    %broadcast_in_dim3A_31 = vector.broadcast %broadcast_in_dim3A_30 : f32 to vector<16xf32>
    %swap3A_32 = arith.constant 0 : i32
    %swap3A_33 = arith.index_cast %swap3A_32 : i32 to index
    %swap3A_34 = arith.constant 64 : index
    %swap3A_35 = tpu.vector_load %arg23[%swap3A_33, %swap3A_34] {strides = array<i32>} : memref<8x128xf32, #tpu.memory_space<vmem>>, vector<1x16xf32>,
    %swap3A_36 = vector.shape_cast %swap3A_35 : vector<1x16xf32> to vector<16xf32>
    %swap3A_37 = vector.shape_cast %broadcast_in_dim3A_31 : vector<16xf32> to vector<1x16xf32>
    tpu.vector_store %arg23[%swap3A_33, %swap3A_34], %swap3A_37 {strides = array<i32>} : memref<8x128xf32, #tpu.memory_space<vmem>>, vector<1x16xf32>,
    %broadcast_in_dim3A_38 = arith.constant 0.000000e+00 : f32
    %broadcast_in_dim3A_39 = vector.broadcast %broadcast_in_dim3A_38 : f32 to vector<16xf32>
    %swap3A_40 = arith.constant 0 : i32
    %swap3A_41 = arith.index_cast %swap3A_40 : i32 to index
    %swap3A_42 = arith.constant 80 : index
    %swap3A_43 = tpu.vector_load %arg23[%swap3A_41, %swap3A_42] {strides = array<i32>} : memref<8x128xf32, #tpu.memory_space<vmem>>, vector<1x16xf32>,
    %swap3A_44 = vector.shape_cast %swap3A_43 : vector<1x16xf32> to vector<16xf32>
    %swap3A_45 = vector.shape_cast %broadcast_in_dim3A_39 : vector<16xf32> to vector<1x16xf32>
    tpu.vector_store %arg23[%swap3A_41, %swap3A_42], %swap3A_45 {strides = array<i32>} : memref<8x128xf32, #tpu.memory_space<vmem>>, vector<1x16xf32>,
    %broadcast_in_dim3A_46 = arith.constant 0.000000e+00 : f32
    %broadcast_in_dim3A_47 = vector.broadcast %broadcast_in_dim3A_46 : f32 to vector<16xf32>
    %swap3A_48 = arith.constant 0 : i32
    %swap3A_49 = arith.index_cast %swap3A_48 : i32 to index
    %swap3A_50 = arith.constant 96 : index
    %swap3A_51 = tpu.vector_load %arg23[%swap3A_49, %swap3A_50] {strides = array<i32>} : memref<8x128xf32, #tpu.memory_space<vmem>>, vector<1x16xf32>,
    %swap3A_52 = vector.shape_cast %swap3A_51 : vector<1x16xf32> to vector<16xf32>
    %swap3A_53 = vector.shape_cast %broadcast_in_dim3A_47 : vector<16xf32> to vector<1x16xf32>
    tpu.vector_store %arg23[%swap3A_49, %swap3A_50], %swap3A_53 {strides = array<i32>} : memref<8x128xf32, #tpu.memory_space<vmem>>, vector<1x16xf32>,
    %broadcast_in_dim3A_54 = arith.constant 0.000000e+00 : f32
    %broadcast_in_dim3A_55 = vector.broadcast %broadcast_in_dim3A_54 : f32 to vector<16xf32>
    %swap3A_56 = arith.constant 0 : i32
    %swap3A_57 = arith.index_cast %swap3A_56 : i32 to index
    %swap3A_58 = arith.constant 112 : index
    %swap3A_59 = tpu.vector_load %arg23[%swap3A_57, %swap3A_58] {strides = array<i32>} : memref<8x128xf32, #tpu.memory_space<vmem>>, vector<1x16xf32>,
    %swap3A_60 = vector.shape_cast %swap3A_59 : vector<1x16xf32> to vector<16xf32>
    %swap3A_61 = vector.shape_cast %broadcast_in_dim3A_55 : vector<16xf32> to vector<1x16xf32>
    tpu.vector_store %arg23[%swap3A_57, %swap3A_58], %swap3A_61 {strides = array<i32>} : memref<8x128xf32, #tpu.memory_space<vmem>>, vector<1x16xf32>,
    %broadcast_in_dim3A_62 = arith.constant 0.000000e+00 : f32
    %broadcast_in_dim3A_63 = vector.broadcast %broadcast_in_dim3A_62 : f32 to vector<16xf32>
    %swap3A_64 = arith.constant 1 : i32
    %swap3A_65 = arith.index_cast %swap3A_64 : i32 to index
    %swap3A_66 = arith.constant 0 : index
    %swap3A_67 = tpu.vector_load %arg23[%swap3A_65, %swap3A_66] {strides = array<i32>} : memref<8x128xf32, #tpu.memory_space<vmem>>, vector<1x16xf32>,
    %swap3A_68 = vector.shape_cast %swap3A_67 : vector<1x16xf32> to vector<16xf32>
    %swap3A_69 = vector.shape_cast %broadcast_in_dim3A_63 : vector<16xf32> to vector<1x16xf32>
    tpu.vector_store %arg23[%swap3A_65, %swap3A_66], %swap3A_69 {strides = array<i32>} : memref<8x128xf32, #tpu.memory_space<vmem>>, vector<1x16xf32>,
    %broadcast_in_dim3A_70 = arith.constant 0.000000e+00 : f32
    %broadcast_in_dim3A_71 = vector.broadcast %broadcast_in_dim3A_70 : f32 to vector<16xf32>
    %swap3A_72 = arith.constant 1 : i32
    %swap3A_73 = arith.index_cast %swap3A_72 : i32 to index
    %swap3A_74 = arith.constant 16 : index
    %swap3A_75 = tpu.vector_load %arg23[%swap3A_73, %swap3A_74] {strides = array<i32>} : memref<8x128xf32, #tpu.memory_space<vmem>>, vector<1x16xf32>,
    %swap3A_76 = vector.shape_cast %swap3A_75 : vector<1x16xf32> to vector<16xf32>
    %swap3A_77 = vector.shape_cast %broadcast_in_dim3A_71 : vector<16xf32> to vector<1x16xf32>
    tpu.vector_store %arg23[%swap3A_73, %swap3A_74], %swap3A_77 {strides = array<i32>} : memref<8x128xf32, #tpu.memory_space<vmem>>, vector<1x16xf32>,
    %broadcast_in_dim3A_78 = arith.constant 0.000000e+00 : f32
    %broadcast_in_dim3A_79 = vector.broadcast %broadcast_in_dim3A_78 : f32 to vector<16xf32>
    %swap3A_80 = arith.constant 1 : i32
    %swap3A_81 = arith.index_cast %swap3A_80 : i32 to index
    %swap3A_82 = arith.constant 32 : index
    %swap3A_83 = tpu.vector_load %arg23[%swap3A_81, %swap3A_82] {strides = array<i32>} : memref<8x128xf32, #tpu.memory_space<vmem>>, vector<1x16xf32>,
    %swap3A_84 = vector.shape_cast %swap3A_83 : vector<1x16xf32> to vector<16xf32>
    %swap3A_85 = vector.shape_cast %broadcast_in_dim3A_79 : vector<16xf32> to vector<1x16xf32>
    tpu.vector_store %arg23[%swap3A_81, %swap3A_82], %swap3A_85 {strides = array<i32>} : memref<8x128xf32, #tpu.memory_space<vmem>>, vector<1x16xf32>,
    %broadcast_in_dim3A_86 = arith.constant 0.000000e+00 : f32
    %broadcast_in_dim3A_87 = vector.broadcast %broadcast_in_dim3A_86 : f32 to vector<16xf32>
    %swap3A_88 = arith.constant 1 : i32
    %swap3A_89 = arith.index_cast %swap3A_88 : i32 to index
    %swap3A_90 = arith.constant 48 : index
    %swap3A_91 = tpu.vector_load %arg23[%swap3A_89, %swap3A_90] {strides = array<i32>} : memref<8x128xf32, #tpu.memory_space<vmem>>, vector<1x16xf32>,
    %swap3A_92 = vector.shape_cast %swap3A_91 : vector<1x16xf32> to vector<16xf32>
    %swap3A_93 = vector.shape_cast %broadcast_in_dim3A_87 : vector<16xf32> to vector<1x16xf32>
    tpu.vector_store %arg23[%swap3A_89, %swap3A_90], %swap3A_93 {strides = array<i32>} : memref<8x128xf32, #tpu.memory_space<vmem>>, vector<1x16xf32>,
    %broadcast_in_dim3A_94 = arith.constant 0.000000e+00 : f32
    %broadcast_in_dim3A_95 = vector.broadcast %broadcast_in_dim3A_94 : f32 to vector<16xf32>
    %swap3A_96 = arith.constant 1 : i32
    %swap3A_97 = arith.index_cast %swap3A_96 : i32 to index
    %swap3A_98 = arith.constant 64 : index
    %swap3A_99 = tpu.vector_load %arg23[%swap3A_97, %swap3A_98] {strides = array<i32>} : memref<8x128xf32, #tpu.memory_space<vmem>>, vector<1x16xf32>,
    %swap3A_100 = vector.shape_cast %swap3A_99 : vector<1x16xf32> to vector<16xf32>
    %swap3A_101 = vector.shape_cast %broadcast_in_dim3A_95 : vector<16xf32> to vector<1x16xf32>
    tpu.vector_store %arg23[%swap3A_97, %swap3A_98], %swap3A_101 {strides = array<i32>} : memref<8x128xf32, #tpu.memory_space<vmem>>, vector<1x16xf32>,
    %broadcast_in_dim3A_102 = arith.constant 0.000000e+00 : f32
    %broadcast_in_dim3A_103 = vector.broadcast %broadcast_in_dim3A_102 : f32 to vector<16xf32>
    %swap3A_104 = arith.constant 1 : i32
    %swap3A_105 = arith.index_cast %swap3A_104 : i32 to index
    %swap3A_106 = arith.constant 80 : index
    %swap3A_107 = tpu.vector_load %arg23[%swap3A_105, %swap3A_106] {strides = array<i32>} : memref<8x128xf32, #tpu.memory_space<vmem>>, vector<1x16xf32>,
    %swap3A_108 = vector.shape_cast %swap3A_107 : vector<1x16xf32> to vector<16xf32>
    %swap3A_109 = vector.shape_cast %broadcast_in_dim3A_103 : vector<16xf32> to vector<1x16xf32>
    tpu.vector_store %arg23[%swap3A_105, %swap3A_106], %swap3A_109 {strides = array<i32>} : memref<8x128xf32, #tpu.memory_space<vmem>>, vector<1x16xf32>,
    %broadcast_in_dim3A_110 = arith.constant 0.000000e+00 : f32
    %broadcast_in_dim3A_111 = vector.broadcast %broadcast_in_dim3A_110 : f32 to vector<16xf32>
    %swap3A_112 = arith.constant 1 : i32
    %swap3A_113 = arith.index_cast %swap3A_112 : i32 to index
    %swap3A_114 = arith.constant 96 : index
    %swap3A_115 = tpu.vector_load %arg23[%swap3A_113, %swap3A_114] {strides = array<i32>} : memref<8x128xf32, #tpu.memory_space<vmem>>, vector<1x16xf32>,
    %swap3A_116 = vector.shape_cast %swap3A_115 : vector<1x16xf32> to vector<16xf32>
    %swap3A_117 = vector.shape_cast %broadcast_in_dim3A_111 : vector<16xf32> to vector<1x16xf32>
    tpu.vector_store %arg23[%swap3A_113, %swap3A_114], %swap3A_117 {strides = array<i32>} : memref<8x128xf32, #tpu.memory_space<vmem>>, vector<1x16xf32>,
    %broadcast_in_dim3A_118 = arith.constant 0.000000e+00 : f32
    %broadcast_in_dim3A_119 = vector.broadcast %broadcast_in_dim3A_118 : f32 to vector<16xf32>
    %swap3A_120 = arith.constant 1 : i32
    %swap3A_121 = arith.index_cast %swap3A_120 : i32 to index
    %swap3A_122 = arith.constant 112 : index
    %swap3A_123 = tpu.vector_load %arg23[%swap3A_121, %swap3A_122] {strides = array<i32>} : memref<8x128xf32, #tpu.memory_space<vmem>>, vector<1x16xf32>,
    %swap3A_124 = vector.shape_cast %swap3A_123 : vector<1x16xf32> to vector<16xf32>
    %swap3A_125 = vector.shape_cast %broadcast_in_dim3A_119 : vector<16xf32> to vector<1x16xf32>
    tpu.vector_store %arg23[%swap3A_121, %swap3A_122], %swap3A_125 {strides = array<i32>} : memref<8x128xf32, #tpu.memory_space<vmem>>, vector<1x16xf32>,
    %broadcast_in_dim3A_126 = arith.constant 0.000000e+00 : f32
    %broadcast_in_dim3A_127 = vector.broadcast %broadcast_in_dim3A_126 : f32 to vector<16xf32>
    %swap3A_128 = arith.constant 2 : i32
    %swap3A_129 = arith.index_cast %swap3A_128 : i32 to index
    %swap3A_130 = arith.constant 0 : index
    %swap3A_131 = tpu.vector_load %arg23[%swap3A_129, %swap3A_130] {strides = array<i32>} : memref<8x128xf32, #tpu.memory_space<vmem>>, vector<1x16xf32>,
    %swap3A_132 = vector.shape_cast %swap3A_131 : vector<1x16xf32> to vector<16xf32>
    %swap3A_133 = vector.shape_cast %broadcast_in_dim3A_127 : vector<16xf32> to vector<1x16xf32>
    tpu.vector_store %arg23[%swap3A_129, %swap3A_130], %swap3A_133 {strides = array<i32>} : memref<8x128xf32, #tpu.memory_space<vmem>>, vector<1x16xf32>,
    %broadcast_in_dim3A_134 = arith.constant 0.000000e+00 : f32
    %broadcast_in_dim3A_135 = vector.broadcast %broadcast_in_dim3A_134 : f32 to vector<16xf32>
    %swap3A_136 = arith.constant 2 : i32
    %swap3A_137 = arith.index_cast %swap3A_136 : i32 to index
    %swap3A_138 = arith.constant 16 : index
    %swap3A_139 = tpu.vector_load %arg23[%swap3A_137, %swap3A_138] {strides = array<i32>} : memref<8x128xf32, #tpu.memory_space<vmem>>, vector<1x16xf32>,
    %swap3A_140 = vector.shape_cast %swap3A_139 : vector<1x16xf32> to vector<16xf32>
    %swap3A_141 = vector.shape_cast %broadcast_in_dim3A_135 : vector<16xf32> to vector<1x16xf32>
    tpu.vector_store %arg23[%swap3A_137, %swap3A_138], %swap3A_141 {strides = array<i32>} : memref<8x128xf32, #tpu.memory_space<vmem>>, vector<1x16xf32>,
    %broadcast_in_dim3A_142 = arith.constant 0.000000e+00 : f32
    %broadcast_in_dim3A_143 = vector.broadcast %broadcast_in_dim3A_142 : f32 to vector<16xf32>
    %swap3A_144 = arith.constant 2 : i32
    %swap3A_145 = arith.index_cast %swap3A_144 : i32 to index
    %swap3A_146 = arith.constant 32 : index
    %swap3A_147 = tpu.vector_load %arg23[%swap3A_145, %swap3A_146] {strides = array<i32>} : memref<8x128xf32, #tpu.memory_space<vmem>>, vector<1x16xf32>,
    %swap3A_148 = vector.shape_cast %swap3A_147 : vector<1x16xf32> to vector<16xf32>
    %swap3A_149 = vector.shape_cast %broadcast_in_dim3A_143 : vector<16xf32> to vector<1x16xf32>
    tpu.vector_store %arg23[%swap3A_145, %swap3A_146], %swap3A_149 {strides = array<i32>} : memref<8x128xf32, #tpu.memory_space<vmem>>, vector<1x16xf32>,
    %broadcast_in_dim3A_150 = arith.constant 0.000000e+00 : f32
    %broadcast_in_dim3A_151 = vector.broadcast %broadcast_in_dim3A_150 : f32 to vector<16xf32>
    %swap3A_152 = arith.constant 2 : i32
    %swap3A_153 = arith.index_cast %swap3A_152 : i32 to index
    %swap3A_154 = arith.constant 48 : index
    %swap3A_155 = tpu.vector_load %arg23[%swap3A_153, %swap3A_154] {strides = array<i32>} : memref<8x128xf32, #tpu.memory_space<vmem>>, vector<1x16xf32>,
    %swap3A_156 = vector.shape_cast %swap3A_155 : vector<1x16xf32> to vector<16xf32>
    %swap3A_157 = vector.shape_cast %broadcast_in_dim3A_151 : vector<16xf32> to vector<1x16xf32>
    tpu.vector_store %arg23[%swap3A_153, %swap3A_154], %swap3A_157 {strides = array<i32>} : memref<8x128xf32, #tpu.memory_space<vmem>>, vector<1x16xf32>,
    %broadcast_in_dim3A_158 = arith.constant 0.000000e+00 : f32
    %broadcast_in_dim3A_159 = vector.broadcast %broadcast_in_dim3A_158 : f32 to vector<16xf32>
    %swap3A_160 = arith.constant 2 : i32
    %swap3A_161 = arith.index_cast %swap3A_160 : i32 to index
    %swap3A_162 = arith.constant 64 : index
    %swap3A_163 = tpu.vector_load %arg23[%swap3A_161, %swap3A_162] {strides = array<i32>} : memref<8x128xf32, #tpu.memory_space<vmem>>, vector<1x16xf32>,
    %swap3A_164 = vector.shape_cast %swap3A_163 : vector<1x16xf32> to vector<16xf32>
    %swap3A_165 = vector.shape_cast %broadcast_in_dim3A_159 : vector<16xf32> to vector<1x16xf32>
    tpu.vector_store %arg23[%swap3A_161, %swap3A_162], %swap3A_165 {strides = array<i32>} : memref<8x128xf32, #tpu.memory_space<vmem>>, vector<1x16xf32>,
    %broadcast_in_dim3A_166 = arith.constant 0.000000e+00 : f32
    %broadcast_in_dim3A_167 = vector.broadcast %broadcast_in_dim3A_166 : f32 to vector<16xf32>
    %swap3A_168 = arith.constant 2 : i32
    %swap3A_169 = arith.index_cast %swap3A_168 : i32 to index
    %swap3A_170 = arith.constant 80 : index
    %swap3A_171 = tpu.vector_load %arg23[%swap3A_169, %swap3A_170] {strides = array<i32>} : memref<8x128xf32, #tpu.memory_space<vmem>>, vector<1x16xf32>,
    %swap3A_172 = vector.shape_cast %swap3A_171 : vector<1x16xf32> to vector<16xf32>
    %swap3A_173 = vector.shape_cast %broadcast_in_dim3A_167 : vector<16xf32> to vector<1x16xf32>
    tpu.vector_store %arg23[%swap3A_169, %swap3A_170], %swap3A_173 {strides = array<i32>} : memref<8x128xf32, #tpu.memory_space<vmem>>, vector<1x16xf32>,
    %broadcast_in_dim3A_174 = arith.constant 0.000000e+00 : f32
    %broadcast_in_dim3A_175 = vector.broadcast %broadcast_in_dim3A_174 : f32 to vector<16xf32>
    %swap3A_176 = arith.constant 2 : i32
    %swap3A_177 = arith.index_cast %swap3A_176 : i32 to index
    %swap3A_178 = arith.constant 96 : index
    %swap3A_179 = tpu.vector_load %arg23[%swap3A_177, %swap3A_178] {strides = array<i32>} : memref<8x128xf32, #tpu.memory_space<vmem>>, vector<1x16xf32>,
    %swap3A_180 = vector.shape_cast %swap3A_179 : vector<1x16xf32> to vector<16xf32>
    %swap3A_181 = vector.shape_cast %broadcast_in_dim3A_175 : vector<16xf32> to vector<1x16xf32>
    tpu.vector_store %arg23[%swap3A_177, %swap3A_178], %swap3A_181 {strides = array<i32>} : memref<8x128xf32, #tpu.memory_space<vmem>>, vector<1x16xf32>,
    %broadcast_in_dim3A_182 = arith.constant 0.000000e+00 : f32
    %broadcast_in_dim3A_183 = vector.broadcast %broadcast_in_dim3A_182 : f32 to vector<16xf32>
    %swap3A_184 = arith.constant 2 : i32
    %swap3A_185 = arith.index_cast %swap3A_184 : i32 to index
    %swap3A_186 = arith.constant 112 : index
    %swap3A_187 = tpu.vector_load %arg23[%swap3A_185, %swap3A_186] {strides = array<i32>} : memref<8x128xf32, #tpu.memory_space<vmem>>, vector<1x16xf32>,
    %swap3A_188 = vector.shape_cast %swap3A_187 : vector<1x16xf32> to vector<16xf32>
    %swap3A_189 = vector.shape_cast %broadcast_in_dim3A_183 : vector<16xf32> to vector<1x16xf32>
    tpu.vector_store %arg23[%swap3A_185, %swap3A_186], %swap3A_189 {strides = array<i32>} : memref<8x128xf32, #tpu.memory_space<vmem>>, vector<1x16xf32>,
    %broadcast_in_dim3A_190 = arith.constant 0.000000e+00 : f32
    %broadcast_in_dim3A_191 = vector.broadcast %broadcast_in_dim3A_190 : f32 to vector<16xf32>
    %swap3A_192 = arith.constant 3 : i32
    %swap3A_193 = arith.index_cast %swap3A_192 : i32 to index
    %swap3A_194 = arith.constant 0 : index
    %swap3A_195 = tpu.vector_load %arg23[%swap3A_193, %swap3A_194] {strides = array<i32>} : memref<8x128xf32, #tpu.memory_space<vmem>>, vector<1x16xf32>,
    %swap3A_196 = vector.shape_cast %swap3A_195 : vector<1x16xf32> to vector<16xf32>
    %swap3A_197 = vector.shape_cast %broadcast_in_dim3A_191 : vector<16xf32> to vector<1x16xf32>
    tpu.vector_store %arg23[%swap3A_193, %swap3A_194], %swap3A_197 {strides = array<i32>} : memref<8x128xf32, #tpu.memory_space<vmem>>, vector<1x16xf32>,
    %broadcast_in_dim3A_198 = arith.constant 0.000000e+00 : f32
    %broadcast_in_dim3A_199 = vector.broadcast %broadcast_in_dim3A_198 : f32 to vector<16xf32>
    %swap3A_200 = arith.constant 3 : i32
    %swap3A_201 = arith.index_cast %swap3A_200 : i32 to index
    %swap3A_202 = arith.constant 16 : index
    %swap3A_203 = tpu.vector_load %arg23[%swap3A_201, %swap3A_202] {strides = array<i32>} : memref<8x128xf32, #tpu.memory_space<vmem>>, vector<1x16xf32>,
    %swap3A_204 = vector.shape_cast %swap3A_203 : vector<1x16xf32> to vector<16xf32>
    %swap3A_205 = vector.shape_cast %broadcast_in_dim3A_199 : vector<16xf32> to vector<1x16xf32>
    tpu.vector_store %arg23[%swap3A_201, %swap3A_202], %swap3A_205 {strides = array<i32>} : memref<8x128xf32, #tpu.memory_space<vmem>>, vector<1x16xf32>,
    %broadcast_in_dim3A_206 = arith.constant 0.000000e+00 : f32
    %broadcast_in_dim3A_207 = vector.broadcast %broadcast_in_dim3A_206 : f32 to vector<16xf32>
    %swap3A_208 = arith.constant 3 : i32
    %swap3A_209 = arith.index_cast %swap3A_208 : i32 to index
    %swap3A_210 = arith.constant 32 : index
    %swap3A_211 = tpu.vector_load %arg23[%swap3A_209, %swap3A_210] {strides = array<i32>} : memref<8x128xf32, #tpu.memory_space<vmem>>, vector<1x16xf32>,
    %swap3A_212 = vector.shape_cast %swap3A_211 : vector<1x16xf32> to vector<16xf32>
    %swap3A_213 = vector.shape_cast %broadcast_in_dim3A_207 : vector<16xf32> to vector<1x16xf32>
    tpu.vector_store %arg23[%swap3A_209, %swap3A_210], %swap3A_213 {strides = array<i32>} : memref<8x128xf32, #tpu.memory_space<vmem>>, vector<1x16xf32>,
    %broadcast_in_dim3A_214 = arith.constant 0.000000e+00 : f32
    %broadcast_in_dim3A_215 = vector.broadcast %broadcast_in_dim3A_214 : f32 to vector<16xf32>
    %swap3A_216 = arith.constant 3 : i32
    %swap3A_217 = arith.index_cast %swap3A_216 : i32 to index
    %swap3A_218 = arith.constant 48 : index
    %swap3A_219 = tpu.vector_load %arg23[%swap3A_217, %swap3A_218] {strides = array<i32>} : memref<8x128xf32, #tpu.memory_space<vmem>>, vector<1x16xf32>,
    %swap3A_220 = vector.shape_cast %swap3A_219 : vector<1x16xf32> to vector<16xf32>
    %swap3A_221 = vector.shape_cast %broadcast_in_dim3A_215 : vector<16xf32> to vector<1x16xf32>
    tpu.vector_store %arg23[%swap3A_217, %swap3A_218], %swap3A_221 {strides = array<i32>} : memref<8x128xf32, #tpu.memory_space<vmem>>, vector<1x16xf32>,
    %broadcast_in_dim3A_222 = arith.constant 0.000000e+00 : f32
    %broadcast_in_dim3A_223 = vector.broadcast %broadcast_in_dim3A_222 : f32 to vector<16xf32>
    %swap3A_224 = arith.constant 3 : i32
    %swap3A_225 = arith.index_cast %swap3A_224 : i32 to index
    %swap3A_226 = arith.constant 64 : index
    %swap3A_227 = tpu.vector_load %arg23[%swap3A_225, %swap3A_226] {strides = array<i32>} : memref<8x128xf32, #tpu.memory_space<vmem>>, vector<1x16xf32>,
    %swap3A_228 = vector.shape_cast %swap3A_227 : vector<1x16xf32> to vector<16xf32>
    %swap3A_229 = vector.shape_cast %broadcast_in_dim3A_223 : vector<16xf32> to vector<1x16xf32>
    tpu.vector_store %arg23[%swap3A_225, %swap3A_226], %swap3A_229 {strides = array<i32>} : memref<8x128xf32, #tpu.memory_space<vmem>>, vector<1x16xf32>,
    %broadcast_in_dim3A_230 = arith.constant 0.000000e+00 : f32
    %broadcast_in_dim3A_231 = vector.broadcast %broadcast_in_dim3A_230 : f32 to vector<16xf32>
    %swap3A_232 = arith.constant 3 : i32
    %swap3A_233 = arith.index_cast %swap3A_232 : i32 to index
    %swap3A_234 = arith.constant 80 : index
    %swap3A_235 = tpu.vector_load %arg23[%swap3A_233, %swap3A_234] {strides = array<i32>} : memref<8x128xf32, #tpu.memory_space<vmem>>, vector<1x16xf32>,
    %swap3A_236 = vector.shape_cast %swap3A_235 : vector<1x16xf32> to vector<16xf32>
    %swap3A_237 = vector.shape_cast %broadcast_in_dim3A_231 : vector<16xf32> to vector<1x16xf32>
    tpu.vector_store %arg23[%swap3A_233, %swap3A_234], %swap3A_237 {strides = array<i32>} : memref<8x128xf32, #tpu.memory_space<vmem>>, vector<1x16xf32>,
    %broadcast_in_dim3A_238 = arith.constant 0.000000e+00 : f32
    %broadcast_in_dim3A_239 = vector.broadcast %broadcast_in_dim3A_238 : f32 to vector<16xf32>
    %swap3A_240 = arith.constant 3 : i32
    %swap3A_241 = arith.index_cast %swap3A_240 : i32 to index
    %swap3A_242 = arith.constant 96 : index
    %swap3A_243 = tpu.vector_load %arg23[%swap3A_241, %swap3A_242] {strides = array<i32>} : memref<8x128xf32, #tpu.memory_space<vmem>>, vector<1x16xf32>,
    %swap3A_244 = vector.shape_cast %swap3A_243 : vector<1x16xf32> to vector<16xf32>
    %swap3A_245 = vector.shape_cast %broadcast_in_dim3A_239 : vector<16xf32> to vector<1x16xf32>
    tpu.vector_store %arg23[%swap3A_241, %swap3A_242], %swap3A_245 {strides = array<i32>} : memref<8x128xf32, #tpu.memory_space<vmem>>, vector<1x16xf32>,
    %broadcast_in_dim3A_246 = arith.constant 0.000000e+00 : f32
    %broadcast_in_dim3A_247 = vector.broadcast %broadcast_in_dim3A_246 : f32 to vector<16xf32>
    %swap3A_248 = arith.constant 3 : i32
    %swap3A_249 = arith.index_cast %swap3A_248 : i32 to index
    %swap3A_250 = arith.constant 112 : index
    %swap3A_251 = tpu.vector_load %arg23[%swap3A_249, %swap3A_250] {strides = array<i32>} : memref<8x128xf32, #tpu.memory_space<vmem>>, vector<1x16xf32>,
    %swap3A_252 = vector.shape_cast %swap3A_251 : vector<1x16xf32> to vector<16xf32>
    %swap3A_253 = vector.shape_cast %broadcast_in_dim3A_247 : vector<16xf32> to vector<1x16xf32>
    tpu.vector_store %arg23[%swap3A_249, %swap3A_250], %swap3A_253 {strides = array<i32>} : memref<8x128xf32, #tpu.memory_space<vmem>>, vector<1x16xf32>,
    %broadcast_in_dim3A_254 = arith.constant 0.000000e+00 : f32
    %broadcast_in_dim3A_255 = vector.broadcast %broadcast_in_dim3A_254 : f32 to vector<16xf32>
    %swap3A_256 = arith.constant 4 : i32
    %swap3A_257 = arith.index_cast %swap3A_256 : i32 to index
    %swap3A_258 = arith.constant 0 : index
    %swap3A_259 = tpu.vector_load %arg23[%swap3A_257, %swap3A_258] {strides = array<i32>} : memref<8x128xf32, #tpu.memory_space<vmem>>, vector<1x16xf32>,
    %swap3A_260 = vector.shape_cast %swap3A_259 : vector<1x16xf32> to vector<16xf32>
    %swap3A_261 = vector.shape_cast %broadcast_in_dim3A_255 : vector<16xf32> to vector<1x16xf32>
    tpu.vector_store %arg23[%swap3A_257, %swap3A_258], %swap3A_261 {strides = array<i32>} : memref<8x128xf32, #tpu.memory_space<vmem>>, vector<1x16xf32>,
    %broadcast_in_dim3A_262 = arith.constant 0.000000e+00 : f32
    %broadcast_in_dim3A_263 = vector.broadcast %broadcast_in_dim3A_262 : f32 to vector<16xf32>
    %swap3A_264 = arith.constant 4 : i32
    %swap3A_265 = arith.index_cast %swap3A_264 : i32 to index
    %swap3A_266 = arith.constant 16 : index
    %swap3A_267 = tpu.vector_load %arg23[%swap3A_265, %swap3A_266] {strides = array<i32>} : memref<8x128xf32, #tpu.memory_space<vmem>>, vector<1x16xf32>,
    %swap3A_268 = vector.shape_cast %swap3A_267 : vector<1x16xf32> to vector<16xf32>
    %swap3A_269 = vector.shape_cast %broadcast_in_dim3A_263 : vector<16xf32> to vector<1x16xf32>
    tpu.vector_store %arg23[%swap3A_265, %swap3A_266], %swap3A_269 {strides = array<i32>} : memref<8x128xf32, #tpu.memory_space<vmem>>, vector<1x16xf32>,
    %broadcast_in_dim3A_270 = arith.constant 0.000000e+00 : f32
    %broadcast_in_dim3A_271 = vector.broadcast %broadcast_in_dim3A_270 : f32 to vector<16xf32>
    %swap3A_272 = arith.constant 4 : i32
    %swap3A_273 = arith.index_cast %swap3A_272 : i32 to index
    %swap3A_274 = arith.constant 32 : index
    %swap3A_275 = tpu.vector_load %arg23[%swap3A_273, %swap3A_274] {strides = array<i32>} : memref<8x128xf32, #tpu.memory_space<vmem>>, vector<1x16xf32>,
    %swap3A_276 = vector.shape_cast %swap3A_275 : vector<1x16xf32> to vector<16xf32>
    %swap3A_277 = vector.shape_cast %broadcast_in_dim3A_271 : vector<16xf32> to vector<1x16xf32>
    tpu.vector_store %arg23[%swap3A_273, %swap3A_274], %swap3A_277 {strides = array<i32>} : memref<8x128xf32, #tpu.memory_space<vmem>>, vector<1x16xf32>,
    %broadcast_in_dim3A_278 = arith.constant 0.000000e+00 : f32
    %broadcast_in_dim3A_279 = vector.broadcast %broadcast_in_dim3A_278 : f32 to vector<16xf32>
    %swap3A_280 = arith.constant 4 : i32
    %swap3A_281 = arith.index_cast %swap3A_280 : i32 to index
    %swap3A_282 = arith.constant 48 : index
    %swap3A_283 = tpu.vector_load %arg23[%swap3A_281, %swap3A_282] {strides = array<i32>} : memref<8x128xf32, #tpu.memory_space<vmem>>, vector<1x16xf32>,
    %swap3A_284 = vector.shape_cast %swap3A_283 : vector<1x16xf32> to vector<16xf32>
    %swap3A_285 = vector.shape_cast %broadcast_in_dim3A_279 : vector<16xf32> to vector<1x16xf32>
    tpu.vector_store %arg23[%swap3A_281, %swap3A_282], %swap3A_285 {strides = array<i32>} : memref<8x128xf32, #tpu.memory_space<vmem>>, vector<1x16xf32>,
    %broadcast_in_dim3A_286 = arith.constant 0.000000e+00 : f32
    %broadcast_in_dim3A_287 = vector.broadcast %broadcast_in_dim3A_286 : f32 to vector<16xf32>
    %swap3A_288 = arith.constant 4 : i32
    %swap3A_289 = arith.index_cast %swap3A_288 : i32 to index
    %swap3A_290 = arith.constant 64 : index
    %swap3A_291 = tpu.vector_load %arg23[%swap3A_289, %swap3A_290] {strides = array<i32>} : memref<8x128xf32, #tpu.memory_space<vmem>>, vector<1x16xf32>,
    %swap3A_292 = vector.shape_cast %swap3A_291 : vector<1x16xf32> to vector<16xf32>
    %swap3A_293 = vector.shape_cast %broadcast_in_dim3A_287 : vector<16xf32> to vector<1x16xf32>
    tpu.vector_store %arg23[%swap3A_289, %swap3A_290], %swap3A_293 {strides = array<i32>} : memref<8x128xf32, #tpu.memory_space<vmem>>, vector<1x16xf32>,
    %broadcast_in_dim3A_294 = arith.constant 0.000000e+00 : f32
    %broadcast_in_dim3A_295 = vector.broadcast %broadcast_in_dim3A_294 : f32 to vector<16xf32>
    %swap3A_296 = arith.constant 4 : i32
    %swap3A_297 = arith.index_cast %swap3A_296 : i32 to index
    %swap3A_298 = arith.constant 80 : index
    %swap3A_299 = tpu.vector_load %arg23[%swap3A_297, %swap3A_298] {strides = array<i32>} : memref<8x128xf32, #tpu.memory_space<vmem>>, vector<1x16xf32>,
    %swap3A_300 = vector.shape_cast %swap3A_299 : vector<1x16xf32> to vector<16xf32>
    %swap3A_301 = vector.shape_cast %broadcast_in_dim3A_295 : vector<16xf32> to vector<1x16xf32>
    tpu.vector_store %arg23[%swap3A_297, %swap3A_298], %swap3A_301 {strides = array<i32>} : memref<8x128xf32, #tpu.memory_space<vmem>>, vector<1x16xf32>,
    %broadcast_in_dim3A_302 = arith.constant 0.000000e+00 : f32
    %broadcast_in_dim3A_303 = vector.broadcast %broadcast_in_dim3A_302 : f32 to vector<16xf32>
    %swap3A_304 = arith.constant 4 : i32
    %swap3A_305 = arith.index_cast %swap3A_304 : i32 to index
    %swap3A_306 = arith.constant 96 : index
    %swap3A_307 = tpu.vector_load %arg23[%swap3A_305, %swap3A_306] {strides = array<i32>} : memref<8x128xf32, #tpu.memory_space<vmem>>, vector<1x16xf32>,
    %swap3A_308 = vector.shape_cast %swap3A_307 : vector<1x16xf32> to vector<16xf32>
    %swap3A_309 = vector.shape_cast %broadcast_in_dim3A_303 : vector<16xf32> to vector<1x16xf32>
    tpu.vector_store %arg23[%swap3A_305, %swap3A_306], %swap3A_309 {strides = array<i32>} : memref<8x128xf32, #tpu.memory_space<vmem>>, vector<1x16xf32>,
    %broadcast_in_dim3A_310 = arith.constant 0.000000e+00 : f32
    %broadcast_in_dim3A_311 = vector.broadcast %broadcast_in_dim3A_310 : f32 to vector<16xf32>
    %swap3A_312 = arith.constant 4 : i32
    %swap3A_313 = arith.index_cast %swap3A_312 : i32 to index
    %swap3A_314 = arith.constant 112 : index
    %swap3A_315 = tpu.vector_load %arg23[%swap3A_313, %swap3A_314] {strides = array<i32>} : memref<8x128xf32, #tpu.memory_space<vmem>>, vector<1x16xf32>,
    %swap3A_316 = vector.shape_cast %swap3A_315 : vector<1x16xf32> to vector<16xf32>
    %swap3A_317 = vector.shape_cast %broadcast_in_dim3A_311 : vector<16xf32> to vector<1x16xf32>
    tpu.vector_store %arg23[%swap3A_313, %swap3A_314], %swap3A_317 {strides = array<i32>} : memref<8x128xf32, #tpu.memory_space<vmem>>, vector<1x16xf32>,
    %broadcast_in_dim3A_318 = arith.constant 0.000000e+00 : f32
    %broadcast_in_dim3A_319 = vector.broadcast %broadcast_in_dim3A_318 : f32 to vector<16xf32>
    %swap3A_320 = arith.constant 5 : i32
    %swap3A_321 = arith.index_cast %swap3A_320 : i32 to index
    %swap3A_322 = arith.constant 0 : index
    %swap3A_323 = tpu.vector_load %arg23[%swap3A_321, %swap3A_322] {strides = array<i32>} : memref<8x128xf32, #tpu.memory_space<vmem>>, vector<1x16xf32>,
    %swap3A_324 = vector.shape_cast %swap3A_323 : vector<1x16xf32> to vector<16xf32>
    %swap3A_325 = vector.shape_cast %broadcast_in_dim3A_319 : vector<16xf32> to vector<1x16xf32>
    tpu.vector_store %arg23[%swap3A_321, %swap3A_322], %swap3A_325 {strides = array<i32>} : memref<8x128xf32, #tpu.memory_space<vmem>>, vector<1x16xf32>,
    %broadcast_in_dim3A_326 = arith.constant 0.000000e+00 : f32
    %broadcast_in_dim3A_327 = vector.broadcast %broadcast_in_dim3A_326 : f32 to vector<16xf32>
    %swap3A_328 = arith.constant 5 : i32
    %swap3A_329 = arith.index_cast %swap3A_328 : i32 to index
    %swap3A_330 = arith.constant 16 : index
    %swap3A_331 = tpu.vector_load %arg23[%swap3A_329, %swap3A_330] {strides = array<i32>} : memref<8x128xf32, #tpu.memory_space<vmem>>, vector<1x16xf32>,
    %swap3A_332 = vector.shape_cast %swap3A_331 : vector<1x16xf32> to vector<16xf32>
    %swap3A_333 = vector.shape_cast %broadcast_in_dim3A_327 : vector<16xf32> to vector<1x16xf32>
    tpu.vector_store %arg23[%swap3A_329, %swap3A_330], %swap3A_333 {strides = array<i32>} : memref<8x128xf32, #tpu.memory_space<vmem>>, vector<1x16xf32>,
    %broadcast_in_dim3A_334 = arith.constant 0.000000e+00 : f32
    %broadcast_in_dim3A_335 = vector.broadcast %broadcast_in_dim3A_334 : f32 to vector<16xf32>
    %swap3A_336 = arith.constant 5 : i32
    %swap3A_337 = arith.index_cast %swap3A_336 : i32 to index
    %swap3A_338 = arith.constant 32 : index
    %swap3A_339 = tpu.vector_load %arg23[%swap3A_337, %swap3A_338] {strides = array<i32>} : memref<8x128xf32, #tpu.memory_space<vmem>>, vector<1x16xf32>,
    %swap3A_340 = vector.shape_cast %swap3A_339 : vector<1x16xf32> to vector<16xf32>
    %swap3A_341 = vector.shape_cast %broadcast_in_dim3A_335 : vector<16xf32> to vector<1x16xf32>
    tpu.vector_store %arg23[%swap3A_337, %swap3A_338], %swap3A_341 {strides = array<i32>} : memref<8x128xf32, #tpu.memory_space<vmem>>, vector<1x16xf32>,
    %broadcast_in_dim3A_342 = arith.constant 0.000000e+00 : f32
    %broadcast_in_dim3A_343 = vector.broadcast %broadcast_in_dim3A_342 : f32 to vector<16xf32>
    %swap3A_344 = arith.constant 5 : i32
    %swap3A_345 = arith.index_cast %swap3A_344 : i32 to index
    %swap3A_346 = arith.constant 48 : index
    %swap3A_347 = tpu.vector_load %arg23[%swap3A_345, %swap3A_346] {strides = array<i32>} : memref<8x128xf32, #tpu.memory_space<vmem>>, vector<1x16xf32>,
    %swap3A_348 = vector.shape_cast %swap3A_347 : vector<1x16xf32> to vector<16xf32>
    %swap3A_349 = vector.shape_cast %broadcast_in_dim3A_343 : vector<16xf32> to vector<1x16xf32>
    tpu.vector_store %arg23[%swap3A_345, %swap3A_346], %swap3A_349 {strides = array<i32>} : memref<8x128xf32, #tpu.memory_space<vmem>>, vector<1x16xf32>,
    %broadcast_in_dim3A_350 = arith.constant 0.000000e+00 : f32
    %broadcast_in_dim3A_351 = vector.broadcast %broadcast_in_dim3A_350 : f32 to vector<16xf32>
    %swap3A_352 = arith.constant 5 : i32
    %swap3A_353 = arith.index_cast %swap3A_352 : i32 to index
    %swap3A_354 = arith.constant 64 : index
    %swap3A_355 = tpu.vector_load %arg23[%swap3A_353, %swap3A_354] {strides = array<i32>} : memref<8x128xf32, #tpu.memory_space<vmem>>, vector<1x16xf32>,
    %swap3A_356 = vector.shape_cast %swap3A_355 : vector<1x16xf32> to vector<16xf32>
    %swap3A_357 = vector.shape_cast %broadcast_in_dim3A_351 : vector<16xf32> to vector<1x16xf32>
    tpu.vector_store %arg23[%swap3A_353, %swap3A_354], %swap3A_357 {strides = array<i32>} : memref<8x128xf32, #tpu.memory_space<vmem>>, vector<1x16xf32>,
    %broadcast_in_dim3A_358 = arith.constant 0.000000e+00 : f32
    %broadcast_in_dim3A_359 = vector.broadcast %broadcast_in_dim3A_358 : f32 to vector<16xf32>
    %swap3A_360 = arith.constant 5 : i32
    %swap3A_361 = arith.index_cast %swap3A_360 : i32 to index
    %swap3A_362 = arith.constant 80 : index
    %swap3A_363 = tpu.vector_load %arg23[%swap3A_361, %swap3A_362] {strides = array<i32>} : memref<8x128xf32, #tpu.memory_space<vmem>>, vector<1x16xf32>,
    %swap3A_364 = vector.shape_cast %swap3A_363 : vector<1x16xf32> to vector<16xf32>
    %swap3A_365 = vector.shape_cast %broadcast_in_dim3A_359 : vector<16xf32> to vector<1x16xf32>
    tpu.vector_store %arg23[%swap3A_361, %swap3A_362], %swap3A_365 {strides = array<i32>} : memref<8x128xf32, #tpu.memory_space<vmem>>, vector<1x16xf32>,
    %broadcast_in_dim3A_366 = arith.constant 0.000000e+00 : f32
    %broadcast_in_dim3A_367 = vector.broadcast %broadcast_in_dim3A_366 : f32 to vector<16xf32>
    %swap3A_368 = arith.constant 5 : i32
    %swap3A_369 = arith.index_cast %swap3A_368 : i32 to index
    %swap3A_370 = arith.constant 96 : index
    %swap3A_371 = tpu.vector_load %arg23[%swap3A_369, %swap3A_370] {strides = array<i32>} : memref<8x128xf32, #tpu.memory_space<vmem>>, vector<1x16xf32>,
    %swap3A_372 = vector.shape_cast %swap3A_371 : vector<1x16xf32> to vector<16xf32>
    %swap3A_373 = vector.shape_cast %broadcast_in_dim3A_367 : vector<16xf32> to vector<1x16xf32>
    tpu.vector_store %arg23[%swap3A_369, %swap3A_370], %swap3A_373 {strides = array<i32>} : memref<8x128xf32, #tpu.memory_space<vmem>>, vector<1x16xf32>,
    %broadcast_in_dim3A_374 = arith.constant 0.000000e+00 : f32
    %broadcast_in_dim3A_375 = vector.broadcast %broadcast_in_dim3A_374 : f32 to vector<16xf32>
    %swap3A_376 = arith.constant 5 : i32
    %swap3A_377 = arith.index_cast %swap3A_376 : i32 to index
    %swap3A_378 = arith.constant 112 : index
    %swap3A_379 = tpu.vector_load %arg23[%swap3A_377, %swap3A_378] {strides = array<i32>} : memref<8x128xf32, #tpu.memory_space<vmem>>, vector<1x16xf32>,
    %swap3A_380 = vector.shape_cast %swap3A_379 : vector<1x16xf32> to vector<16xf32>
    %swap3A_381 = vector.shape_cast %broadcast_in_dim3A_375 : vector<16xf32> to vector<1x16xf32>
    tpu.vector_store %arg23[%swap3A_377, %swap3A_378], %swap3A_381 {strides = array<i32>} : memref<8x128xf32, #tpu.memory_space<vmem>>, vector<1x16xf32>,
    %broadcast_in_dim3A_382 = arith.constant 0.000000e+00 : f32
    %broadcast_in_dim3A_383 = vector.broadcast %broadcast_in_dim3A_382 : f32 to vector<16xf32>
    %swap3A_384 = arith.constant 6 : i32
    %swap3A_385 = arith.index_cast %swap3A_384 : i32 to index
    %swap3A_386 = arith.constant 0 : index
    %swap3A_387 = tpu.vector_load %arg23[%swap3A_385, %swap3A_386] {strides = array<i32>} : memref<8x128xf32, #tpu.memory_space<vmem>>, vector<1x16xf32>,
    %swap3A_388 = vector.shape_cast %swap3A_387 : vector<1x16xf32> to vector<16xf32>
    %swap3A_389 = vector.shape_cast %broadcast_in_dim3A_383 : vector<16xf32> to vector<1x16xf32>
    tpu.vector_store %arg23[%swap3A_385, %swap3A_386], %swap3A_389 {strides = array<i32>} : memref<8x128xf32, #tpu.memory_space<vmem>>, vector<1x16xf32>,
    %broadcast_in_dim3A_390 = arith.constant 0.000000e+00 : f32
    %broadcast_in_dim3A_391 = vector.broadcast %broadcast_in_dim3A_390 : f32 to vector<16xf32>
    %swap3A_392 = arith.constant 6 : i32
    %swap3A_393 = arith.index_cast %swap3A_392 : i32 to index
    %swap3A_394 = arith.constant 16 : index
    %swap3A_395 = tpu.vector_load %arg23[%swap3A_393, %swap3A_394] {strides = array<i32>} : memref<8x128xf32, #tpu.memory_space<vmem>>, vector<1x16xf32>,
    %swap3A_396 = vector.shape_cast %swap3A_395 : vector<1x16xf32> to vector<16xf32>
    %swap3A_397 = vector.shape_cast %broadcast_in_dim3A_391 : vector<16xf32> to vector<1x16xf32>
    tpu.vector_store %arg23[%swap3A_393, %swap3A_394], %swap3A_397 {strides = array<i32>} : memref<8x128xf32, #tpu.memory_space<vmem>>, vector<1x16xf32>,
    %broadcast_in_dim3A_398 = arith.constant 0.000000e+00 : f32
    %broadcast_in_dim3A_399 = vector.broadcast %broadcast_in_dim3A_398 : f32 to vector<16xf32>
    %swap3A_400 = arith.constant 6 : i32
    %swap3A_401 = arith.index_cast %swap3A_400 : i32 to index
    %swap3A_402 = arith.constant 32 : index
    %swap3A_403 = tpu.vector_load %arg23[%swap3A_401, %swap3A_402] {strides = array<i32>} : memref<8x128xf32, #tpu.memory_space<vmem>>, vector<1x16xf32>,
    %swap3A_404 = vector.shape_cast %swap3A_403 : vector<1x16xf32> to vector<16xf32>
    %swap3A_405 = vector.shape_cast %broadcast_in_dim3A_399 : vector<16xf32> to vector<1x16xf32>
    tpu.vector_store %arg23[%swap3A_401, %swap3A_402], %swap3A_405 {strides = array<i32>} : memref<8x128xf32, #tpu.memory_space<vmem>>, vector<1x16xf32>,
    %broadcast_in_dim3A_406 = arith.constant 0.000000e+00 : f32
    %broadcast_in_dim3A_407 = vector.broadcast %broadcast_in_dim3A_406 : f32 to vector<16xf32>
    %swap3A_408 = arith.constant 6 : i32
    %swap3A_409 = arith.index_cast %swap3A_408 : i32 to index
    %swap3A_410 = arith.constant 48 : index
    %swap3A_411 = tpu.vector_load %arg23[%swap3A_409, %swap3A_410] {strides = array<i32>} : memref<8x128xf32, #tpu.memory_space<vmem>>, vector<1x16xf32>,
    %swap3A_412 = vector.shape_cast %swap3A_411 : vector<1x16xf32> to vector<16xf32>
    %swap3A_413 = vector.shape_cast %broadcast_in_dim3A_407 : vector<16xf32> to vector<1x16xf32>
    tpu.vector_store %arg23[%swap3A_409, %swap3A_410], %swap3A_413 {strides = array<i32>} : memref<8x128xf32, #tpu.memory_space<vmem>>, vector<1x16xf32>,
    %broadcast_in_dim3A_414 = arith.constant 0.000000e+00 : f32
    %broadcast_in_dim3A_415 = vector.broadcast %broadcast_in_dim3A_414 : f32 to vector<16xf32>
    %swap3A_416 = arith.constant 6 : i32
    %swap3A_417 = arith.index_cast %swap3A_416 : i32 to index
    %swap3A_418 = arith.constant 64 : index
    %swap3A_419 = tpu.vector_load %arg23[%swap3A_417, %swap3A_418] {strides = array<i32>} : memref<8x128xf32, #tpu.memory_space<vmem>>, vector<1x16xf32>,
    %swap3A_420 = vector.shape_cast %swap3A_419 : vector<1x16xf32> to vector<16xf32>
    %swap3A_421 = vector.shape_cast %broadcast_in_dim3A_415 : vector<16xf32> to vector<1x16xf32>
    tpu.vector_store %arg23[%swap3A_417, %swap3A_418], %swap3A_421 {strides = array<i32>} : memref<8x128xf32, #tpu.memory_space<vmem>>, vector<1x16xf32>,
    %broadcast_in_dim3A_422 = arith.constant 0.000000e+00 : f32
    %broadcast_in_dim3A_423 = vector.broadcast %broadcast_in_dim3A_422 : f32 to vector<16xf32>
    %swap3A_424 = arith.constant 6 : i32
    %swap3A_425 = arith.index_cast %swap3A_424 : i32 to index
    %swap3A_426 = arith.constant 80 : index
    %swap3A_427 = tpu.vector_load %arg23[%swap3A_425, %swap3A_426] {strides = array<i32>} : memref<8x128xf32, #tpu.memory_space<vmem>>, vector<1x16xf32>,
    %swap3A_428 = vector.shape_cast %swap3A_427 : vector<1x16xf32> to vector<16xf32>
    %swap3A_429 = vector.shape_cast %broadcast_in_dim3A_423 : vector<16xf32> to vector<1x16xf32>
    tpu.vector_store %arg23[%swap3A_425, %swap3A_426], %swap3A_429 {strides = array<i32>} : memref<8x128xf32, #tpu.memory_space<vmem>>, vector<1x16xf32>,
    %broadcast_in_dim3A_430 = arith.constant 0.000000e+00 : f32
    %broadcast_in_dim3A_431 = vector.broadcast %broadcast_in_dim3A_430 : f32 to vector<16xf32>
    %swap3A_432 = arith.constant 6 : i32
    %swap3A_433 = arith.index_cast %swap3A_432 : i32 to index
    %swap3A_434 = arith.constant 96 : index
    %swap3A_435 = tpu.vector_load %arg23[%swap3A_433, %swap3A_434] {strides = array<i32>} : memref<8x128xf32, #tpu.memory_space<vmem>>, vector<1x16xf32>,
    %swap3A_436 = vector.shape_cast %swap3A_435 : vector<1x16xf32> to vector<16xf32>
    %swap3A_437 = vector.shape_cast %broadcast_in_dim3A_431 : vector<16xf32> to vector<1x16xf32>
    tpu.vector_store %arg23[%swap3A_433, %swap3A_434], %swap3A_437 {strides = array<i32>} : memref<8x128xf32, #tpu.memory_space<vmem>>, vector<1x16xf32>,
    %broadcast_in_dim3A_438 = arith.constant 0.000000e+00 : f32
    %broadcast_in_dim3A_439 = vector.broadcast %broadcast_in_dim3A_438 : f32 to vector<16xf32>
    %swap3A_440 = arith.constant 6 : i32
    %swap3A_441 = arith.index_cast %swap3A_440 : i32 to index
    %swap3A_442 = arith.constant 112 : index
    %swap3A_443 = tpu.vector_load %arg23[%swap3A_441, %swap3A_442] {strides = array<i32>} : memref<8x128xf32, #tpu.memory_space<vmem>>, vector<1x16xf32>,
    %swap3A_444 = vector.shape_cast %swap3A_443 : vector<1x16xf32> to vector<16xf32>
    %swap3A_445 = vector.shape_cast %broadcast_in_dim3A_439 : vector<16xf32> to vector<1x16xf32>
    tpu.vector_store %arg23[%swap3A_441, %swap3A_442], %swap3A_445 {strides = array<i32>} : memref<8x128xf32, #tpu.memory_space<vmem>>, vector<1x16xf32>,
    %broadcast_in_dim3A_446 = arith.constant 0.000000e+00 : f32
    %broadcast_in_dim3A_447 = vector.broadcast %broadcast_in_dim3A_446 : f32 to vector<16xf32>
    %swap3A_448 = arith.constant 7 : i32
    %swap3A_449 = arith.index_cast %swap3A_448 : i32 to index
    %swap3A_450 = arith.constant 0 : index
    %swap3A_451 = tpu.vector_load %arg23[%swap3A_449, %swap3A_450] {strides = array<i32>} : memref<8x128xf32, #tpu.memory_space<vmem>>, vector<1x16xf32>,
    %swap3A_452 = vector.shape_cast %swap3A_451 : vector<1x16xf32> to vector<16xf32>
    %swap3A_453 = vector.shape_cast %broadcast_in_dim3A_447 : vector<16xf32> to vector<1x16xf32>
    tpu.vector_store %arg23[%swap3A_449, %swap3A_450], %swap3A_453 {strides = array<i32>} : memref<8x128xf32, #tpu.memory_space<vmem>>, vector<1x16xf32>,
    %broadcast_in_dim3A_454 = arith.constant 0.000000e+00 : f32
    %broadcast_in_dim3A_455 = vector.broadcast %broadcast_in_dim3A_454 : f32 to vector<16xf32>
    %swap3A_456 = arith.constant 7 : i32
    %swap3A_457 = arith.index_cast %swap3A_456 : i32 to index
    %swap3A_458 = arith.constant 16 : index
    %swap3A_459 = tpu.vector_load %arg23[%swap3A_457, %swap3A_458] {strides = array<i32>} : memref<8x128xf32, #tpu.memory_space<vmem>>, vector<1x16xf32>,
    %swap3A_460 = vector.shape_cast %swap3A_459 : vector<1x16xf32> to vector<16xf32>
    %swap3A_461 = vector.shape_cast %broadcast_in_dim3A_455 : vector<16xf32> to vector<1x16xf32>
    tpu.vector_store %arg23[%swap3A_457, %swap3A_458], %swap3A_461 {strides = array<i32>} : memref<8x128xf32, #tpu.memory_space<vmem>>, vector<1x16xf32>,
    %broadcast_in_dim3A_462 = arith.constant 0.000000e+00 : f32
    %broadcast_in_dim3A_463 = vector.broadcast %broadcast_in_dim3A_462 : f32 to vector<16xf32>
    %swap3A_464 = arith.constant 7 : i32
    %swap3A_465 = arith.index_cast %swap3A_464 : i32 to index
    %swap3A_466 = arith.constant 32 : index
    %swap3A_467 = tpu.vector_load %arg23[%swap3A_465, %swap3A_466] {strides = array<i32>} : memref<8x128xf32, #tpu.memory_space<vmem>>, vector<1x16xf32>,
    %swap3A_468 = vector.shape_cast %swap3A_467 : vector<1x16xf32> to vector<16xf32>
    %swap3A_469 = vector.shape_cast %broadcast_in_dim3A_463 : vector<16xf32> to vector<1x16xf32>
    tpu.vector_store %arg23[%swap3A_465, %swap3A_466], %swap3A_469 {strides = array<i32>} : memref<8x128xf32, #tpu.memory_space<vmem>>, vector<1x16xf32>,
    %broadcast_in_dim3A_470 = arith.constant 0.000000e+00 : f32
    %broadcast_in_dim3A_471 = vector.broadcast %broadcast_in_dim3A_470 : f32 to vector<16xf32>
    %swap3A_472 = arith.constant 7 : i32
    %swap3A_473 = arith.index_cast %swap3A_472 : i32 to index
    %swap3A_474 = arith.constant 48 : index
    %swap3A_475 = tpu.vector_load %arg23[%swap3A_473, %swap3A_474] {strides = array<i32>} : memref<8x128xf32, #tpu.memory_space<vmem>>, vector<1x16xf32>,
    %swap3A_476 = vector.shape_cast %swap3A_475 : vector<1x16xf32> to vector<16xf32>
    %swap3A_477 = vector.shape_cast %broadcast_in_dim3A_471 : vector<16xf32> to vector<1x16xf32>
    tpu.vector_store %arg23[%swap3A_473, %swap3A_474], %swap3A_477 {strides = array<i32>} : memref<8x128xf32, #tpu.memory_space<vmem>>, vector<1x16xf32>,
    %broadcast_in_dim3A_478 = arith.constant 0.000000e+00 : f32
    %broadcast_in_dim3A_479 = vector.broadcast %broadcast_in_dim3A_478 : f32 to vector<16xf32>
    %swap3A_480 = arith.constant 7 : i32
    %swap3A_481 = arith.index_cast %swap3A_480 : i32 to index
    %swap3A_482 = arith.constant 64 : index
    %swap3A_483 = tpu.vector_load %arg23[%swap3A_481, %swap3A_482] {strides = array<i32>} : memref<8x128xf32, #tpu.memory_space<vmem>>, vector<1x16xf32>,
    %swap3A_484 = vector.shape_cast %swap3A_483 : vector<1x16xf32> to vector<16xf32>
    %swap3A_485 = vector.shape_cast %broadcast_in_dim3A_479 : vector<16xf32> to vector<1x16xf32>
    tpu.vector_store %arg23[%swap3A_481, %swap3A_482], %swap3A_485 {strides = array<i32>} : memref<8x128xf32, #tpu.memory_space<vmem>>, vector<1x16xf32>,
    %broadcast_in_dim3A_486 = arith.constant 0.000000e+00 : f32
    %broadcast_in_dim3A_487 = vector.broadcast %broadcast_in_dim3A_486 : f32 to vector<16xf32>
    %swap3A_488 = arith.constant 7 : i32
    %swap3A_489 = arith.index_cast %swap3A_488 : i32 to index
    %swap3A_490 = arith.constant 80 : index
    %swap3A_491 = tpu.vector_load %arg23[%swap3A_489, %swap3A_490] {strides = array<i32>} : memref<8x128xf32, #tpu.memory_space<vmem>>, vector<1x16xf32>,
    %swap3A_492 = vector.shape_cast %swap3A_491 : vector<1x16xf32> to vector<16xf32>
    %swap3A_493 = vector.shape_cast %broadcast_in_dim3A_487 : vector<16xf32> to vector<1x16xf32>
    tpu.vector_store %arg23[%swap3A_489, %swap3A_490], %swap3A_493 {strides = array<i32>} : memref<8x128xf32, #tpu.memory_space<vmem>>, vector<1x16xf32>,
    %broadcast_in_dim3A_494 = arith.constant 0.000000e+00 : f32
    %broadcast_in_dim3A_495 = vector.broadcast %broadcast_in_dim3A_494 : f32 to vector<16xf32>
    %swap3A_496 = arith.constant 7 : i32
    %swap3A_497 = arith.index_cast %swap3A_496 : i32 to index
    %swap3A_498 = arith.constant 96 : index
    %swap3A_499 = tpu.vector_load %arg23[%swap3A_497, %swap3A_498] {strides = array<i32>} : memref<8x128xf32, #tpu.memory_space<vmem>>, vector<1x16xf32>,
    %swap3A_500 = vector.shape_cast %swap3A_499 : vector<1x16xf32> to vector<16xf32>
    %swap3A_501 = vector.shape_cast %broadcast_in_dim3A_495 : vector<16xf32> to vector<1x16xf32>
    tpu.vector_store %arg23[%swap3A_497, %swap3A_498], %swap3A_501 {strides = array<i32>} : memref<8x128xf32, #tpu.memory_space<vmem>>, vector<1x16xf32>,
    %broadcast_in_dim3A_502 = arith.constant 0.000000e+00 : f32
    %broadcast_in_dim3A_503 = vector.broadcast %broadcast_in_dim3A_502 : f32 to vector<16xf32>
    %swap3A_504 = arith.constant 7 : i32
    %swap3A_505 = arith.index_cast %swap3A_504 : i32 to index
    %swap3A_506 = arith.constant 112 : index
    %swap3A_507 = tpu.vector_load %arg23[%swap3A_505, %swap3A_506] {strides = array<i32>} : memref<8x128xf32, #tpu.memory_space<vmem>>, vector<1x16xf32>,
    %swap3A_508 = vector.shape_cast %swap3A_507 : vector<1x16xf32> to vector<16xf32>
    %swap3A_509 = vector.shape_cast %broadcast_in_dim3A_503 : vector<16xf32> to vector<1x16xf32>
    tpu.vector_store %arg23[%swap3A_505, %swap3A_506], %swap3A_509 {strides = array<i32>} : memref<8x128xf32, #tpu.memory_space<vmem>>, vector<1x16xf32>,
    %scan3A = arith.constant 0 : i32
    %scan3A_510 = arith.constant 0 : i32
    %scan3A_511 = arith.constant 160 : i32
    %scan3A_512 = arith.addi %scan3A_510, %scan3A_511 : i32
    %scan3A_513 = arith.constant 1 : i32
    %scan3A_514 = scf.for %scan3A_568 = %scan3A_510 to %scan3A_512 step %scan3A_513 iter_args(%scan3A_569 = %scan3A) -> (i32)  : i32 {
      %broadcast_in_dim3A_570 = arith.constant 0.000000e+00 : f32
      %broadcast_in_dim3A_571 = vector.broadcast %broadcast_in_dim3A_570 : f32 to vector<16xf32>
      %swap3A_572 = arith.index_cast %scan3A_568 : i32 to index
      %swap3A_573 = arith.constant 0 : index
      %swap3A_574 = tpu.vector_load %arg26[%swap3A_572, %swap3A_573] {strides = array<i32>} : memref<160x128xf32, #tpu.memory_space<vmem>>, vector<1x16xf32>,
      %swap3A_575 = vector.shape_cast %swap3A_574 : vector<1x16xf32> to vector<16xf32>
      %swap3A_576 = vector.shape_cast %broadcast_in_dim3A_571 : vector<16xf32> to vector<1x16xf32>
      tpu.vector_store %arg26[%swap3A_572, %swap3A_573], %swap3A_576 {strides = array<i32>} : memref<160x128xf32, #tpu.memory_space<vmem>>, vector<1x16xf32>,
      %broadcast_in_dim3A_577 = arith.constant 0.000000e+00 : f32
      %broadcast_in_dim3A_578 = vector.broadcast %broadcast_in_dim3A_577 : f32 to vector<16xf32>
      %swap3A_579 = arith.index_cast %scan3A_568 : i32 to index
      %swap3A_580 = arith.constant 16 : index
      %swap3A_581 = tpu.vector_load %arg26[%swap3A_579, %swap3A_580] {strides = array<i32>} : memref<160x128xf32, #tpu.memory_space<vmem>>, vector<1x16xf32>,
      %swap3A_582 = vector.shape_cast %swap3A_581 : vector<1x16xf32> to vector<16xf32>
      %swap3A_583 = vector.shape_cast %broadcast_in_dim3A_578 : vector<16xf32> to vector<1x16xf32>
      tpu.vector_store %arg26[%swap3A_579, %swap3A_580], %swap3A_583 {strides = array<i32>} : memref<160x128xf32, #tpu.memory_space<vmem>>, vector<1x16xf32>,
      %broadcast_in_dim3A_584 = arith.constant 0.000000e+00 : f32
      %broadcast_in_dim3A_585 = vector.broadcast %broadcast_in_dim3A_584 : f32 to vector<16xf32>
      %swap3A_586 = arith.index_cast %scan3A_568 : i32 to index
      %swap3A_587 = arith.constant 32 : index
      %swap3A_588 = tpu.vector_load %arg26[%swap3A_586, %swap3A_587] {strides = array<i32>} : memref<160x128xf32, #tpu.memory_space<vmem>>, vector<1x16xf32>,
      %swap3A_589 = vector.shape_cast %swap3A_588 : vector<1x16xf32> to vector<16xf32>
      %swap3A_590 = vector.shape_cast %broadcast_in_dim3A_585 : vector<16xf32> to vector<1x16xf32>
      tpu.vector_store %arg26[%swap3A_586, %swap3A_587], %swap3A_590 {strides = array<i32>} : memref<160x128xf32, #tpu.memory_space<vmem>>, vector<1x16xf32>,
      %broadcast_in_dim3A_591 = arith.constant 0.000000e+00 : f32
      %broadcast_in_dim3A_592 = vector.broadcast %broadcast_in_dim3A_591 : f32 to vector<16xf32>
      %swap3A_593 = arith.index_cast %scan3A_568 : i32 to index
      %swap3A_594 = arith.constant 48 : index
      %swap3A_595 = tpu.vector_load %arg26[%swap3A_593, %swap3A_594] {strides = array<i32>} : memref<160x128xf32, #tpu.memory_space<vmem>>, vector<1x16xf32>,
      %swap3A_596 = vector.shape_cast %swap3A_595 : vector<1x16xf32> to vector<16xf32>
      %swap3A_597 = vector.shape_cast %broadcast_in_dim3A_592 : vector<16xf32> to vector<1x16xf32>
      tpu.vector_store %arg26[%swap3A_593, %swap3A_594], %swap3A_597 {strides = array<i32>} : memref<160x128xf32, #tpu.memory_space<vmem>>, vector<1x16xf32>,
      %broadcast_in_dim3A_598 = arith.constant 0.000000e+00 : f32
      %broadcast_in_dim3A_599 = vector.broadcast %broadcast_in_dim3A_598 : f32 to vector<16xf32>
      %swap3A_600 = arith.index_cast %scan3A_568 : i32 to index
      %swap3A_601 = arith.constant 64 : index
      %swap3A_602 = tpu.vector_load %arg26[%swap3A_600, %swap3A_601] {strides = array<i32>} : memref<160x128xf32, #tpu.memory_space<vmem>>, vector<1x16xf32>,
      %swap3A_603 = vector.shape_cast %swap3A_602 : vector<1x16xf32> to vector<16xf32>
      %swap3A_604 = vector.shape_cast %broadcast_in_dim3A_599 : vector<16xf32> to vector<1x16xf32>
      tpu.vector_store %arg26[%swap3A_600, %swap3A_601], %swap3A_604 {strides = array<i32>} : memref<160x128xf32, #tpu.memory_space<vmem>>, vector<1x16xf32>,
      %broadcast_in_dim3A_605 = arith.constant 0.000000e+00 : f32
      %broadcast_in_dim3A_606 = vector.broadcast %broadcast_in_dim3A_605 : f32 to vector<16xf32>
      %swap3A_607 = arith.index_cast %scan3A_568 : i32 to index
      %swap3A_608 = arith.constant 80 : index
      %swap3A_609 = tpu.vector_load %arg26[%swap3A_607, %swap3A_608] {strides = array<i32>} : memref<160x128xf32, #tpu.memory_space<vmem>>, vector<1x16xf32>,
      %swap3A_610 = vector.shape_cast %swap3A_609 : vector<1x16xf32> to vector<16xf32>
      %swap3A_611 = vector.shape_cast %broadcast_in_dim3A_606 : vector<16xf32> to vector<1x16xf32>
      tpu.vector_store %arg26[%swap3A_607, %swap3A_608], %swap3A_611 {strides = array<i32>} : memref<160x128xf32, #tpu.memory_space<vmem>>, vector<1x16xf32>,
      %broadcast_in_dim3A_612 = arith.constant 0.000000e+00 : f32
      %broadcast_in_dim3A_613 = vector.broadcast %broadcast_in_dim3A_612 : f32 to vector<16xf32>
      %swap3A_614 = arith.index_cast %scan3A_568 : i32 to index
      %swap3A_615 = arith.constant 96 : index
      %swap3A_616 = tpu.vector_load %arg26[%swap3A_614, %swap3A_615] {strides = array<i32>} : memref<160x128xf32, #tpu.memory_space<vmem>>, vector<1x16xf32>,
      %swap3A_617 = vector.shape_cast %swap3A_616 : vector<1x16xf32> to vector<16xf32>
      %swap3A_618 = vector.shape_cast %broadcast_in_dim3A_613 : vector<16xf32> to vector<1x16xf32>
      tpu.vector_store %arg26[%swap3A_614, %swap3A_615], %swap3A_618 {strides = array<i32>} : memref<160x128xf32, #tpu.memory_space<vmem>>, vector<1x16xf32>,
      %broadcast_in_dim3A_619 = arith.constant 0.000000e+00 : f32
      %broadcast_in_dim3A_620 = vector.broadcast %broadcast_in_dim3A_619 : f32 to vector<16xf32>
      %swap3A_621 = arith.index_cast %scan3A_568 : i32 to index
      %swap3A_622 = arith.constant 112 : index
      %swap3A_623 = tpu.vector_load %arg26[%swap3A_621, %swap3A_622] {strides = array<i32>} : memref<160x128xf32, #tpu.memory_space<vmem>>, vector<1x16xf32>,
      %swap3A_624 = vector.shape_cast %swap3A_623 : vector<1x16xf32> to vector<16xf32>
      %swap3A_625 = vector.shape_cast %broadcast_in_dim3A_620 : vector<16xf32> to vector<1x16xf32>
      tpu.vector_store %arg26[%swap3A_621, %swap3A_622], %swap3A_625 {strides = array<i32>} : memref<160x128xf32, #tpu.memory_space<vmem>>, vector<1x16xf32>,
      %scan3A_626 = arith.constant 0 : i32
      scf.yield %scan3A_626 : i32
    }
    %scan3A_515 = arith.constant 160 : i32
    %mul3A = arith.constant 632 : i32
    %mul3A_516 = arith.muli %arg1, %mul3A : i32
    %scan3A_517 = arith.constant 0 : i32
    %scan3A_518 = arith.constant 0 : i32
    %scan3A_519 = arith.constant 79 : i32
    %scan3A_520 = arith.addi %scan3A_518, %scan3A_519 : i32
    %scan3A_521 = arith.constant 1 : i32
    %scan3A_522 = scf.for %scan3A_568 = %scan3A_518 to %scan3A_520 step %scan3A_521 iter_args(%scan3A_569 = %scan3A_517) -> (i32)  : i32 {
      %mul3A_570 = arith.constant 8 : i32
      %mul3A_571 = arith.muli %scan3A_568, %mul3A_570 : i32
      %add3A_572 = arith.addi %mul3A_516, %mul3A_571 : i32
      "tpu.region"() ({
        %run_scoped3A = tpu.sem_alloc : memref<!tpu.dma_semaphore, #tpu.memory_space<semaphore_mem>>
        %dma_start3A = arith.constant 0 : i32
        %dma_start3A_574 = tpu.memref_slice %arg27[%add3A_572, %dma_start3A] : memref<10112x128xf32, #tpu.memory_space<vmem_shared>> -> memref<8x128xf32, #tpu.memory_space<vmem_shared>>
        %dma_start3A_575 = arith.constant 0 : i32
        %dma_start3A_576 = tpu.memref_slice %arg27[%add3A_572, %dma_start3A_575] : memref<10112x128xf32, #tpu.memory_space<vmem_shared>> -> memref<8x128xf32, #tpu.memory_space<vmem_shared>>
        tpu.enqueue_dma source(%arg23 : memref<8x128xf32, #tpu.memory_space<vmem>>) target(%dma_start3A_576 : memref<8x128xf32, #tpu.memory_space<vmem_shared>>) target_semaphore(%run_scoped3A : memref<!tpu.dma_semaphore, #tpu.memory_space<semaphore_mem>>)
        %dma_wait3A = arith.constant 0 : i32
        %dma_wait3A_577 = tpu.memref_slice %arg27[%add3A_572, %dma_wait3A] : memref<10112x128xf32, #tpu.memory_space<vmem_shared>> -> memref<8x128xf32, #tpu.memory_space<vmem_shared>>
        %dma_wait3A_578 = arith.constant 0 : i32
        %dma_wait3A_579 = tpu.memref_slice %arg27[%add3A_572, %dma_wait3A_578] : memref<10112x128xf32, #tpu.memory_space<vmem_shared>> -> memref<8x128xf32, #tpu.memory_space<vmem_shared>>
        tpu.wait_dma2 semaphore(%run_scoped3A : memref<!tpu.dma_semaphore, #tpu.memory_space<semaphore_mem>>) src(%arg23 : memref<8x128xf32, #tpu.memory_space<vmem>>) dst(%dma_wait3A_579 : memref<8x128xf32, #tpu.memory_space<vmem_shared>>)
        tpu.yield
      }) : () -> ()
      %scan3A_573 = arith.constant 0 : i32
      scf.yield %scan3A_573 : i32
    }
    %scan3A_523 = arith.constant 79 : i32
    %add3A = arith.constant 0 : i32
    %add3A_524 = arith.addi %arg1, %add3A : i32
    %lt3A = arith.constant 20 : i32
    %lt3A_525 = arith.cmpi slt, %add3A_524, %lt3A : i32
    %convert_element_type3A = arith.extui %lt3A_525 : i1 to i32
    %cond3A = arith.constant 0 : i32
    %cond3A_526 = arith.cmpi ne, %convert_element_type3A, %cond3A : i32
    scf.if %cond3A_526 {
      %mul3A_568 = arith.constant 8 : i32
      %mul3A_569 = arith.muli %add3A_524, %mul3A_568 : i32
      "tpu.region"() ({
        %run_scoped3A = tpu.sem_alloc : memref<!tpu.dma_semaphore, #tpu.memory_space<semaphore_mem>>
        %dma_start3A = arith.constant 0 : i32
        %dma_start3A_570 = tpu.memref_slice %arg28[%mul3A_569, %dma_start3A] : memref<160x128xf32, #tpu.memory_space<vmem_shared>> -> memref<8x128xf32, #tpu.memory_space<vmem_shared>>
        %dma_start3A_571 = arith.constant 0 : i32
        %dma_start3A_572 = tpu.memref_slice %arg28[%mul3A_569, %dma_start3A_571] : memref<160x128xf32, #tpu.memory_space<vmem_shared>> -> memref<8x128xf32, #tpu.memory_space<vmem_shared>>
        tpu.enqueue_dma source(%arg23 : memref<8x128xf32, #tpu.memory_space<vmem>>) target(%dma_start3A_572 : memref<8x128xf32, #tpu.memory_space<vmem_shared>>) target_semaphore(%run_scoped3A : memref<!tpu.dma_semaphore, #tpu.memory_space<semaphore_mem>>)
        %dma_wait3A = arith.constant 0 : i32
        %dma_wait3A_573 = tpu.memref_slice %arg28[%mul3A_569, %dma_wait3A] : memref<160x128xf32, #tpu.memory_space<vmem_shared>> -> memref<8x128xf32, #tpu.memory_space<vmem_shared>>
        %dma_wait3A_574 = arith.constant 0 : i32
        %dma_wait3A_575 = tpu.memref_slice %arg28[%mul3A_569, %dma_wait3A_574] : memref<160x128xf32, #tpu.memory_space<vmem_shared>> -> memref<8x128xf32, #tpu.memory_space<vmem_shared>>
        tpu.wait_dma2 semaphore(%run_scoped3A : memref<!tpu.dma_semaphore, #tpu.memory_space<semaphore_mem>>) src(%arg23 : memref<8x128xf32, #tpu.memory_space<vmem>>) dst(%dma_wait3A_575 : memref<8x128xf32, #tpu.memory_space<vmem_shared>>)
        tpu.yield
      }) : () -> ()
    } else {
    }
    %add3A_527 = arith.constant 16 : i32
    %add3A_528 = arith.addi %arg1, %add3A_527 : i32
    %lt3A_529 = arith.constant 20 : i32
    %lt3A_530 = arith.cmpi slt, %add3A_528, %lt3A_529 : i32
    %convert_element_type3A_531 = arith.extui %lt3A_530 : i1 to i32
    %cond3A_532 = arith.constant 0 : i32
    %cond3A_533 = arith.cmpi ne, %convert_element_type3A_531, %cond3A_532 : i32
    scf.if %cond3A_533 {
      %mul3A_568 = arith.constant 8 : i32
      %mul3A_569 = arith.muli %add3A_528, %mul3A_568 : i32
      "tpu.region"() ({
        %run_scoped3A = tpu.sem_alloc : memref<!tpu.dma_semaphore, #tpu.memory_space<semaphore_mem>>
        %dma_start3A = arith.constant 0 : i32
        %dma_start3A_570 = tpu.memref_slice %arg28[%mul3A_569, %dma_start3A] : memref<160x128xf32, #tpu.memory_space<vmem_shared>> -> memref<8x128xf32, #tpu.memory_space<vmem_shared>>
        %dma_start3A_571 = arith.constant 0 : i32
        %dma_start3A_572 = tpu.memref_slice %arg28[%mul3A_569, %dma_start3A_571] : memref<160x128xf32, #tpu.memory_space<vmem_shared>> -> memref<8x128xf32, #tpu.memory_space<vmem_shared>>
        tpu.enqueue_dma source(%arg23 : memref<8x128xf32, #tpu.memory_space<vmem>>) target(%dma_start3A_572 : memref<8x128xf32, #tpu.memory_space<vmem_shared>>) target_semaphore(%run_scoped3A : memref<!tpu.dma_semaphore, #tpu.memory_space<semaphore_mem>>)
        %dma_wait3A = arith.constant 0 : i32
        %dma_wait3A_573 = tpu.memref_slice %arg28[%mul3A_569, %dma_wait3A] : memref<160x128xf32, #tpu.memory_space<vmem_shared>> -> memref<8x128xf32, #tpu.memory_space<vmem_shared>>
        %dma_wait3A_574 = arith.constant 0 : i32
        %dma_wait3A_575 = tpu.memref_slice %arg28[%mul3A_569, %dma_wait3A_574] : memref<160x128xf32, #tpu.memory_space<vmem_shared>> -> memref<8x128xf32, #tpu.memory_space<vmem_shared>>
        tpu.wait_dma2 semaphore(%run_scoped3A : memref<!tpu.dma_semaphore, #tpu.memory_space<semaphore_mem>>) src(%arg23 : memref<8x128xf32, #tpu.memory_space<vmem>>) dst(%dma_wait3A_575 : memref<8x128xf32, #tpu.memory_space<vmem_shared>>)
        tpu.yield
      }) : () -> ()
    } else {
    }
    %scan3A_534 = arith.constant 0 : i32
    %scan3A_535 = arith.constant 0 : i32
    %scan3A_536 = arith.constant 5 : i32
    %scan3A_537 = arith.addi %scan3A_535, %scan3A_536 : i32
    %scan3A_538 = arith.constant 1 : i32
    %scan3A_539 = scf.for %scan3A_568 = %scan3A_535 to %scan3A_537 step %scan3A_538 iter_args(%scan3A_569 = %scan3A_534) -> (i32)  : i32 {
      %mul3A_570 = arith.constant 16 : i32
      %mul3A_571 = arith.muli %scan3A_568, %mul3A_570 : i32
      %add3A_572 = arith.constant 0 : i32
      %add3A_573 = arith.addi %add3A_572, %mul3A_571 : i32
      %add3A_574 = vector.broadcast %add3A_573 : i32 to vector<16xi32>
      %add3A_575 = arith.addi %iota3A, %add3A_574 : vector<16xi32>
      %mul3A_576 = arith.constant 16 : i32
      %mul3A_577 = arith.muli %scan3A_568, %mul3A_576 : i32
      %swap3A_578 = arith.index_cast %mul3A_577 : i32 to index
      %swap3A_579 = tpu.vector_load %arg24[%swap3A_578] {strides = array<i32>} : memref<80xi32, #tpu.memory_space<vmem>>, vector<16xi32>,
      %swap3A_580 = vector.shape_cast %swap3A_579 : vector<16xi32> to vector<16xi32>
      %swap3A_581 = vector.shape_cast %add3A_575 : vector<16xi32> to vector<16xi32>
      tpu.vector_store %arg24[%swap3A_578], %swap3A_581 {strides = array<i32>} : memref<80xi32, #tpu.memory_space<vmem>>, vector<16xi32>,
      %scan3A_582 = arith.constant 0 : i32
      scf.yield %scan3A_582 : i32
    }
    %scan3A_540 = arith.constant 5 : i32
    %scan3A_541 = arith.constant 0 : i32
    %scan3A_542 = arith.constant 0 : i32
    %scan3A_543 = arith.constant 5 : i32
    %scan3A_544 = arith.addi %scan3A_542, %scan3A_543 : i32
    %scan3A_545 = arith.constant 1 : i32
    %scan3A_546 = scf.for %scan3A_568 = %scan3A_542 to %scan3A_544 step %scan3A_545 iter_args(%scan3A_569 = %scan3A_541) -> (i32)  : i32 {
      %mul3A_570 = arith.constant 16 : i32
      %mul3A_571 = arith.muli %scan3A_568, %mul3A_570 : i32
      %add3A_572 = arith.constant 80 : i32
      %add3A_573 = arith.addi %add3A_572, %mul3A_571 : i32
      %add3A_574 = vector.broadcast %add3A_573 : i32 to vector<16xi32>
      %add3A_575 = arith.addi %iota3A, %add3A_574 : vector<16xi32>
      %mul3A_576 = arith.constant 16 : i32
      %mul3A_577 = arith.muli %scan3A_568, %mul3A_576 : i32
      %swap3A_578 = arith.index_cast %mul3A_577 : i32 to index
      %swap3A_579 = tpu.vector_load %arg25[%swap3A_578] {strides = array<i32>} : memref<80xi32, #tpu.memory_space<vmem>>, vector<16xi32>,
      %swap3A_580 = vector.shape_cast %swap3A_579 : vector<16xi32> to vector<16xi32>
      %swap3A_581 = vector.shape_cast %add3A_575 : vector<16xi32> to vector<16xi32>
      tpu.vector_store %arg25[%swap3A_578], %swap3A_581 {strides = array<i32>} : memref<80xi32, #tpu.memory_space<vmem>>, vector<16xi32>,
      %scan3A_582 = arith.constant 0 : i32
      scf.yield %scan3A_582 : i32
    }
    %scan3A_547 = arith.constant 5 : i32
    %barrier3A = arith.constant 0 : index
    tpu.barrier barrier_id(%barrier3A)
    %eq3A = arith.constant 0 : i32
    %eq3A_548 = arith.cmpi eq, %arg0, %eq3A : i32
    %convert_element_type3A_549 = arith.extui %eq3A_548 : i1 to i32
    %cond3A_550 = arith.constant 0 : i32
    %cond3A_551 = arith.cmpi ne, %convert_element_type3A_549, %cond3A_550 : i32
    scf.if %cond3A_551 {
      "tpu.region"() ({
        %run_scoped3A = tpu.sem_alloc : memref<!tpu.dma_semaphore, #tpu.memory_space<semaphore_mem>>
        tpu.enqueue_dma source(%arg9 : memref<256xf32, #tpu.memory_space<hbm>>) target(%arg22 : memref<256xf32, #tpu.memory_space<vmem>>) target_semaphore(%run_scoped3A : memref<!tpu.dma_semaphore, #tpu.memory_space<semaphore_mem>>)
        tpu.wait_dma2 semaphore(%run_scoped3A : memref<!tpu.dma_semaphore, #tpu.memory_space<semaphore_mem>>) src(%arg9 : memref<256xf32, #tpu.memory_space<hbm>>) dst(%arg22 : memref<256xf32, #tpu.memory_space<vmem>>)
        tpu.yield
      }) : () -> ()
      %mul3A_568 = arith.constant 20224 : i32
      %mul3A_569 = arith.muli %arg1, %mul3A_568 : i32
      %get3A = arith.constant 0 : index
      %get3A_570 = tpu.vector_load %arg22[%get3A] {strides = array<i32>} : memref<256xf32, #tpu.memory_space<vmem>>, vector<16xf32>,
      %get3A_571 = vector.shape_cast %get3A_570 : vector<16xf32> to vector<16xf32>
      %get3A_572 = arith.constant 16 : index
      %get3A_573 = tpu.vector_load %arg22[%get3A_572] {strides = array<i32>} : memref<256xf32, #tpu.memory_space<vmem>>, vector<16xf32>,
      %get3A_574 = vector.shape_cast %get3A_573 : vector<16xf32> to vector<16xf32>
      %get3A_575 = arith.constant 32 : index
      %get3A_576 = tpu.vector_load %arg22[%get3A_575] {strides = array<i32>} : memref<256xf32, #tpu.memory_space<vmem>>, vector<16xf32>,
      %get3A_577 = vector.shape_cast %get3A_576 : vector<16xf32> to vector<16xf32>
      %get3A_578 = arith.constant 48 : index
      %get3A_579 = tpu.vector_load %arg22[%get3A_578] {strides = array<i32>} : memref<256xf32, #tpu.memory_space<vmem>>, vector<16xf32>,
      %get3A_580 = vector.shape_cast %get3A_579 : vector<16xf32> to vector<16xf32>
      %get3A_581 = arith.constant 64 : index
      %get3A_582 = tpu.vector_load %arg22[%get3A_581] {strides = array<i32>} : memref<256xf32, #tpu.memory_space<vmem>>, vector<16xf32>,
      %get3A_583 = vector.shape_cast %get3A_582 : vector<16xf32> to vector<16xf32>
      %get3A_584 = arith.constant 80 : index
      %get3A_585 = tpu.vector_load %arg22[%get3A_584] {strides = array<i32>} : memref<256xf32, #tpu.memory_space<vmem>>, vector<16xf32>,
      %get3A_586 = vector.shape_cast %get3A_585 : vector<16xf32> to vector<16xf32>
      %get3A_587 = arith.constant 96 : index
      %get3A_588 = tpu.vector_load %arg22[%get3A_587] {strides = array<i32>} : memref<256xf32, #tpu.memory_space<vmem>>, vector<16xf32>,
      %get3A_589 = vector.shape_cast %get3A_588 : vector<16xf32> to vector<16xf32>
      %get3A_590 = arith.constant 112 : index
      %get3A_591 = tpu.vector_load %arg22[%get3A_590] {strides = array<i32>} : memref<256xf32, #tpu.memory_space<vmem>>, vector<16xf32>,
      %get3A_592 = vector.shape_cast %get3A_591 : vector<16xf32> to vector<16xf32>
      %get3A_593 = arith.constant 128 : index
      %get3A_594 = tpu.vector_load %arg22[%get3A_593] {strides = array<i32>} : memref<256xf32, #tpu.memory_space<vmem>>, vector<16xf32>,
      %get3A_595 = vector.shape_cast %get3A_594 : vector<16xf32> to vector<16xf32>
      %get3A_596 = arith.constant 144 : index
      %get3A_597 = tpu.vector_load %arg22[%get3A_596] {strides = array<i32>} : memref<256xf32, #tpu.memory_space<vmem>>, vector<16xf32>,
      %get3A_598 = vector.shape_cast %get3A_597 : vector<16xf32> to vector<16xf32>
      %get3A_599 = arith.constant 160 : index
      %get3A_600 = tpu.vector_load %arg22[%get3A_599] {strides = array<i32>} : memref<256xf32, #tpu.memory_space<vmem>>, vector<16xf32>,
      %get3A_601 = vector.shape_cast %get3A_600 : vector<16xf32> to vector<16xf32>
      %get3A_602 = arith.constant 176 : index
      %get3A_603 = tpu.vector_load %arg22[%get3A_602] {strides = array<i32>} : memref<256xf32, #tpu.memory_space<vmem>>, vector<16xf32>,
      %get3A_604 = vector.shape_cast %get3A_603 : vector<16xf32> to vector<16xf32>
      %get3A_605 = arith.constant 192 : index
      %get3A_606 = tpu.vector_load %arg22[%get3A_605] {strides = array<i32>} : memref<256xf32, #tpu.memory_space<vmem>>, vector<16xf32>,
      %get3A_607 = vector.shape_cast %get3A_606 : vector<16xf32> to vector<16xf32>
      %get3A_608 = arith.constant 208 : index
      %get3A_609 = tpu.vector_load %arg22[%get3A_608] {strides = array<i32>} : memref<256xf32, #tpu.memory_space<vmem>>, vector<16xf32>,
      %get3A_610 = vector.shape_cast %get3A_609 : vector<16xf32> to vector<16xf32>
      %get3A_611 = arith.constant 224 : index
      %get3A_612 = tpu.vector_load %arg22[%get3A_611] {strides = array<i32>} : memref<256xf32, #tpu.memory_space<vmem>>, vector<16xf32>,
      %get3A_613 = vector.shape_cast %get3A_612 : vector<16xf32> to vector<16xf32>
      %get3A_614 = arith.constant 240 : index
      %get3A_615 = tpu.vector_load %arg22[%get3A_614] {strides = array<i32>} : memref<256xf32, #tpu.memory_space<vmem>>, vector<16xf32>,
      %get3A_616 = vector.shape_cast %get3A_615 : vector<16xf32> to vector<16xf32>
      %broadcast_in_dim3A_617 = arith.constant 0.000000e+00 : f32
      %broadcast_in_dim3A_618 = vector.broadcast %broadcast_in_dim3A_617 : f32 to vector<16xf32>
      %scan3A_619 = arith.constant 0 : i32
      %scan3A_620 = arith.constant 0 : i32
      %scan3A_621 = arith.constant 316 : i32
      %scan3A_622 = arith.addi %scan3A_620, %scan3A_621 : i32
      %scan3A_623 = arith.constant 1 : i32
      %scan3A_624 = scf.for %scan3A_626 = %scan3A_620 to %scan3A_622 step %scan3A_623 iter_args(%scan3A_627 = %scan3A_619) -> (i32)  : i32 {
        %mul3A_628 = arith.constant 64 : i32
        %mul3A_629 = arith.muli %scan3A_626, %mul3A_628 : i32
        %add3A_630 = arith.addi %mul3A_569, %mul3A_629 : i32
        %dma_start3A = tpu.memref_slice %arg6[%add3A_630] : memref<323584xi32, #tpu.memory_space<hbm>> -> memref<64xi32, #tpu.memory_space<hbm>>
        %dma_start3A_631 = tpu.memref_slice %arg6[%add3A_630] : memref<323584xi32, #tpu.memory_space<hbm>> -> memref<64xi32, #tpu.memory_space<hbm>>
        tpu.enqueue_dma source(%dma_start3A_631 : memref<64xi32, #tpu.memory_space<hbm>>) target(%arg15 : memref<64xi32, #tpu.memory_space<vmem>>) target_semaphore(%arg29 : memref<!tpu.dma_semaphore, #tpu.memory_space<semaphore_mem>>)
        %dma_start3A_632 = tpu.memref_slice %arg7[%add3A_630] : memref<323584xi32, #tpu.memory_space<hbm>> -> memref<64xi32, #tpu.memory_space<hbm>>
        %dma_start3A_633 = tpu.memref_slice %arg7[%add3A_630] : memref<323584xi32, #tpu.memory_space<hbm>> -> memref<64xi32, #tpu.memory_space<hbm>>
        tpu.enqueue_dma source(%dma_start3A_633 : memref<64xi32, #tpu.memory_space<hbm>>) target(%arg16 : memref<64xi32, #tpu.memory_space<vmem>>) target_semaphore(%arg29 : memref<!tpu.dma_semaphore, #tpu.memory_space<semaphore_mem>>)
        %dma_start3A_634 = arith.constant 0 : i32
        %dma_start3A_635 = tpu.memref_slice %arg18[%dma_start3A_634] : memref<80xf32, #tpu.memory_space<vmem>> -> memref<64xf32, #tpu.memory_space<vmem>>
        %dma_start3A_636 = tpu.memref_slice %arg8[%add3A_630] : memref<323584xf32, #tpu.memory_space<hbm>> -> memref<64xf32, #tpu.memory_space<hbm>>
        %dma_start3A_637 = arith.constant 0 : i32
        %dma_start3A_638 = tpu.memref_slice %arg18[%dma_start3A_637] : memref<80xf32, #tpu.memory_space<vmem>> -> memref<64xf32, #tpu.memory_space<vmem>>
        %dma_start3A_639 = tpu.memref_slice %arg8[%add3A_630] : memref<323584xf32, #tpu.memory_space<hbm>> -> memref<64xf32, #tpu.memory_space<hbm>>
        tpu.enqueue_dma source(%dma_start3A_639 : memref<64xf32, #tpu.memory_space<hbm>>) target(%dma_start3A_638 : memref<64xf32, #tpu.memory_space<vmem>>) target_semaphore(%arg29 : memref<!tpu.dma_semaphore, #tpu.memory_space<semaphore_mem>>)
        %dma_wait3A = tpu.memref_slice %arg6[%add3A_630] : memref<323584xi32, #tpu.memory_space<hbm>> -> memref<64xi32, #tpu.memory_space<hbm>>
        %dma_wait3A_640 = tpu.memref_slice %arg6[%add3A_630] : memref<323584xi32, #tpu.memory_space<hbm>> -> memref<64xi32, #tpu.memory_space<hbm>>
        tpu.wait_dma2 semaphore(%arg29 : memref<!tpu.dma_semaphore, #tpu.memory_space<semaphore_mem>>) src(%dma_wait3A_640 : memref<64xi32, #tpu.memory_space<hbm>>) dst(%arg15 : memref<64xi32, #tpu.memory_space<vmem>>)
        %dma_wait3A_641 = tpu.memref_slice %arg7[%add3A_630] : memref<323584xi32, #tpu.memory_space<hbm>> -> memref<64xi32, #tpu.memory_space<hbm>>
        %dma_wait3A_642 = tpu.memref_slice %arg7[%add3A_630] : memref<323584xi32, #tpu.memory_space<hbm>> -> memref<64xi32, #tpu.memory_space<hbm>>
        tpu.wait_dma2 semaphore(%arg29 : memref<!tpu.dma_semaphore, #tpu.memory_space<semaphore_mem>>) src(%dma_wait3A_642 : memref<64xi32, #tpu.memory_space<hbm>>) dst(%arg16 : memref<64xi32, #tpu.memory_space<vmem>>)
        %dma_wait3A_643 = arith.constant 0 : i32
        %dma_wait3A_644 = tpu.memref_slice %arg18[%dma_wait3A_643] : memref<80xf32, #tpu.memory_space<vmem>> -> memref<64xf32, #tpu.memory_space<vmem>>
        %dma_wait3A_645 = tpu.memref_slice %arg8[%add3A_630] : memref<323584xf32, #tpu.memory_space<hbm>> -> memref<64xf32, #tpu.memory_space<hbm>>
        %dma_wait3A_646 = arith.constant 0 : i32
        %dma_wait3A_647 = tpu.memref_slice %arg18[%dma_wait3A_646] : memref<80xf32, #tpu.memory_space<vmem>> -> memref<64xf32, #tpu.memory_space<vmem>>
        %dma_wait3A_648 = tpu.memref_slice %arg8[%add3A_630] : memref<323584xf32, #tpu.memory_space<hbm>> -> memref<64xf32, #tpu.memory_space<hbm>>
        tpu.wait_dma2 semaphore(%arg29 : memref<!tpu.dma_semaphore, #tpu.memory_space<semaphore_mem>>) src(%dma_wait3A_648 : memref<64xf32, #tpu.memory_space<hbm>>) dst(%dma_wait3A_647 : memref<64xf32, #tpu.memory_space<vmem>>)
        %get3A_649 = arith.constant 0 : index
        %get3A_650 = tpu.vector_load %arg16[%get3A_649] {strides = array<i32>} : memref<64xi32, #tpu.memory_space<vmem>>, vector<16xi32>,
        %get3A_651 = vector.shape_cast %get3A_650 : vector<16xi32> to vector<16xi32>
        %swap3A_652 = arith.constant 0 : index
        %swap3A_653 = tpu.vector_load %arg17[%swap3A_652] {strides = array<i32>} : memref<80xi32, #tpu.memory_space<vmem>>, vector<16xi32>,
        %swap3A_654 = vector.shape_cast %swap3A_653 : vector<16xi32> to vector<16xi32>
        %swap3A_655 = vector.shape_cast %get3A_651 : vector<16xi32> to vector<16xi32>
        tpu.vector_store %arg17[%swap3A_652], %swap3A_655 {strides = array<i32>} : memref<80xi32, #tpu.memory_space<vmem>>, vector<16xi32>,
        %get3A_656 = arith.constant 16 : index
        %get3A_657 = tpu.vector_load %arg16[%get3A_656] {strides = array<i32>} : memref<64xi32, #tpu.memory_space<vmem>>, vector<16xi32>,
        %get3A_658 = vector.shape_cast %get3A_657 : vector<16xi32> to vector<16xi32>
        %swap3A_659 = arith.constant 16 : index
        %swap3A_660 = tpu.vector_load %arg17[%swap3A_659] {strides = array<i32>} : memref<80xi32, #tpu.memory_space<vmem>>, vector<16xi32>,
        %swap3A_661 = vector.shape_cast %swap3A_660 : vector<16xi32> to vector<16xi32>
        %swap3A_662 = vector.shape_cast %get3A_658 : vector<16xi32> to vector<16xi32>
        tpu.vector_store %arg17[%swap3A_659], %swap3A_662 {strides = array<i32>} : memref<80xi32, #tpu.memory_space<vmem>>, vector<16xi32>,
        %get3A_663 = arith.constant 32 : index
        %get3A_664 = tpu.vector_load %arg16[%get3A_663] {strides = array<i32>} : memref<64xi32, #tpu.memory_space<vmem>>, vector<16xi32>,
        %get3A_665 = vector.shape_cast %get3A_664 : vector<16xi32> to vector<16xi32>
        %swap3A_666 = arith.constant 32 : index
        %swap3A_667 = tpu.vector_load %arg17[%swap3A_666] {strides = array<i32>} : memref<80xi32, #tpu.memory_space<vmem>>, vector<16xi32>,
        %swap3A_668 = vector.shape_cast %swap3A_667 : vector<16xi32> to vector<16xi32>
        %swap3A_669 = vector.shape_cast %get3A_665 : vector<16xi32> to vector<16xi32>
        tpu.vector_store %arg17[%swap3A_666], %swap3A_669 {strides = array<i32>} : memref<80xi32, #tpu.memory_space<vmem>>, vector<16xi32>,
        %get3A_670 = arith.constant 48 : index
        %get3A_671 = tpu.vector_load %arg16[%get3A_670] {strides = array<i32>} : memref<64xi32, #tpu.memory_space<vmem>>, vector<16xi32>,
        %get3A_672 = vector.shape_cast %get3A_671 : vector<16xi32> to vector<16xi32>
        %swap3A_673 = arith.constant 48 : index
        %swap3A_674 = tpu.vector_load %arg17[%swap3A_673] {strides = array<i32>} : memref<80xi32, #tpu.memory_space<vmem>>, vector<16xi32>,
        %swap3A_675 = vector.shape_cast %swap3A_674 : vector<16xi32> to vector<16xi32>
        %swap3A_676 = vector.shape_cast %get3A_672 : vector<16xi32> to vector<16xi32>
        tpu.vector_store %arg17[%swap3A_673], %swap3A_676 {strides = array<i32>} : memref<80xi32, #tpu.memory_space<vmem>>, vector<16xi32>,
        %dma_start3A_677 = arith.constant 0 : i32
        %dma_start3A_678 = arith.constant 0 : i32
        %dma_start3A_679 = tpu.memref_slice %arg2[%dma_start3A_677, %dma_start3A_678] : memref<10112x128xf32, #tpu.memory_space<hbm>> -> memref<10112x128xf32, #tpu.memory_space<hbm>>
        tpu.enqueue_indirect_dma source(%dma_start3A_679 : memref<10112x128xf32, #tpu.memory_space<hbm>>) target(%arg19 : memref<64x128xf32, #tpu.memory_space<vmem>>) offsets(%arg15 : memref<64xi32, #tpu.memory_space<vmem>>) semaphore(%arg30 : memref<!tpu.dma_semaphore, #tpu.memory_space<semaphore_mem>>)
        %dma_start3A_680 = arith.constant 0 : i32
        %dma_start3A_681 = arith.constant 0 : i32
        %dma_start3A_682 = tpu.memref_slice %arg3[%dma_start3A_680, %dma_start3A_681] : memref<10112x128xf32, #tpu.memory_space<hbm>> -> memref<10112x128xf32, #tpu.memory_space<hbm>>
        tpu.enqueue_indirect_dma source(%dma_start3A_682 : memref<10112x128xf32, #tpu.memory_space<hbm>>) target(%arg20 : memref<64x128xf32, #tpu.memory_space<vmem>>) offsets(%arg16 : memref<64xi32, #tpu.memory_space<vmem>>) semaphore(%arg30 : memref<!tpu.dma_semaphore, #tpu.memory_space<semaphore_mem>>)
        %dma_wait3A_683 = arith.constant 0 : i32
        %dma_wait3A_684 = arith.constant 0 : i32
        %dma_wait3A_685 = tpu.memref_slice %arg2[%dma_wait3A_683, %dma_wait3A_684] : memref<10112x128xf32, #tpu.memory_space<hbm>> -> memref<10112x128xf32, #tpu.memory_space<hbm>>
        tpu.wait_indirect_dma semaphore(%arg30 : memref<!tpu.dma_semaphore, #tpu.memory_space<semaphore_mem>>) src(%dma_wait3A_685 : memref<10112x128xf32, #tpu.memory_space<hbm>>) dst(%arg19 : memref<64x128xf32, #tpu.memory_space<vmem>>)
        %dma_wait3A_686 = arith.constant 0 : i32
        %dma_wait3A_687 = arith.constant 0 : i32
        %dma_wait3A_688 = tpu.memref_slice %arg3[%dma_wait3A_686, %dma_wait3A_687] : memref<10112x128xf32, #tpu.memory_space<hbm>> -> memref<10112x128xf32, #tpu.memory_space<hbm>>
        tpu.wait_indirect_dma semaphore(%arg30 : memref<!tpu.dma_semaphore, #tpu.memory_space<semaphore_mem>>) src(%dma_wait3A_688 : memref<10112x128xf32, #tpu.memory_space<hbm>>) dst(%arg20 : memref<64x128xf32, #tpu.memory_space<vmem>>)
        %scan3A_689 = arith.constant 0 : i32
        %scan3A_690 = arith.constant 0 : i32
        %scan3A_691 = arith.constant 64 : i32
        %scan3A_692 = arith.addi %scan3A_690, %scan3A_691 : i32
        %scan3A_693 = arith.constant 1 : i32
        %scan3A_694 = scf.for %scan3A_697 = %scan3A_690 to %scan3A_692 step %scan3A_693 iter_args(%scan3A_698 = %scan3A_689) -> (i32)  : i32 {
          %get3A_699 = arith.index_cast %scan3A_697 : i32 to index
          %get3A_700 = tpu.vector_load %arg18[%get3A_699] {strides = array<i32>} : memref<80xf32, #tpu.memory_space<vmem>>, vector<16xf32>,
          %get3A_701 = vector.shape_cast %get3A_700 : vector<16xf32> to vector<16xf32>
          %slice3A = vector.extract_strided_slice %get3A_701 {offsets = [0], sizes = [1], strides = [1]} : vector<16xf32> to vector<1xf32>
          %squeeze3A = vector.extract %slice3A[0] : f32 from vector<1xf32>
          %broadcast_in_dim3A_702 = vector.broadcast %squeeze3A : f32 to vector<16xf32>
          %get3A_703 = arith.index_cast %scan3A_697 : i32 to index
          %get3A_704 = tpu.vector_load %arg17[%get3A_703] {strides = array<i32>} : memref<80xi32, #tpu.memory_space<vmem>>, vector<16xi32>,
          %get3A_705 = vector.shape_cast %get3A_704 : vector<16xi32> to vector<16xi32>
          %slice3A_706 = vector.extract_strided_slice %get3A_705 {offsets = [0], sizes = [1], strides = [1]} : vector<16xi32> to vector<1xi32>
          %squeeze3A_707 = vector.extract %slice3A_706[0] : i32 from vector<1xi32>
          %get3A_708 = arith.index_cast %scan3A_697 : i32 to index
          %get3A_709 = arith.constant 0 : index
          %get3A_710 = tpu.vector_load %arg19[%get3A_708, %get3A_709] {strides = array<i32>} : memref<64x128xf32, #tpu.memory_space<vmem>>, vector<1x16xf32>,
          %get3A_711 = vector.shape_cast %get3A_710 : vector<1x16xf32> to vector<16xf32>
          %get3A_712 = arith.index_cast %scan3A_697 : i32 to index
          %get3A_713 = arith.constant 16 : index
          %get3A_714 = tpu.vector_load %arg19[%get3A_712, %get3A_713] {strides = array<i32>} : memref<64x128xf32, #tpu.memory_space<vmem>>, vector<1x16xf32>,
          %get3A_715 = vector.shape_cast %get3A_714 : vector<1x16xf32> to vector<16xf32>
          %get3A_716 = arith.index_cast %scan3A_697 : i32 to index
          %get3A_717 = arith.constant 32 : index
          %get3A_718 = tpu.vector_load %arg19[%get3A_716, %get3A_717] {strides = array<i32>} : memref<64x128xf32, #tpu.memory_space<vmem>>, vector<1x16xf32>,
          %get3A_719 = vector.shape_cast %get3A_718 : vector<1x16xf32> to vector<16xf32>
          %get3A_720 = arith.index_cast %scan3A_697 : i32 to index
          %get3A_721 = arith.constant 48 : index
          %get3A_722 = tpu.vector_load %arg19[%get3A_720, %get3A_721] {strides = array<i32>} : memref<64x128xf32, #tpu.memory_space<vmem>>, vector<1x16xf32>,
          %get3A_723 = vector.shape_cast %get3A_722 : vector<1x16xf32> to vector<16xf32>
          %get3A_724 = arith.index_cast %scan3A_697 : i32 to index
          %get3A_725 = arith.constant 64 : index
          %get3A_726 = tpu.vector_load %arg19[%get3A_724, %get3A_725] {strides = array<i32>} : memref<64x128xf32, #tpu.memory_space<vmem>>, vector<1x16xf32>,
          %get3A_727 = vector.shape_cast %get3A_726 : vector<1x16xf32> to vector<16xf32>
          %get3A_728 = arith.index_cast %scan3A_697 : i32 to index
          %get3A_729 = arith.constant 80 : index
          %get3A_730 = tpu.vector_load %arg19[%get3A_728, %get3A_729] {strides = array<i32>} : memref<64x128xf32, #tpu.memory_space<vmem>>, vector<1x16xf32>,
          %get3A_731 = vector.shape_cast %get3A_730 : vector<1x16xf32> to vector<16xf32>
          %get3A_732 = arith.index_cast %scan3A_697 : i32 to index
          %get3A_733 = arith.constant 96 : index
          %get3A_734 = tpu.vector_load %arg19[%get3A_732, %get3A_733] {strides = array<i32>} : memref<64x128xf32, #tpu.memory_space<vmem>>, vector<1x16xf32>,
          %get3A_735 = vector.shape_cast %get3A_734 : vector<1x16xf32> to vector<16xf32>
          %get3A_736 = arith.index_cast %scan3A_697 : i32 to index
          %get3A_737 = arith.constant 112 : index
          %get3A_738 = tpu.vector_load %arg19[%get3A_736, %get3A_737] {strides = array<i32>} : memref<64x128xf32, #tpu.memory_space<vmem>>, vector<1x16xf32>,
          %get3A_739 = vector.shape_cast %get3A_738 : vector<1x16xf32> to vector<16xf32>
          %get3A_740 = arith.index_cast %scan3A_697 : i32 to index
          %get3A_741 = arith.constant 0 : index
          %get3A_742 = tpu.vector_load %arg20[%get3A_740, %get3A_741] {strides = array<i32>} : memref<64x128xf32, #tpu.memory_space<vmem>>, vector<1x16xf32>,
          %get3A_743 = vector.shape_cast %get3A_742 : vector<1x16xf32> to vector<16xf32>
          %add3A_744 = arith.addf %get3A_711, %get3A_743 : vector<16xf32>
          %mul3A_745 = arith.mulf %broadcast_in_dim3A_702, %get3A_571 : vector<16xf32>
          %add3A_746 = arith.addf %add3A_744, %mul3A_745 : vector<16xf32>
          %ge3A = arith.constant 0.000000e+00 : f32
          %ge3A_747 = vector.broadcast %ge3A : f32 to vector<16xf32>
          %ge3A_748 = arith.cmpf oge, %add3A_746, %ge3A_747 : vector<16xf32>
          %mul3A_749 = arith.constant 2.000000e-01 : f32
          %mul3A_750 = vector.broadcast %mul3A_749 : f32 to vector<16xf32>
          %mul3A_751 = arith.mulf %mul3A_750, %add3A_746 : vector<16xf32>
          %select_n3A = arith.select %ge3A_748, %add3A_746, %mul3A_751 : vector<16xi1>, vector<16xf32>
          %mul3A_752 = arith.mulf %get3A_595, %select_n3A : vector<16xf32>
          %add3A_753 = arith.addf %broadcast_in_dim3A_618, %mul3A_752 : vector<16xf32>
          %get3A_754 = arith.index_cast %scan3A_697 : i32 to index
          %get3A_755 = arith.constant 16 : index
          %get3A_756 = tpu.vector_load %arg20[%get3A_754, %get3A_755] {strides = array<i32>} : memref<64x128xf32, #tpu.memory_space<vmem>>, vector<1x16xf32>,
          %get3A_757 = vector.shape_cast %get3A_756 : vector<1x16xf32> to vector<16xf32>
          %add3A_758 = arith.addf %get3A_715, %get3A_757 : vector<16xf32>
          %mul3A_759 = arith.mulf %broadcast_in_dim3A_702, %get3A_574 : vector<16xf32>
          %add3A_760 = arith.addf %add3A_758, %mul3A_759 : vector<16xf32>
          %ge3A_761 = arith.constant 0.000000e+00 : f32
          %ge3A_762 = vector.broadcast %ge3A_761 : f32 to vector<16xf32>
          %ge3A_763 = arith.cmpf oge, %add3A_760, %ge3A_762 : vector<16xf32>
          %mul3A_764 = arith.constant 2.000000e-01 : f32
          %mul3A_765 = vector.broadcast %mul3A_764 : f32 to vector<16xf32>
          %mul3A_766 = arith.mulf %mul3A_765, %add3A_760 : vector<16xf32>
          %select_n3A_767 = arith.select %ge3A_763, %add3A_760, %mul3A_766 : vector<16xi1>, vector<16xf32>
          %mul3A_768 = arith.mulf %get3A_598, %select_n3A_767 : vector<16xf32>
          %add3A_769 = arith.addf %add3A_753, %mul3A_768 : vector<16xf32>
          %get3A_770 = arith.index_cast %scan3A_697 : i32 to index
          %get3A_771 = arith.constant 32 : index
          %get3A_772 = tpu.vector_load %arg20[%get3A_770, %get3A_771] {strides = array<i32>} : memref<64x128xf32, #tpu.memory_space<vmem>>, vector<1x16xf32>,
          %get3A_773 = vector.shape_cast %get3A_772 : vector<1x16xf32> to vector<16xf32>
          %add3A_774 = arith.addf %get3A_719, %get3A_773 : vector<16xf32>
          %mul3A_775 = arith.mulf %broadcast_in_dim3A_702, %get3A_577 : vector<16xf32>
          %add3A_776 = arith.addf %add3A_774, %mul3A_775 : vector<16xf32>
          %ge3A_777 = arith.constant 0.000000e+00 : f32
          %ge3A_778 = vector.broadcast %ge3A_777 : f32 to vector<16xf32>
          %ge3A_779 = arith.cmpf oge, %add3A_776, %ge3A_778 : vector<16xf32>
          %mul3A_780 = arith.constant 2.000000e-01 : f32
          %mul3A_781 = vector.broadcast %mul3A_780 : f32 to vector<16xf32>
          %mul3A_782 = arith.mulf %mul3A_781, %add3A_776 : vector<16xf32>
          %select_n3A_783 = arith.select %ge3A_779, %add3A_776, %mul3A_782 : vector<16xi1>, vector<16xf32>
          %mul3A_784 = arith.mulf %get3A_601, %select_n3A_783 : vector<16xf32>
          %add3A_785 = arith.addf %add3A_769, %mul3A_784 : vector<16xf32>
          %get3A_786 = arith.index_cast %scan3A_697 : i32 to index
          %get3A_787 = arith.constant 48 : index
          %get3A_788 = tpu.vector_load %arg20[%get3A_786, %get3A_787] {strides = array<i32>} : memref<64x128xf32, #tpu.memory_space<vmem>>, vector<1x16xf32>,
          %get3A_789 = vector.shape_cast %get3A_788 : vector<1x16xf32> to vector<16xf32>
          %add3A_790 = arith.addf %get3A_723, %get3A_789 : vector<16xf32>
          %mul3A_791 = arith.mulf %broadcast_in_dim3A_702, %get3A_580 : vector<16xf32>
          %add3A_792 = arith.addf %add3A_790, %mul3A_791 : vector<16xf32>
          %ge3A_793 = arith.constant 0.000000e+00 : f32
          %ge3A_794 = vector.broadcast %ge3A_793 : f32 to vector<16xf32>
          %ge3A_795 = arith.cmpf oge, %add3A_792, %ge3A_794 : vector<16xf32>
          %mul3A_796 = arith.constant 2.000000e-01 : f32
          %mul3A_797 = vector.broadcast %mul3A_796 : f32 to vector<16xf32>
          %mul3A_798 = arith.mulf %mul3A_797, %add3A_792 : vector<16xf32>
          %select_n3A_799 = arith.select %ge3A_795, %add3A_792, %mul3A_798 : vector<16xi1>, vector<16xf32>
          %mul3A_800 = arith.mulf %get3A_604, %select_n3A_799 : vector<16xf32>
          %add3A_801 = arith.addf %add3A_785, %mul3A_800 : vector<16xf32>
          %get3A_802 = arith.index_cast %scan3A_697 : i32 to index
          %get3A_803 = arith.constant 64 : index
          %get3A_804 = tpu.vector_load %arg20[%get3A_802, %get3A_803] {strides = array<i32>} : memref<64x128xf32, #tpu.memory_space<vmem>>, vector<1x16xf32>,
          %get3A_805 = vector.shape_cast %get3A_804 : vector<1x16xf32> to vector<16xf32>
          %add3A_806 = arith.addf %get3A_727, %get3A_805 : vector<16xf32>
          %mul3A_807 = arith.mulf %broadcast_in_dim3A_702, %get3A_583 : vector<16xf32>
          %add3A_808 = arith.addf %add3A_806, %mul3A_807 : vector<16xf32>
          %ge3A_809 = arith.constant 0.000000e+00 : f32
          %ge3A_810 = vector.broadcast %ge3A_809 : f32 to vector<16xf32>
          %ge3A_811 = arith.cmpf oge, %add3A_808, %ge3A_810 : vector<16xf32>
          %mul3A_812 = arith.constant 2.000000e-01 : f32
          %mul3A_813 = vector.broadcast %mul3A_812 : f32 to vector<16xf32>
          %mul3A_814 = arith.mulf %mul3A_813, %add3A_808 : vector<16xf32>
          %select_n3A_815 = arith.select %ge3A_811, %add3A_808, %mul3A_814 : vector<16xi1>, vector<16xf32>
          %mul3A_816 = arith.mulf %get3A_607, %select_n3A_815 : vector<16xf32>
          %add3A_817 = arith.addf %broadcast_in_dim3A_618, %mul3A_816 : vector<16xf32>
          %get3A_818 = arith.index_cast %scan3A_697 : i32 to index
          %get3A_819 = arith.constant 80 : index
          %get3A_820 = tpu.vector_load %arg20[%get3A_818, %get3A_819] {strides = array<i32>} : memref<64x128xf32, #tpu.memory_space<vmem>>, vector<1x16xf32>,
          %get3A_821 = vector.shape_cast %get3A_820 : vector<1x16xf32> to vector<16xf32>
          %add3A_822 = arith.addf %get3A_731, %get3A_821 : vector<16xf32>
          %mul3A_823 = arith.mulf %broadcast_in_dim3A_702, %get3A_586 : vector<16xf32>
          %add3A_824 = arith.addf %add3A_822, %mul3A_823 : vector<16xf32>
          %ge3A_825 = arith.constant 0.000000e+00 : f32
          %ge3A_826 = vector.broadcast %ge3A_825 : f32 to vector<16xf32>
          %ge3A_827 = arith.cmpf oge, %add3A_824, %ge3A_826 : vector<16xf32>
          %mul3A_828 = arith.constant 2.000000e-01 : f32
          %mul3A_829 = vector.broadcast %mul3A_828 : f32 to vector<16xf32>
          %mul3A_830 = arith.mulf %mul3A_829, %add3A_824 : vector<16xf32>
          %select_n3A_831 = arith.select %ge3A_827, %add3A_824, %mul3A_830 : vector<16xi1>, vector<16xf32>
          %mul3A_832 = arith.mulf %get3A_610, %select_n3A_831 : vector<16xf32>
          %add3A_833 = arith.addf %add3A_817, %mul3A_832 : vector<16xf32>
          %get3A_834 = arith.index_cast %scan3A_697 : i32 to index
          %get3A_835 = arith.constant 96 : index
          %get3A_836 = tpu.vector_load %arg20[%get3A_834, %get3A_835] {strides = array<i32>} : memref<64x128xf32, #tpu.memory_space<vmem>>, vector<1x16xf32>,
          %get3A_837 = vector.shape_cast %get3A_836 : vector<1x16xf32> to vector<16xf32>
          %add3A_838 = arith.addf %get3A_735, %get3A_837 : vector<16xf32>
          %mul3A_839 = arith.mulf %broadcast_in_dim3A_702, %get3A_589 : vector<16xf32>
          %add3A_840 = arith.addf %add3A_838, %mul3A_839 : vector<16xf32>
          %ge3A_841 = arith.constant 0.000000e+00 : f32
          %ge3A_842 = vector.broadcast %ge3A_841 : f32 to vector<16xf32>
          %ge3A_843 = arith.cmpf oge, %add3A_840, %ge3A_842 : vector<16xf32>
          %mul3A_844 = arith.constant 2.000000e-01 : f32
          %mul3A_845 = vector.broadcast %mul3A_844 : f32 to vector<16xf32>
          %mul3A_846 = arith.mulf %mul3A_845, %add3A_840 : vector<16xf32>
          %select_n3A_847 = arith.select %ge3A_843, %add3A_840, %mul3A_846 : vector<16xi1>, vector<16xf32>
          %mul3A_848 = arith.mulf %get3A_613, %select_n3A_847 : vector<16xf32>
          %add3A_849 = arith.addf %add3A_833, %mul3A_848 : vector<16xf32>
          %get3A_850 = arith.index_cast %scan3A_697 : i32 to index
          %get3A_851 = arith.constant 112 : index
          %get3A_852 = tpu.vector_load %arg20[%get3A_850, %get3A_851] {strides = array<i32>} : memref<64x128xf32, #tpu.memory_space<vmem>>, vector<1x16xf32>,
          %get3A_853 = vector.shape_cast %get3A_852 : vector<1x16xf32> to vector<16xf32>
          %add3A_854 = arith.addf %get3A_739, %get3A_853 : vector<16xf32>
          %mul3A_855 = arith.mulf %broadcast_in_dim3A_702, %get3A_592 : vector<16xf32>
          %add3A_856 = arith.addf %add3A_854, %mul3A_855 : vector<16xf32>
          %ge3A_857 = arith.constant 0.000000e+00 : f32
          %ge3A_858 = vector.broadcast %ge3A_857 : f32 to vector<16xf32>
          %ge3A_859 = arith.cmpf oge, %add3A_856, %ge3A_858 : vector<16xf32>
          %mul3A_860 = arith.constant 2.000000e-01 : f32
          %mul3A_861 = vector.broadcast %mul3A_860 : f32 to vector<16xf32>
          %mul3A_862 = arith.mulf %mul3A_861, %add3A_856 : vector<16xf32>
          %select_n3A_863 = arith.select %ge3A_859, %add3A_856, %mul3A_862 : vector<16xi1>, vector<16xf32>
          %mul3A_864 = arith.mulf %get3A_616, %select_n3A_863 : vector<16xf32>
          %add3A_865 = arith.addf %add3A_849, %mul3A_864 : vector<16xf32>
          %xor3A = arith.constant 1 : i32
          %xor3A_866 = vector.broadcast %xor3A : i32 to vector<16xi32>
          %xor3A_867 = arith.xori %iota3A, %xor3A_866 : vector<16xi32>
          %reshape3A = vector.shape_cast %xor3A_867 : vector<16xi32> to vector<16x1xi32>
          %gather3A = vector.shape_cast %reshape3A : vector<16x1xi32> to vector<16xi32>
          %gather3A_868 = tpu.dynamic_gather %add3A_801[%gather3A] in [0] : vector<16xf32>, vector<16xi32> -> vector<16xf32>
          %add3A_869 = arith.addf %add3A_801, %gather3A_868 : vector<16xf32>
          %xor3A_870 = arith.constant 2 : i32
          %xor3A_871 = vector.broadcast %xor3A_870 : i32 to vector<16xi32>
          %xor3A_872 = arith.xori %iota3A, %xor3A_871 : vector<16xi32>
          %reshape3A_873 = vector.shape_cast %xor3A_872 : vector<16xi32> to vector<16x1xi32>
          %gather3A_874 = vector.shape_cast %reshape3A_873 : vector<16x1xi32> to vector<16xi32>
          %gather3A_875 = tpu.dynamic_gather %add3A_869[%gather3A_874] in [0] : vector<16xf32>, vector<16xi32> -> vector<16xf32>
          %add3A_876 = arith.addf %add3A_869, %gather3A_875 : vector<16xf32>
          %xor3A_877 = arith.constant 4 : i32
          %xor3A_878 = vector.broadcast %xor3A_877 : i32 to vector<16xi32>
          %xor3A_879 = arith.xori %iota3A, %xor3A_878 : vector<16xi32>
          %reshape3A_880 = vector.shape_cast %xor3A_879 : vector<16xi32> to vector<16x1xi32>
          %gather3A_881 = vector.shape_cast %reshape3A_880 : vector<16x1xi32> to vector<16xi32>
          %gather3A_882 = tpu.dynamic_gather %add3A_876[%gather3A_881] in [0] : vector<16xf32>, vector<16xi32> -> vector<16xf32>
          %add3A_883 = arith.addf %add3A_876, %gather3A_882 : vector<16xf32>
          %xor3A_884 = arith.constant 8 : i32
          %xor3A_885 = vector.broadcast %xor3A_884 : i32 to vector<16xi32>
          %xor3A_886 = arith.xori %iota3A, %xor3A_885 : vector<16xi32>
          %reshape3A_887 = vector.shape_cast %xor3A_886 : vector<16xi32> to vector<16x1xi32>
          %gather3A_888 = vector.shape_cast %reshape3A_887 : vector<16x1xi32> to vector<16xi32>
          %gather3A_889 = tpu.dynamic_gather %add3A_883[%gather3A_888] in [0] : vector<16xf32>, vector<16xi32> -> vector<16xf32>
          %add3A_890 = arith.addf %add3A_883, %gather3A_889 : vector<16xf32>
          %exp3A = math.exp %add3A_890 : vector<16xf32>
          %xor3A_891 = arith.constant 1 : i32
          %xor3A_892 = vector.broadcast %xor3A_891 : i32 to vector<16xi32>
          %xor3A_893 = arith.xori %iota3A, %xor3A_892 : vector<16xi32>
          %reshape3A_894 = vector.shape_cast %xor3A_893 : vector<16xi32> to vector<16x1xi32>
          %gather3A_895 = vector.shape_cast %reshape3A_894 : vector<16x1xi32> to vector<16xi32>
          %gather3A_896 = tpu.dynamic_gather %add3A_865[%gather3A_895] in [0] : vector<16xf32>, vector<16xi32> -> vector<16xf32>
          %add3A_897 = arith.addf %add3A_865, %gather3A_896 : vector<16xf32>
          %xor3A_898 = arith.constant 2 : i32
          %xor3A_899 = vector.broadcast %xor3A_898 : i32 to vector<16xi32>
          %xor3A_900 = arith.xori %iota3A, %xor3A_899 : vector<16xi32>
          %reshape3A_901 = vector.shape_cast %xor3A_900 : vector<16xi32> to vector<16x1xi32>
          %gather3A_902 = vector.shape_cast %reshape3A_901 : vector<16x1xi32> to vector<16xi32>
          %gather3A_903 = tpu.dynamic_gather %add3A_897[%gather3A_902] in [0] : vector<16xf32>, vector<16xi32> -> vector<16xf32>
          %add3A_904 = arith.addf %add3A_897, %gather3A_903 : vector<16xf32>
          %xor3A_905 = arith.constant 4 : i32
          %xor3A_906 = vector.broadcast %xor3A_905 : i32 to vector<16xi32>
          %xor3A_907 = arith.xori %iota3A, %xor3A_906 : vector<16xi32>
          %reshape3A_908 = vector.shape_cast %xor3A_907 : vector<16xi32> to vector<16x1xi32>
          %gather3A_909 = vector.shape_cast %reshape3A_908 : vector<16x1xi32> to vector<16xi32>
          %gather3A_910 = tpu.dynamic_gather %add3A_904[%gather3A_909] in [0] : vector<16xf32>, vector<16xi32> -> vector<16xf32>
          %add3A_911 = arith.addf %add3A_904, %gather3A_910 : vector<16xf32>
          %xor3A_912 = arith.constant 8 : i32
          %xor3A_913 = vector.broadcast %xor3A_912 : i32 to vector<16xi32>
          %xor3A_914 = arith.xori %iota3A, %xor3A_913 : vector<16xi32>
          %reshape3A_915 = vector.shape_cast %xor3A_914 : vector<16xi32> to vector<16x1xi32>
          %gather3A_916 = vector.shape_cast %reshape3A_915 : vector<16x1xi32> to vector<16xi32>
          %gather3A_917 = tpu.dynamic_gather %add3A_911[%gather3A_916] in [0] : vector<16xf32>, vector<16xi32> -> vector<16xf32>
          %add3A_918 = arith.addf %add3A_911, %gather3A_917 : vector<16xf32>
          %exp3A_919 = math.exp %add3A_918 : vector<16xf32>
          %mul3A_920 = arith.mulf %exp3A, %get3A_711 : vector<16xf32>
          %swap3A_921 = arith.index_cast %scan3A_697 : i32 to index
          %swap3A_922 = arith.constant 0 : index
          %swap3A_923 = tpu.vector_load %arg21[%swap3A_921, %swap3A_922] {strides = array<i32>} : memref<64x128xf32, #tpu.memory_space<vmem>>, vector<1x16xf32>,
          %swap3A_924 = vector.shape_cast %swap3A_923 : vector<1x16xf32> to vector<16xf32>
          %swap3A_925 = vector.shape_cast %mul3A_920 : vector<16xf32> to vector<1x16xf32>
          tpu.vector_store %arg21[%swap3A_921, %swap3A_922], %swap3A_925 {strides = array<i32>} : memref<64x128xf32, #tpu.memory_space<vmem>>, vector<1x16xf32>,
          %mul3A_926 = arith.mulf %exp3A, %get3A_715 : vector<16xf32>
          %swap3A_927 = arith.index_cast %scan3A_697 : i32 to index
          %swap3A_928 = arith.constant 16 : index
          %swap3A_929 = tpu.vector_load %arg21[%swap3A_927, %swap3A_928] {strides = array<i32>} : memref<64x128xf32, #tpu.memory_space<vmem>>, vector<1x16xf32>,
          %swap3A_930 = vector.shape_cast %swap3A_929 : vector<1x16xf32> to vector<16xf32>
          %swap3A_931 = vector.shape_cast %mul3A_926 : vector<16xf32> to vector<1x16xf32>
          tpu.vector_store %arg21[%swap3A_927, %swap3A_928], %swap3A_931 {strides = array<i32>} : memref<64x128xf32, #tpu.memory_space<vmem>>, vector<1x16xf32>,
          %mul3A_932 = arith.mulf %exp3A, %get3A_719 : vector<16xf32>
          %swap3A_933 = arith.index_cast %scan3A_697 : i32 to index
          %swap3A_934 = arith.constant 32 : index
          %swap3A_935 = tpu.vector_load %arg21[%swap3A_933, %swap3A_934] {strides = array<i32>} : memref<64x128xf32, #tpu.memory_space<vmem>>, vector<1x16xf32>,
          %swap3A_936 = vector.shape_cast %swap3A_935 : vector<1x16xf32> to vector<16xf32>
          %swap3A_937 = vector.shape_cast %mul3A_932 : vector<16xf32> to vector<1x16xf32>
          tpu.vector_store %arg21[%swap3A_933, %swap3A_934], %swap3A_937 {strides = array<i32>} : memref<64x128xf32, #tpu.memory_space<vmem>>, vector<1x16xf32>,
          %mul3A_938 = arith.mulf %exp3A, %get3A_723 : vector<16xf32>
          %swap3A_939 = arith.index_cast %scan3A_697 : i32 to index
          %swap3A_940 = arith.constant 48 : index
          %swap3A_941 = tpu.vector_load %arg21[%swap3A_939, %swap3A_940] {strides = array<i32>} : memref<64x128xf32, #tpu.memory_space<vmem>>, vector<1x16xf32>,
          %swap3A_942 = vector.shape_cast %swap3A_941 : vector<1x16xf32> to vector<16xf32>
          %swap3A_943 = vector.shape_cast %mul3A_938 : vector<16xf32> to vector<1x16xf32>
          tpu.vector_store %arg21[%swap3A_939, %swap3A_940], %swap3A_943 {strides = array<i32>} : memref<64x128xf32, #tpu.memory_space<vmem>>, vector<1x16xf32>,
          %mul3A_944 = arith.mulf %exp3A_919, %get3A_727 : vector<16xf32>
          %swap3A_945 = arith.index_cast %scan3A_697 : i32 to index
          %swap3A_946 = arith.constant 64 : index
          %swap3A_947 = tpu.vector_load %arg21[%swap3A_945, %swap3A_946] {strides = array<i32>} : memref<64x128xf32, #tpu.memory_space<vmem>>, vector<1x16xf32>,
          %swap3A_948 = vector.shape_cast %swap3A_947 : vector<1x16xf32> to vector<16xf32>
          %swap3A_949 = vector.shape_cast %mul3A_944 : vector<16xf32> to vector<1x16xf32>
          tpu.vector_store %arg21[%swap3A_945, %swap3A_946], %swap3A_949 {strides = array<i32>} : memref<64x128xf32, #tpu.memory_space<vmem>>, vector<1x16xf32>,
          %mul3A_950 = arith.mulf %exp3A_919, %get3A_731 : vector<16xf32>
          %swap3A_951 = arith.index_cast %scan3A_697 : i32 to index
          %swap3A_952 = arith.constant 80 : index
          %swap3A_953 = tpu.vector_load %arg21[%swap3A_951, %swap3A_952] {strides = array<i32>} : memref<64x128xf32, #tpu.memory_space<vmem>>, vector<1x16xf32>,
          %swap3A_954 = vector.shape_cast %swap3A_953 : vector<1x16xf32> to vector<16xf32>
          %swap3A_955 = vector.shape_cast %mul3A_950 : vector<16xf32> to vector<1x16xf32>
          tpu.vector_store %arg21[%swap3A_951, %swap3A_952], %swap3A_955 {strides = array<i32>} : memref<64x128xf32, #tpu.memory_space<vmem>>, vector<1x16xf32>,
          %mul3A_956 = arith.mulf %exp3A_919, %get3A_735 : vector<16xf32>
          %swap3A_957 = arith.index_cast %scan3A_697 : i32 to index
          %swap3A_958 = arith.constant 96 : index
          %swap3A_959 = tpu.vector_load %arg21[%swap3A_957, %swap3A_958] {strides = array<i32>} : memref<64x128xf32, #tpu.memory_space<vmem>>, vector<1x16xf32>,
          %swap3A_960 = vector.shape_cast %swap3A_959 : vector<1x16xf32> to vector<16xf32>
          %swap3A_961 = vector.shape_cast %mul3A_956 : vector<16xf32> to vector<1x16xf32>
          tpu.vector_store %arg21[%swap3A_957, %swap3A_958], %swap3A_961 {strides = array<i32>} : memref<64x128xf32, #tpu.memory_space<vmem>>, vector<1x16xf32>,
          %mul3A_962 = arith.mulf %exp3A_919, %get3A_739 : vector<16xf32>
          %swap3A_963 = arith.index_cast %scan3A_697 : i32 to index
          %swap3A_964 = arith.constant 112 : index
          %swap3A_965 = tpu.vector_load %arg21[%swap3A_963, %swap3A_964] {strides = array<i32>} : memref<64x128xf32, #tpu.memory_space<vmem>>, vector<1x16xf32>,
          %swap3A_966 = vector.shape_cast %swap3A_965 : vector<1x16xf32> to vector<16xf32>
          %swap3A_967 = vector.shape_cast %mul3A_962 : vector<16xf32> to vector<1x16xf32>
          tpu.vector_store %arg21[%swap3A_963, %swap3A_964], %swap3A_967 {strides = array<i32>} : memref<64x128xf32, #tpu.memory_space<vmem>>, vector<1x16xf32>,
          %and3A = arith.constant 63 : i32
          %and3A_968 = arith.andi %squeeze3A_707, %and3A : i32
          %mul3A_969 = arith.constant 2 : i32
          %mul3A_970 = arith.muli %and3A_968, %mul3A_969 : i32
          %shift_right_logical3A = arith.constant 6 : i32
          %shift_right_logical3A_971 = arith.shrui %squeeze3A_707, %shift_right_logical3A : i32
          %and3A_972 = arith.constant 112 : i32
          %and3A_973 = arith.andi %mul3A_970, %and3A_972 : i32
          %and3A_974 = arith.constant 15 : i32
          %and3A_975 = arith.andi %mul3A_970, %and3A_974 : i32
          %broadcast_in_dim3A_976 = vector.broadcast %and3A_975 : i32 to vector<16xi32>
          %get3A_977 = arith.index_cast %shift_right_logical3A_971 : i32 to index
          %get3A_978 = arith.index_cast %and3A_973 : i32 to index
          %get3A_979 = tpu.vector_load %arg26[%get3A_977, %get3A_978] {strides = array<i32>} : memref<160x128xf32, #tpu.memory_space<vmem>>, vector<1x16xf32>,
          %get3A_980 = vector.shape_cast %get3A_979 : vector<1x16xf32> to vector<16xf32>
          %eq3A_981 = arith.cmpi eq, %iota3A, %broadcast_in_dim3A_976 : vector<16xi32>
          %select_n3A_982 = arith.select %eq3A_981, %exp3A, %broadcast_in_dim3A_618 : vector<16xi1>, vector<16xf32>
          %add3A_983 = arith.addf %get3A_980, %select_n3A_982 : vector<16xf32>
          %add3A_984 = arith.constant 1 : i32
          %add3A_985 = vector.broadcast %add3A_984 : i32 to vector<16xi32>
          %add3A_986 = arith.addi %broadcast_in_dim3A_976, %add3A_985 : vector<16xi32>
          %eq3A_987 = arith.cmpi eq, %iota3A, %add3A_986 : vector<16xi32>
          %select_n3A_988 = arith.select %eq3A_987, %exp3A_919, %broadcast_in_dim3A_618 : vector<16xi1>, vector<16xf32>
          %add3A_989 = arith.addf %add3A_983, %select_n3A_988 : vector<16xf32>
          %swap3A_990 = arith.index_cast %shift_right_logical3A_971 : i32 to index
          %swap3A_991 = arith.index_cast %and3A_973 : i32 to index
          %swap3A_992 = tpu.vector_load %arg26[%swap3A_990, %swap3A_991] {strides = array<i32>} : memref<160x128xf32, #tpu.memory_space<vmem>>, vector<1x16xf32>,
          %swap3A_993 = vector.shape_cast %swap3A_992 : vector<1x16xf32> to vector<16xf32>
          %swap3A_994 = vector.shape_cast %add3A_989 : vector<16xf32> to vector<1x16xf32>
          tpu.vector_store %arg26[%swap3A_990, %swap3A_991], %swap3A_994 {strides = array<i32>} : memref<160x128xf32, #tpu.memory_space<vmem>>, vector<1x16xf32>,
          %scan3A_995 = arith.constant 0 : i32
          scf.yield %scan3A_995 : i32
        }
        %scan3A_695 = arith.constant 64 : i32
        "tpu.region"() ({
          %run_scoped3A = tpu.sem_alloc : memref<!tpu.dma_semaphore, #tpu.memory_space<semaphore_mem>>
          %dma_start3A_697 = arith.constant 0 : i32
          %dma_start3A_698 = arith.constant 0 : i32
          %dma_start3A_699 = tpu.memref_slice %arg27[%dma_start3A_697, %dma_start3A_698] : memref<10112x128xf32, #tpu.memory_space<vmem_shared>> -> memref<10112x128xf32, #tpu.memory_space<vmem_shared>>
          tpu.enqueue_indirect_dma source(%arg21 : memref<64x128xf32, #tpu.memory_space<vmem>>) target(%dma_start3A_699 : memref<10112x128xf32, #tpu.memory_space<vmem_shared>>) offsets(%arg16 : memref<64xi32, #tpu.memory_space<vmem>>) semaphore(%run_scoped3A : memref<!tpu.dma_semaphore, #tpu.memory_space<semaphore_mem>>) {add = true}
          %dma_wait3A_700 = arith.constant 0 : i32
          %dma_wait3A_701 = arith.constant 0 : i32
          %dma_wait3A_702 = tpu.memref_slice %arg27[%dma_wait3A_700, %dma_wait3A_701] : memref<10112x128xf32, #tpu.memory_space<vmem_shared>> -> memref<10112x128xf32, #tpu.memory_space<vmem_shared>>
          tpu.wait_indirect_dma semaphore(%run_scoped3A : memref<!tpu.dma_semaphore, #tpu.memory_space<semaphore_mem>>) src(%arg21 : memref<64x128xf32, #tpu.memory_space<vmem>>) dst(%dma_wait3A_702 : memref<10112x128xf32, #tpu.memory_space<vmem_shared>>)
          tpu.yield
        }) : () -> ()
        %scan3A_696 = arith.constant 0 : i32
        scf.yield %scan3A_696 : i32
      }
      %scan3A_625 = arith.constant 316 : i32
    } else {
    }
    %eq3A_552 = arith.constant 1 : i32
    %eq3A_553 = arith.cmpi eq, %arg0, %eq3A_552 : i32
    %convert_element_type3A_554 = arith.extui %eq3A_553 : i1 to i32
    %cond3A_555 = arith.constant 0 : i32
    %cond3A_556 = arith.cmpi ne, %convert_element_type3A_554, %cond3A_555 : i32
    scf.if %cond3A_556 {
      "tpu.region"() ({
        %run_scoped3A = tpu.sem_alloc : memref<!tpu.dma_semaphore, #tpu.memory_space<semaphore_mem>>
        tpu.enqueue_dma source(%arg10 : memref<256xf32, #tpu.memory_space<hbm>>) target(%arg22 : memref<256xf32, #tpu.memory_space<vmem>>) target_semaphore(%run_scoped3A : memref<!tpu.dma_semaphore, #tpu.memory_space<semaphore_mem>>)
        tpu.wait_dma2 semaphore(%run_scoped3A : memref<!tpu.dma_semaphore, #tpu.memory_space<semaphore_mem>>) src(%arg10 : memref<256xf32, #tpu.memory_space<hbm>>) dst(%arg22 : memref<256xf32, #tpu.memory_space<vmem>>)
        tpu.yield
      }) : () -> ()
      %mul3A_568 = arith.constant 20224 : i32
      %mul3A_569 = arith.muli %arg1, %mul3A_568 : i32
      %get3A = arith.constant 0 : index
      %get3A_570 = tpu.vector_load %arg22[%get3A] {strides = array<i32>} : memref<256xf32, #tpu.memory_space<vmem>>, vector<16xf32>,
      %get3A_571 = vector.shape_cast %get3A_570 : vector<16xf32> to vector<16xf32>
      %get3A_572 = arith.constant 16 : index
      %get3A_573 = tpu.vector_load %arg22[%get3A_572] {strides = array<i32>} : memref<256xf32, #tpu.memory_space<vmem>>, vector<16xf32>,
      %get3A_574 = vector.shape_cast %get3A_573 : vector<16xf32> to vector<16xf32>
      %get3A_575 = arith.constant 32 : index
      %get3A_576 = tpu.vector_load %arg22[%get3A_575] {strides = array<i32>} : memref<256xf32, #tpu.memory_space<vmem>>, vector<16xf32>,
      %get3A_577 = vector.shape_cast %get3A_576 : vector<16xf32> to vector<16xf32>
      %get3A_578 = arith.constant 48 : index
      %get3A_579 = tpu.vector_load %arg22[%get3A_578] {strides = array<i32>} : memref<256xf32, #tpu.memory_space<vmem>>, vector<16xf32>,
      %get3A_580 = vector.shape_cast %get3A_579 : vector<16xf32> to vector<16xf32>
      %get3A_581 = arith.constant 64 : index
      %get3A_582 = tpu.vector_load %arg22[%get3A_581] {strides = array<i32>} : memref<256xf32, #tpu.memory_space<vmem>>, vector<16xf32>,
      %get3A_583 = vector.shape_cast %get3A_582 : vector<16xf32> to vector<16xf32>
      %get3A_584 = arith.constant 80 : index
      %get3A_585 = tpu.vector_load %arg22[%get3A_584] {strides = array<i32>} : memref<256xf32, #tpu.memory_space<vmem>>, vector<16xf32>,
      %get3A_586 = vector.shape_cast %get3A_585 : vector<16xf32> to vector<16xf32>
      %get3A_587 = arith.constant 96 : index
      %get3A_588 = tpu.vector_load %arg22[%get3A_587] {strides = array<i32>} : memref<256xf32, #tpu.memory_space<vmem>>, vector<16xf32>,
      %get3A_589 = vector.shape_cast %get3A_588 : vector<16xf32> to vector<16xf32>
      %get3A_590 = arith.constant 112 : index
      %get3A_591 = tpu.vector_load %arg22[%get3A_590] {strides = array<i32>} : memref<256xf32, #tpu.memory_space<vmem>>, vector<16xf32>,
      %get3A_592 = vector.shape_cast %get3A_591 : vector<16xf32> to vector<16xf32>
      %get3A_593 = arith.constant 128 : index
      %get3A_594 = tpu.vector_load %arg22[%get3A_593] {strides = array<i32>} : memref<256xf32, #tpu.memory_space<vmem>>, vector<16xf32>,
      %get3A_595 = vector.shape_cast %get3A_594 : vector<16xf32> to vector<16xf32>
      %get3A_596 = arith.constant 144 : index
      %get3A_597 = tpu.vector_load %arg22[%get3A_596] {strides = array<i32>} : memref<256xf32, #tpu.memory_space<vmem>>, vector<16xf32>,
      %get3A_598 = vector.shape_cast %get3A_597 : vector<16xf32> to vector<16xf32>
      %get3A_599 = arith.constant 160 : index
      %get3A_600 = tpu.vector_load %arg22[%get3A_599] {strides = array<i32>} : memref<256xf32, #tpu.memory_space<vmem>>, vector<16xf32>,
      %get3A_601 = vector.shape_cast %get3A_600 : vector<16xf32> to vector<16xf32>
      %get3A_602 = arith.constant 176 : index
      %get3A_603 = tpu.vector_load %arg22[%get3A_602] {strides = array<i32>} : memref<256xf32, #tpu.memory_space<vmem>>, vector<16xf32>,
      %get3A_604 = vector.shape_cast %get3A_603 : vector<16xf32> to vector<16xf32>
      %get3A_605 = arith.constant 192 : index
      %get3A_606 = tpu.vector_load %arg22[%get3A_605] {strides = array<i32>} : memref<256xf32, #tpu.memory_space<vmem>>, vector<16xf32>,
      %get3A_607 = vector.shape_cast %get3A_606 : vector<16xf32> to vector<16xf32>
      %get3A_608 = arith.constant 208 : index
      %get3A_609 = tpu.vector_load %arg22[%get3A_608] {strides = array<i32>} : memref<256xf32, #tpu.memory_space<vmem>>, vector<16xf32>,
      %get3A_610 = vector.shape_cast %get3A_609 : vector<16xf32> to vector<16xf32>
      %get3A_611 = arith.constant 224 : index
      %get3A_612 = tpu.vector_load %arg22[%get3A_611] {strides = array<i32>} : memref<256xf32, #tpu.memory_space<vmem>>, vector<16xf32>,
      %get3A_613 = vector.shape_cast %get3A_612 : vector<16xf32> to vector<16xf32>
      %get3A_614 = arith.constant 240 : index
      %get3A_615 = tpu.vector_load %arg22[%get3A_614] {strides = array<i32>} : memref<256xf32, #tpu.memory_space<vmem>>, vector<16xf32>,
      %get3A_616 = vector.shape_cast %get3A_615 : vector<16xf32> to vector<16xf32>
      %broadcast_in_dim3A_617 = arith.constant 0.000000e+00 : f32
      %broadcast_in_dim3A_618 = vector.broadcast %broadcast_in_dim3A_617 : f32 to vector<16xf32>
      %scan3A_619 = arith.constant 0 : i32
      %scan3A_620 = arith.constant 0 : i32
      %scan3A_621 = arith.constant 316 : i32
      %scan3A_622 = arith.addi %scan3A_620, %scan3A_621 : i32
      %scan3A_623 = arith.constant 1 : i32
      %scan3A_624 = scf.for %scan3A_626 = %scan3A_620 to %scan3A_622 step %scan3A_623 iter_args(%scan3A_627 = %scan3A_619) -> (i32)  : i32 {
        %mul3A_628 = arith.constant 64 : i32
        %mul3A_629 = arith.muli %scan3A_626, %mul3A_628 : i32
        %add3A_630 = arith.addi %mul3A_569, %mul3A_629 : i32
        %dma_start3A = tpu.memref_slice %arg6[%add3A_630] : memref<323584xi32, #tpu.memory_space<hbm>> -> memref<64xi32, #tpu.memory_space<hbm>>
        %dma_start3A_631 = tpu.memref_slice %arg6[%add3A_630] : memref<323584xi32, #tpu.memory_space<hbm>> -> memref<64xi32, #tpu.memory_space<hbm>>
        tpu.enqueue_dma source(%dma_start3A_631 : memref<64xi32, #tpu.memory_space<hbm>>) target(%arg15 : memref<64xi32, #tpu.memory_space<vmem>>) target_semaphore(%arg29 : memref<!tpu.dma_semaphore, #tpu.memory_space<semaphore_mem>>)
        %dma_start3A_632 = tpu.memref_slice %arg7[%add3A_630] : memref<323584xi32, #tpu.memory_space<hbm>> -> memref<64xi32, #tpu.memory_space<hbm>>
        %dma_start3A_633 = tpu.memref_slice %arg7[%add3A_630] : memref<323584xi32, #tpu.memory_space<hbm>> -> memref<64xi32, #tpu.memory_space<hbm>>
        tpu.enqueue_dma source(%dma_start3A_633 : memref<64xi32, #tpu.memory_space<hbm>>) target(%arg16 : memref<64xi32, #tpu.memory_space<vmem>>) target_semaphore(%arg29 : memref<!tpu.dma_semaphore, #tpu.memory_space<semaphore_mem>>)
        %dma_start3A_634 = arith.constant 0 : i32
        %dma_start3A_635 = tpu.memref_slice %arg18[%dma_start3A_634] : memref<80xf32, #tpu.memory_space<vmem>> -> memref<64xf32, #tpu.memory_space<vmem>>
        %dma_start3A_636 = tpu.memref_slice %arg8[%add3A_630] : memref<323584xf32, #tpu.memory_space<hbm>> -> memref<64xf32, #tpu.memory_space<hbm>>
        %dma_start3A_637 = arith.constant 0 : i32
        %dma_start3A_638 = tpu.memref_slice %arg18[%dma_start3A_637] : memref<80xf32, #tpu.memory_space<vmem>> -> memref<64xf32, #tpu.memory_space<vmem>>
        %dma_start3A_639 = tpu.memref_slice %arg8[%add3A_630] : memref<323584xf32, #tpu.memory_space<hbm>> -> memref<64xf32, #tpu.memory_space<hbm>>
        tpu.enqueue_dma source(%dma_start3A_639 : memref<64xf32, #tpu.memory_space<hbm>>) target(%dma_start3A_638 : memref<64xf32, #tpu.memory_space<vmem>>) target_semaphore(%arg29 : memref<!tpu.dma_semaphore, #tpu.memory_space<semaphore_mem>>)
        %dma_wait3A = tpu.memref_slice %arg6[%add3A_630] : memref<323584xi32, #tpu.memory_space<hbm>> -> memref<64xi32, #tpu.memory_space<hbm>>
        %dma_wait3A_640 = tpu.memref_slice %arg6[%add3A_630] : memref<323584xi32, #tpu.memory_space<hbm>> -> memref<64xi32, #tpu.memory_space<hbm>>
        tpu.wait_dma2 semaphore(%arg29 : memref<!tpu.dma_semaphore, #tpu.memory_space<semaphore_mem>>) src(%dma_wait3A_640 : memref<64xi32, #tpu.memory_space<hbm>>) dst(%arg15 : memref<64xi32, #tpu.memory_space<vmem>>)
        %dma_wait3A_641 = tpu.memref_slice %arg7[%add3A_630] : memref<323584xi32, #tpu.memory_space<hbm>> -> memref<64xi32, #tpu.memory_space<hbm>>
        %dma_wait3A_642 = tpu.memref_slice %arg7[%add3A_630] : memref<323584xi32, #tpu.memory_space<hbm>> -> memref<64xi32, #tpu.memory_space<hbm>>
        tpu.wait_dma2 semaphore(%arg29 : memref<!tpu.dma_semaphore, #tpu.memory_space<semaphore_mem>>) src(%dma_wait3A_642 : memref<64xi32, #tpu.memory_space<hbm>>) dst(%arg16 : memref<64xi32, #tpu.memory_space<vmem>>)
        %dma_wait3A_643 = arith.constant 0 : i32
        %dma_wait3A_644 = tpu.memref_slice %arg18[%dma_wait3A_643] : memref<80xf32, #tpu.memory_space<vmem>> -> memref<64xf32, #tpu.memory_space<vmem>>
        %dma_wait3A_645 = tpu.memref_slice %arg8[%add3A_630] : memref<323584xf32, #tpu.memory_space<hbm>> -> memref<64xf32, #tpu.memory_space<hbm>>
        %dma_wait3A_646 = arith.constant 0 : i32
        %dma_wait3A_647 = tpu.memref_slice %arg18[%dma_wait3A_646] : memref<80xf32, #tpu.memory_space<vmem>> -> memref<64xf32, #tpu.memory_space<vmem>>
        %dma_wait3A_648 = tpu.memref_slice %arg8[%add3A_630] : memref<323584xf32, #tpu.memory_space<hbm>> -> memref<64xf32, #tpu.memory_space<hbm>>
        tpu.wait_dma2 semaphore(%arg29 : memref<!tpu.dma_semaphore, #tpu.memory_space<semaphore_mem>>) src(%dma_wait3A_648 : memref<64xf32, #tpu.memory_space<hbm>>) dst(%dma_wait3A_647 : memref<64xf32, #tpu.memory_space<vmem>>)
        %get3A_649 = arith.constant 0 : index
        %get3A_650 = tpu.vector_load %arg16[%get3A_649] {strides = array<i32>} : memref<64xi32, #tpu.memory_space<vmem>>, vector<16xi32>,
        %get3A_651 = vector.shape_cast %get3A_650 : vector<16xi32> to vector<16xi32>
        %swap3A_652 = arith.constant 0 : index
        %swap3A_653 = tpu.vector_load %arg17[%swap3A_652] {strides = array<i32>} : memref<80xi32, #tpu.memory_space<vmem>>, vector<16xi32>,
        %swap3A_654 = vector.shape_cast %swap3A_653 : vector<16xi32> to vector<16xi32>
        %swap3A_655 = vector.shape_cast %get3A_651 : vector<16xi32> to vector<16xi32>
        tpu.vector_store %arg17[%swap3A_652], %swap3A_655 {strides = array<i32>} : memref<80xi32, #tpu.memory_space<vmem>>, vector<16xi32>,
        %get3A_656 = arith.constant 16 : index
        %get3A_657 = tpu.vector_load %arg16[%get3A_656] {strides = array<i32>} : memref<64xi32, #tpu.memory_space<vmem>>, vector<16xi32>,
        %get3A_658 = vector.shape_cast %get3A_657 : vector<16xi32> to vector<16xi32>
        %swap3A_659 = arith.constant 16 : index
        %swap3A_660 = tpu.vector_load %arg17[%swap3A_659] {strides = array<i32>} : memref<80xi32, #tpu.memory_space<vmem>>, vector<16xi32>,
        %swap3A_661 = vector.shape_cast %swap3A_660 : vector<16xi32> to vector<16xi32>
        %swap3A_662 = vector.shape_cast %get3A_658 : vector<16xi32> to vector<16xi32>
        tpu.vector_store %arg17[%swap3A_659], %swap3A_662 {strides = array<i32>} : memref<80xi32, #tpu.memory_space<vmem>>, vector<16xi32>,
        %get3A_663 = arith.constant 32 : index
        %get3A_664 = tpu.vector_load %arg16[%get3A_663] {strides = array<i32>} : memref<64xi32, #tpu.memory_space<vmem>>, vector<16xi32>,
        %get3A_665 = vector.shape_cast %get3A_664 : vector<16xi32> to vector<16xi32>
        %swap3A_666 = arith.constant 32 : index
        %swap3A_667 = tpu.vector_load %arg17[%swap3A_666] {strides = array<i32>} : memref<80xi32, #tpu.memory_space<vmem>>, vector<16xi32>,
        %swap3A_668 = vector.shape_cast %swap3A_667 : vector<16xi32> to vector<16xi32>
        %swap3A_669 = vector.shape_cast %get3A_665 : vector<16xi32> to vector<16xi32>
        tpu.vector_store %arg17[%swap3A_666], %swap3A_669 {strides = array<i32>} : memref<80xi32, #tpu.memory_space<vmem>>, vector<16xi32>,
        %get3A_670 = arith.constant 48 : index
        %get3A_671 = tpu.vector_load %arg16[%get3A_670] {strides = array<i32>} : memref<64xi32, #tpu.memory_space<vmem>>, vector<16xi32>,
        %get3A_672 = vector.shape_cast %get3A_671 : vector<16xi32> to vector<16xi32>
        %swap3A_673 = arith.constant 48 : index
        %swap3A_674 = tpu.vector_load %arg17[%swap3A_673] {strides = array<i32>} : memref<80xi32, #tpu.memory_space<vmem>>, vector<16xi32>,
        %swap3A_675 = vector.shape_cast %swap3A_674 : vector<16xi32> to vector<16xi32>
        %swap3A_676 = vector.shape_cast %get3A_672 : vector<16xi32> to vector<16xi32>
        tpu.vector_store %arg17[%swap3A_673], %swap3A_676 {strides = array<i32>} : memref<80xi32, #tpu.memory_space<vmem>>, vector<16xi32>,
        %dma_start3A_677 = arith.constant 0 : i32
        %dma_start3A_678 = arith.constant 0 : i32
        %dma_start3A_679 = tpu.memref_slice %arg4[%dma_start3A_677, %dma_start3A_678] : memref<10112x128xf32, #tpu.memory_space<hbm>> -> memref<10112x128xf32, #tpu.memory_space<hbm>>
        tpu.enqueue_indirect_dma source(%dma_start3A_679 : memref<10112x128xf32, #tpu.memory_space<hbm>>) target(%arg19 : memref<64x128xf32, #tpu.memory_space<vmem>>) offsets(%arg15 : memref<64xi32, #tpu.memory_space<vmem>>) semaphore(%arg30 : memref<!tpu.dma_semaphore, #tpu.memory_space<semaphore_mem>>)
        %dma_start3A_680 = arith.constant 0 : i32
        %dma_start3A_681 = arith.constant 0 : i32
        %dma_start3A_682 = tpu.memref_slice %arg5[%dma_start3A_680, %dma_start3A_681] : memref<10112x128xf32, #tpu.memory_space<hbm>> -> memref<10112x128xf32, #tpu.memory_space<hbm>>
        tpu.enqueue_indirect_dma source(%dma_start3A_682 : memref<10112x128xf32, #tpu.memory_space<hbm>>) target(%arg20 : memref<64x128xf32, #tpu.memory_space<vmem>>) offsets(%arg16 : memref<64xi32, #tpu.memory_space<vmem>>) semaphore(%arg30 : memref<!tpu.dma_semaphore, #tpu.memory_space<semaphore_mem>>)
        %dma_wait3A_683 = arith.constant 0 : i32
        %dma_wait3A_684 = arith.constant 0 : i32
        %dma_wait3A_685 = tpu.memref_slice %arg4[%dma_wait3A_683, %dma_wait3A_684] : memref<10112x128xf32, #tpu.memory_space<hbm>> -> memref<10112x128xf32, #tpu.memory_space<hbm>>
        tpu.wait_indirect_dma semaphore(%arg30 : memref<!tpu.dma_semaphore, #tpu.memory_space<semaphore_mem>>) src(%dma_wait3A_685 : memref<10112x128xf32, #tpu.memory_space<hbm>>) dst(%arg19 : memref<64x128xf32, #tpu.memory_space<vmem>>)
        %dma_wait3A_686 = arith.constant 0 : i32
        %dma_wait3A_687 = arith.constant 0 : i32
        %dma_wait3A_688 = tpu.memref_slice %arg5[%dma_wait3A_686, %dma_wait3A_687] : memref<10112x128xf32, #tpu.memory_space<hbm>> -> memref<10112x128xf32, #tpu.memory_space<hbm>>
        tpu.wait_indirect_dma semaphore(%arg30 : memref<!tpu.dma_semaphore, #tpu.memory_space<semaphore_mem>>) src(%dma_wait3A_688 : memref<10112x128xf32, #tpu.memory_space<hbm>>) dst(%arg20 : memref<64x128xf32, #tpu.memory_space<vmem>>)
        %scan3A_689 = arith.constant 0 : i32
        %scan3A_690 = arith.constant 0 : i32
        %scan3A_691 = arith.constant 64 : i32
        %scan3A_692 = arith.addi %scan3A_690, %scan3A_691 : i32
        %scan3A_693 = arith.constant 1 : i32
        %scan3A_694 = scf.for %scan3A_697 = %scan3A_690 to %scan3A_692 step %scan3A_693 iter_args(%scan3A_698 = %scan3A_689) -> (i32)  : i32 {
          %get3A_699 = arith.index_cast %scan3A_697 : i32 to index
          %get3A_700 = tpu.vector_load %arg18[%get3A_699] {strides = array<i32>} : memref<80xf32, #tpu.memory_space<vmem>>, vector<16xf32>,
          %get3A_701 = vector.shape_cast %get3A_700 : vector<16xf32> to vector<16xf32>
          %slice3A = vector.extract_strided_slice %get3A_701 {offsets = [0], sizes = [1], strides = [1]} : vector<16xf32> to vector<1xf32>
          %squeeze3A = vector.extract %slice3A[0] : f32 from vector<1xf32>
          %broadcast_in_dim3A_702 = vector.broadcast %squeeze3A : f32 to vector<16xf32>
          %get3A_703 = arith.index_cast %scan3A_697 : i32 to index
          %get3A_704 = tpu.vector_load %arg17[%get3A_703] {strides = array<i32>} : memref<80xi32, #tpu.memory_space<vmem>>, vector<16xi32>,
          %get3A_705 = vector.shape_cast %get3A_704 : vector<16xi32> to vector<16xi32>
          %slice3A_706 = vector.extract_strided_slice %get3A_705 {offsets = [0], sizes = [1], strides = [1]} : vector<16xi32> to vector<1xi32>
          %squeeze3A_707 = vector.extract %slice3A_706[0] : i32 from vector<1xi32>
          %get3A_708 = arith.index_cast %scan3A_697 : i32 to index
          %get3A_709 = arith.constant 0 : index
          %get3A_710 = tpu.vector_load %arg19[%get3A_708, %get3A_709] {strides = array<i32>} : memref<64x128xf32, #tpu.memory_space<vmem>>, vector<1x16xf32>,
          %get3A_711 = vector.shape_cast %get3A_710 : vector<1x16xf32> to vector<16xf32>
          %get3A_712 = arith.index_cast %scan3A_697 : i32 to index
          %get3A_713 = arith.constant 16 : index
          %get3A_714 = tpu.vector_load %arg19[%get3A_712, %get3A_713] {strides = array<i32>} : memref<64x128xf32, #tpu.memory_space<vmem>>, vector<1x16xf32>,
          %get3A_715 = vector.shape_cast %get3A_714 : vector<1x16xf32> to vector<16xf32>
          %get3A_716 = arith.index_cast %scan3A_697 : i32 to index
          %get3A_717 = arith.constant 32 : index
          %get3A_718 = tpu.vector_load %arg19[%get3A_716, %get3A_717] {strides = array<i32>} : memref<64x128xf32, #tpu.memory_space<vmem>>, vector<1x16xf32>,
          %get3A_719 = vector.shape_cast %get3A_718 : vector<1x16xf32> to vector<16xf32>
          %get3A_720 = arith.index_cast %scan3A_697 : i32 to index
          %get3A_721 = arith.constant 48 : index
          %get3A_722 = tpu.vector_load %arg19[%get3A_720, %get3A_721] {strides = array<i32>} : memref<64x128xf32, #tpu.memory_space<vmem>>, vector<1x16xf32>,
          %get3A_723 = vector.shape_cast %get3A_722 : vector<1x16xf32> to vector<16xf32>
          %get3A_724 = arith.index_cast %scan3A_697 : i32 to index
          %get3A_725 = arith.constant 64 : index
          %get3A_726 = tpu.vector_load %arg19[%get3A_724, %get3A_725] {strides = array<i32>} : memref<64x128xf32, #tpu.memory_space<vmem>>, vector<1x16xf32>,
          %get3A_727 = vector.shape_cast %get3A_726 : vector<1x16xf32> to vector<16xf32>
          %get3A_728 = arith.index_cast %scan3A_697 : i32 to index
          %get3A_729 = arith.constant 80 : index
          %get3A_730 = tpu.vector_load %arg19[%get3A_728, %get3A_729] {strides = array<i32>} : memref<64x128xf32, #tpu.memory_space<vmem>>, vector<1x16xf32>,
          %get3A_731 = vector.shape_cast %get3A_730 : vector<1x16xf32> to vector<16xf32>
          %get3A_732 = arith.index_cast %scan3A_697 : i32 to index
          %get3A_733 = arith.constant 96 : index
          %get3A_734 = tpu.vector_load %arg19[%get3A_732, %get3A_733] {strides = array<i32>} : memref<64x128xf32, #tpu.memory_space<vmem>>, vector<1x16xf32>,
          %get3A_735 = vector.shape_cast %get3A_734 : vector<1x16xf32> to vector<16xf32>
          %get3A_736 = arith.index_cast %scan3A_697 : i32 to index
          %get3A_737 = arith.constant 112 : index
          %get3A_738 = tpu.vector_load %arg19[%get3A_736, %get3A_737] {strides = array<i32>} : memref<64x128xf32, #tpu.memory_space<vmem>>, vector<1x16xf32>,
          %get3A_739 = vector.shape_cast %get3A_738 : vector<1x16xf32> to vector<16xf32>
          %get3A_740 = arith.index_cast %scan3A_697 : i32 to index
          %get3A_741 = arith.constant 0 : index
          %get3A_742 = tpu.vector_load %arg20[%get3A_740, %get3A_741] {strides = array<i32>} : memref<64x128xf32, #tpu.memory_space<vmem>>, vector<1x16xf32>,
          %get3A_743 = vector.shape_cast %get3A_742 : vector<1x16xf32> to vector<16xf32>
          %add3A_744 = arith.addf %get3A_711, %get3A_743 : vector<16xf32>
          %mul3A_745 = arith.mulf %broadcast_in_dim3A_702, %get3A_571 : vector<16xf32>
          %add3A_746 = arith.addf %add3A_744, %mul3A_745 : vector<16xf32>
          %ge3A = arith.constant 0.000000e+00 : f32
          %ge3A_747 = vector.broadcast %ge3A : f32 to vector<16xf32>
          %ge3A_748 = arith.cmpf oge, %add3A_746, %ge3A_747 : vector<16xf32>
          %mul3A_749 = arith.constant 2.000000e-01 : f32
          %mul3A_750 = vector.broadcast %mul3A_749 : f32 to vector<16xf32>
          %mul3A_751 = arith.mulf %mul3A_750, %add3A_746 : vector<16xf32>
          %select_n3A = arith.select %ge3A_748, %add3A_746, %mul3A_751 : vector<16xi1>, vector<16xf32>
          %mul3A_752 = arith.mulf %get3A_595, %select_n3A : vector<16xf32>
          %add3A_753 = arith.addf %broadcast_in_dim3A_618, %mul3A_752 : vector<16xf32>
          %get3A_754 = arith.index_cast %scan3A_697 : i32 to index
          %get3A_755 = arith.constant 16 : index
          %get3A_756 = tpu.vector_load %arg20[%get3A_754, %get3A_755] {strides = array<i32>} : memref<64x128xf32, #tpu.memory_space<vmem>>, vector<1x16xf32>,
          %get3A_757 = vector.shape_cast %get3A_756 : vector<1x16xf32> to vector<16xf32>
          %add3A_758 = arith.addf %get3A_715, %get3A_757 : vector<16xf32>
          %mul3A_759 = arith.mulf %broadcast_in_dim3A_702, %get3A_574 : vector<16xf32>
          %add3A_760 = arith.addf %add3A_758, %mul3A_759 : vector<16xf32>
          %ge3A_761 = arith.constant 0.000000e+00 : f32
          %ge3A_762 = vector.broadcast %ge3A_761 : f32 to vector<16xf32>
          %ge3A_763 = arith.cmpf oge, %add3A_760, %ge3A_762 : vector<16xf32>
          %mul3A_764 = arith.constant 2.000000e-01 : f32
          %mul3A_765 = vector.broadcast %mul3A_764 : f32 to vector<16xf32>
          %mul3A_766 = arith.mulf %mul3A_765, %add3A_760 : vector<16xf32>
          %select_n3A_767 = arith.select %ge3A_763, %add3A_760, %mul3A_766 : vector<16xi1>, vector<16xf32>
          %mul3A_768 = arith.mulf %get3A_598, %select_n3A_767 : vector<16xf32>
          %add3A_769 = arith.addf %add3A_753, %mul3A_768 : vector<16xf32>
          %get3A_770 = arith.index_cast %scan3A_697 : i32 to index
          %get3A_771 = arith.constant 32 : index
          %get3A_772 = tpu.vector_load %arg20[%get3A_770, %get3A_771] {strides = array<i32>} : memref<64x128xf32, #tpu.memory_space<vmem>>, vector<1x16xf32>,
          %get3A_773 = vector.shape_cast %get3A_772 : vector<1x16xf32> to vector<16xf32>
          %add3A_774 = arith.addf %get3A_719, %get3A_773 : vector<16xf32>
          %mul3A_775 = arith.mulf %broadcast_in_dim3A_702, %get3A_577 : vector<16xf32>
          %add3A_776 = arith.addf %add3A_774, %mul3A_775 : vector<16xf32>
          %ge3A_777 = arith.constant 0.000000e+00 : f32
          %ge3A_778 = vector.broadcast %ge3A_777 : f32 to vector<16xf32>
          %ge3A_779 = arith.cmpf oge, %add3A_776, %ge3A_778 : vector<16xf32>
          %mul3A_780 = arith.constant 2.000000e-01 : f32
          %mul3A_781 = vector.broadcast %mul3A_780 : f32 to vector<16xf32>
          %mul3A_782 = arith.mulf %mul3A_781, %add3A_776 : vector<16xf32>
          %select_n3A_783 = arith.select %ge3A_779, %add3A_776, %mul3A_782 : vector<16xi1>, vector<16xf32>
          %mul3A_784 = arith.mulf %get3A_601, %select_n3A_783 : vector<16xf32>
          %add3A_785 = arith.addf %add3A_769, %mul3A_784 : vector<16xf32>
          %get3A_786 = arith.index_cast %scan3A_697 : i32 to index
          %get3A_787 = arith.constant 48 : index
          %get3A_788 = tpu.vector_load %arg20[%get3A_786, %get3A_787] {strides = array<i32>} : memref<64x128xf32, #tpu.memory_space<vmem>>, vector<1x16xf32>,
          %get3A_789 = vector.shape_cast %get3A_788 : vector<1x16xf32> to vector<16xf32>
          %add3A_790 = arith.addf %get3A_723, %get3A_789 : vector<16xf32>
          %mul3A_791 = arith.mulf %broadcast_in_dim3A_702, %get3A_580 : vector<16xf32>
          %add3A_792 = arith.addf %add3A_790, %mul3A_791 : vector<16xf32>
          %ge3A_793 = arith.constant 0.000000e+00 : f32
          %ge3A_794 = vector.broadcast %ge3A_793 : f32 to vector<16xf32>
          %ge3A_795 = arith.cmpf oge, %add3A_792, %ge3A_794 : vector<16xf32>
          %mul3A_796 = arith.constant 2.000000e-01 : f32
          %mul3A_797 = vector.broadcast %mul3A_796 : f32 to vector<16xf32>
          %mul3A_798 = arith.mulf %mul3A_797, %add3A_792 : vector<16xf32>
          %select_n3A_799 = arith.select %ge3A_795, %add3A_792, %mul3A_798 : vector<16xi1>, vector<16xf32>
          %mul3A_800 = arith.mulf %get3A_604, %select_n3A_799 : vector<16xf32>
          %add3A_801 = arith.addf %add3A_785, %mul3A_800 : vector<16xf32>
          %get3A_802 = arith.index_cast %scan3A_697 : i32 to index
          %get3A_803 = arith.constant 64 : index
          %get3A_804 = tpu.vector_load %arg20[%get3A_802, %get3A_803] {strides = array<i32>} : memref<64x128xf32, #tpu.memory_space<vmem>>, vector<1x16xf32>,
          %get3A_805 = vector.shape_cast %get3A_804 : vector<1x16xf32> to vector<16xf32>
          %add3A_806 = arith.addf %get3A_727, %get3A_805 : vector<16xf32>
          %mul3A_807 = arith.mulf %broadcast_in_dim3A_702, %get3A_583 : vector<16xf32>
          %add3A_808 = arith.addf %add3A_806, %mul3A_807 : vector<16xf32>
          %ge3A_809 = arith.constant 0.000000e+00 : f32
          %ge3A_810 = vector.broadcast %ge3A_809 : f32 to vector<16xf32>
          %ge3A_811 = arith.cmpf oge, %add3A_808, %ge3A_810 : vector<16xf32>
          %mul3A_812 = arith.constant 2.000000e-01 : f32
          %mul3A_813 = vector.broadcast %mul3A_812 : f32 to vector<16xf32>
          %mul3A_814 = arith.mulf %mul3A_813, %add3A_808 : vector<16xf32>
          %select_n3A_815 = arith.select %ge3A_811, %add3A_808, %mul3A_814 : vector<16xi1>, vector<16xf32>
          %mul3A_816 = arith.mulf %get3A_607, %select_n3A_815 : vector<16xf32>
          %add3A_817 = arith.addf %broadcast_in_dim3A_618, %mul3A_816 : vector<16xf32>
          %get3A_818 = arith.index_cast %scan3A_697 : i32 to index
          %get3A_819 = arith.constant 80 : index
          %get3A_820 = tpu.vector_load %arg20[%get3A_818, %get3A_819] {strides = array<i32>} : memref<64x128xf32, #tpu.memory_space<vmem>>, vector<1x16xf32>,
          %get3A_821 = vector.shape_cast %get3A_820 : vector<1x16xf32> to vector<16xf32>
          %add3A_822 = arith.addf %get3A_731, %get3A_821 : vector<16xf32>
          %mul3A_823 = arith.mulf %broadcast_in_dim3A_702, %get3A_586 : vector<16xf32>
          %add3A_824 = arith.addf %add3A_822, %mul3A_823 : vector<16xf32>
          %ge3A_825 = arith.constant 0.000000e+00 : f32
          %ge3A_826 = vector.broadcast %ge3A_825 : f32 to vector<16xf32>
          %ge3A_827 = arith.cmpf oge, %add3A_824, %ge3A_826 : vector<16xf32>
          %mul3A_828 = arith.constant 2.000000e-01 : f32
          %mul3A_829 = vector.broadcast %mul3A_828 : f32 to vector<16xf32>
          %mul3A_830 = arith.mulf %mul3A_829, %add3A_824 : vector<16xf32>
          %select_n3A_831 = arith.select %ge3A_827, %add3A_824, %mul3A_830 : vector<16xi1>, vector<16xf32>
          %mul3A_832 = arith.mulf %get3A_610, %select_n3A_831 : vector<16xf32>
          %add3A_833 = arith.addf %add3A_817, %mul3A_832 : vector<16xf32>
          %get3A_834 = arith.index_cast %scan3A_697 : i32 to index
          %get3A_835 = arith.constant 96 : index
          %get3A_836 = tpu.vector_load %arg20[%get3A_834, %get3A_835] {strides = array<i32>} : memref<64x128xf32, #tpu.memory_space<vmem>>, vector<1x16xf32>,
          %get3A_837 = vector.shape_cast %get3A_836 : vector<1x16xf32> to vector<16xf32>
          %add3A_838 = arith.addf %get3A_735, %get3A_837 : vector<16xf32>
          %mul3A_839 = arith.mulf %broadcast_in_dim3A_702, %get3A_589 : vector<16xf32>
          %add3A_840 = arith.addf %add3A_838, %mul3A_839 : vector<16xf32>
          %ge3A_841 = arith.constant 0.000000e+00 : f32
          %ge3A_842 = vector.broadcast %ge3A_841 : f32 to vector<16xf32>
          %ge3A_843 = arith.cmpf oge, %add3A_840, %ge3A_842 : vector<16xf32>
          %mul3A_844 = arith.constant 2.000000e-01 : f32
          %mul3A_845 = vector.broadcast %mul3A_844 : f32 to vector<16xf32>
          %mul3A_846 = arith.mulf %mul3A_845, %add3A_840 : vector<16xf32>
          %select_n3A_847 = arith.select %ge3A_843, %add3A_840, %mul3A_846 : vector<16xi1>, vector<16xf32>
          %mul3A_848 = arith.mulf %get3A_613, %select_n3A_847 : vector<16xf32>
          %add3A_849 = arith.addf %add3A_833, %mul3A_848 : vector<16xf32>
          %get3A_850 = arith.index_cast %scan3A_697 : i32 to index
          %get3A_851 = arith.constant 112 : index
          %get3A_852 = tpu.vector_load %arg20[%get3A_850, %get3A_851] {strides = array<i32>} : memref<64x128xf32, #tpu.memory_space<vmem>>, vector<1x16xf32>,
          %get3A_853 = vector.shape_cast %get3A_852 : vector<1x16xf32> to vector<16xf32>
          %add3A_854 = arith.addf %get3A_739, %get3A_853 : vector<16xf32>
          %mul3A_855 = arith.mulf %broadcast_in_dim3A_702, %get3A_592 : vector<16xf32>
          %add3A_856 = arith.addf %add3A_854, %mul3A_855 : vector<16xf32>
          %ge3A_857 = arith.constant 0.000000e+00 : f32
          %ge3A_858 = vector.broadcast %ge3A_857 : f32 to vector<16xf32>
          %ge3A_859 = arith.cmpf oge, %add3A_856, %ge3A_858 : vector<16xf32>
          %mul3A_860 = arith.constant 2.000000e-01 : f32
          %mul3A_861 = vector.broadcast %mul3A_860 : f32 to vector<16xf32>
          %mul3A_862 = arith.mulf %mul3A_861, %add3A_856 : vector<16xf32>
          %select_n3A_863 = arith.select %ge3A_859, %add3A_856, %mul3A_862 : vector<16xi1>, vector<16xf32>
          %mul3A_864 = arith.mulf %get3A_616, %select_n3A_863 : vector<16xf32>
          %add3A_865 = arith.addf %add3A_849, %mul3A_864 : vector<16xf32>
          %xor3A = arith.constant 1 : i32
          %xor3A_866 = vector.broadcast %xor3A : i32 to vector<16xi32>
          %xor3A_867 = arith.xori %iota3A, %xor3A_866 : vector<16xi32>
          %reshape3A = vector.shape_cast %xor3A_867 : vector<16xi32> to vector<16x1xi32>
          %gather3A = vector.shape_cast %reshape3A : vector<16x1xi32> to vector<16xi32>
          %gather3A_868 = tpu.dynamic_gather %add3A_801[%gather3A] in [0] : vector<16xf32>, vector<16xi32> -> vector<16xf32>
          %add3A_869 = arith.addf %add3A_801, %gather3A_868 : vector<16xf32>
          %xor3A_870 = arith.constant 2 : i32
          %xor3A_871 = vector.broadcast %xor3A_870 : i32 to vector<16xi32>
          %xor3A_872 = arith.xori %iota3A, %xor3A_871 : vector<16xi32>
          %reshape3A_873 = vector.shape_cast %xor3A_872 : vector<16xi32> to vector<16x1xi32>
          %gather3A_874 = vector.shape_cast %reshape3A_873 : vector<16x1xi32> to vector<16xi32>
          %gather3A_875 = tpu.dynamic_gather %add3A_869[%gather3A_874] in [0] : vector<16xf32>, vector<16xi32> -> vector<16xf32>
          %add3A_876 = arith.addf %add3A_869, %gather3A_875 : vector<16xf32>
          %xor3A_877 = arith.constant 4 : i32
          %xor3A_878 = vector.broadcast %xor3A_877 : i32 to vector<16xi32>
          %xor3A_879 = arith.xori %iota3A, %xor3A_878 : vector<16xi32>
          %reshape3A_880 = vector.shape_cast %xor3A_879 : vector<16xi32> to vector<16x1xi32>
          %gather3A_881 = vector.shape_cast %reshape3A_880 : vector<16x1xi32> to vector<16xi32>
          %gather3A_882 = tpu.dynamic_gather %add3A_876[%gather3A_881] in [0] : vector<16xf32>, vector<16xi32> -> vector<16xf32>
          %add3A_883 = arith.addf %add3A_876, %gather3A_882 : vector<16xf32>
          %xor3A_884 = arith.constant 8 : i32
          %xor3A_885 = vector.broadcast %xor3A_884 : i32 to vector<16xi32>
          %xor3A_886 = arith.xori %iota3A, %xor3A_885 : vector<16xi32>
          %reshape3A_887 = vector.shape_cast %xor3A_886 : vector<16xi32> to vector<16x1xi32>
          %gather3A_888 = vector.shape_cast %reshape3A_887 : vector<16x1xi32> to vector<16xi32>
          %gather3A_889 = tpu.dynamic_gather %add3A_883[%gather3A_888] in [0] : vector<16xf32>, vector<16xi32> -> vector<16xf32>
          %add3A_890 = arith.addf %add3A_883, %gather3A_889 : vector<16xf32>
          %exp3A = math.exp %add3A_890 : vector<16xf32>
          %xor3A_891 = arith.constant 1 : i32
          %xor3A_892 = vector.broadcast %xor3A_891 : i32 to vector<16xi32>
          %xor3A_893 = arith.xori %iota3A, %xor3A_892 : vector<16xi32>
          %reshape3A_894 = vector.shape_cast %xor3A_893 : vector<16xi32> to vector<16x1xi32>
          %gather3A_895 = vector.shape_cast %reshape3A_894 : vector<16x1xi32> to vector<16xi32>
          %gather3A_896 = tpu.dynamic_gather %add3A_865[%gather3A_895] in [0] : vector<16xf32>, vector<16xi32> -> vector<16xf32>
          %add3A_897 = arith.addf %add3A_865, %gather3A_896 : vector<16xf32>
          %xor3A_898 = arith.constant 2 : i32
          %xor3A_899 = vector.broadcast %xor3A_898 : i32 to vector<16xi32>
          %xor3A_900 = arith.xori %iota3A, %xor3A_899 : vector<16xi32>
          %reshape3A_901 = vector.shape_cast %xor3A_900 : vector<16xi32> to vector<16x1xi32>
          %gather3A_902 = vector.shape_cast %reshape3A_901 : vector<16x1xi32> to vector<16xi32>
          %gather3A_903 = tpu.dynamic_gather %add3A_897[%gather3A_902] in [0] : vector<16xf32>, vector<16xi32> -> vector<16xf32>
          %add3A_904 = arith.addf %add3A_897, %gather3A_903 : vector<16xf32>
          %xor3A_905 = arith.constant 4 : i32
          %xor3A_906 = vector.broadcast %xor3A_905 : i32 to vector<16xi32>
          %xor3A_907 = arith.xori %iota3A, %xor3A_906 : vector<16xi32>
          %reshape3A_908 = vector.shape_cast %xor3A_907 : vector<16xi32> to vector<16x1xi32>
          %gather3A_909 = vector.shape_cast %reshape3A_908 : vector<16x1xi32> to vector<16xi32>
          %gather3A_910 = tpu.dynamic_gather %add3A_904[%gather3A_909] in [0] : vector<16xf32>, vector<16xi32> -> vector<16xf32>
          %add3A_911 = arith.addf %add3A_904, %gather3A_910 : vector<16xf32>
          %xor3A_912 = arith.constant 8 : i32
          %xor3A_913 = vector.broadcast %xor3A_912 : i32 to vector<16xi32>
          %xor3A_914 = arith.xori %iota3A, %xor3A_913 : vector<16xi32>
          %reshape3A_915 = vector.shape_cast %xor3A_914 : vector<16xi32> to vector<16x1xi32>
          %gather3A_916 = vector.shape_cast %reshape3A_915 : vector<16x1xi32> to vector<16xi32>
          %gather3A_917 = tpu.dynamic_gather %add3A_911[%gather3A_916] in [0] : vector<16xf32>, vector<16xi32> -> vector<16xf32>
          %add3A_918 = arith.addf %add3A_911, %gather3A_917 : vector<16xf32>
          %exp3A_919 = math.exp %add3A_918 : vector<16xf32>
          %mul3A_920 = arith.mulf %exp3A, %get3A_711 : vector<16xf32>
          %swap3A_921 = arith.index_cast %scan3A_697 : i32 to index
          %swap3A_922 = arith.constant 0 : index
          %swap3A_923 = tpu.vector_load %arg21[%swap3A_921, %swap3A_922] {strides = array<i32>} : memref<64x128xf32, #tpu.memory_space<vmem>>, vector<1x16xf32>,
          %swap3A_924 = vector.shape_cast %swap3A_923 : vector<1x16xf32> to vector<16xf32>
          %swap3A_925 = vector.shape_cast %mul3A_920 : vector<16xf32> to vector<1x16xf32>
          tpu.vector_store %arg21[%swap3A_921, %swap3A_922], %swap3A_925 {strides = array<i32>} : memref<64x128xf32, #tpu.memory_space<vmem>>, vector<1x16xf32>,
          %mul3A_926 = arith.mulf %exp3A, %get3A_715 : vector<16xf32>
          %swap3A_927 = arith.index_cast %scan3A_697 : i32 to index
          %swap3A_928 = arith.constant 16 : index
          %swap3A_929 = tpu.vector_load %arg21[%swap3A_927, %swap3A_928] {strides = array<i32>} : memref<64x128xf32, #tpu.memory_space<vmem>>, vector<1x16xf32>,
          %swap3A_930 = vector.shape_cast %swap3A_929 : vector<1x16xf32> to vector<16xf32>
          %swap3A_931 = vector.shape_cast %mul3A_926 : vector<16xf32> to vector<1x16xf32>
          tpu.vector_store %arg21[%swap3A_927, %swap3A_928], %swap3A_931 {strides = array<i32>} : memref<64x128xf32, #tpu.memory_space<vmem>>, vector<1x16xf32>,
          %mul3A_932 = arith.mulf %exp3A, %get3A_719 : vector<16xf32>
          %swap3A_933 = arith.index_cast %scan3A_697 : i32 to index
          %swap3A_934 = arith.constant 32 : index
          %swap3A_935 = tpu.vector_load %arg21[%swap3A_933, %swap3A_934] {strides = array<i32>} : memref<64x128xf32, #tpu.memory_space<vmem>>, vector<1x16xf32>,
          %swap3A_936 = vector.shape_cast %swap3A_935 : vector<1x16xf32> to vector<16xf32>
          %swap3A_937 = vector.shape_cast %mul3A_932 : vector<16xf32> to vector<1x16xf32>
          tpu.vector_store %arg21[%swap3A_933, %swap3A_934], %swap3A_937 {strides = array<i32>} : memref<64x128xf32, #tpu.memory_space<vmem>>, vector<1x16xf32>,
          %mul3A_938 = arith.mulf %exp3A, %get3A_723 : vector<16xf32>
          %swap3A_939 = arith.index_cast %scan3A_697 : i32 to index
          %swap3A_940 = arith.constant 48 : index
          %swap3A_941 = tpu.vector_load %arg21[%swap3A_939, %swap3A_940] {strides = array<i32>} : memref<64x128xf32, #tpu.memory_space<vmem>>, vector<1x16xf32>,
          %swap3A_942 = vector.shape_cast %swap3A_941 : vector<1x16xf32> to vector<16xf32>
          %swap3A_943 = vector.shape_cast %mul3A_938 : vector<16xf32> to vector<1x16xf32>
          tpu.vector_store %arg21[%swap3A_939, %swap3A_940], %swap3A_943 {strides = array<i32>} : memref<64x128xf32, #tpu.memory_space<vmem>>, vector<1x16xf32>,
          %mul3A_944 = arith.mulf %exp3A_919, %get3A_727 : vector<16xf32>
          %swap3A_945 = arith.index_cast %scan3A_697 : i32 to index
          %swap3A_946 = arith.constant 64 : index
          %swap3A_947 = tpu.vector_load %arg21[%swap3A_945, %swap3A_946] {strides = array<i32>} : memref<64x128xf32, #tpu.memory_space<vmem>>, vector<1x16xf32>,
          %swap3A_948 = vector.shape_cast %swap3A_947 : vector<1x16xf32> to vector<16xf32>
          %swap3A_949 = vector.shape_cast %mul3A_944 : vector<16xf32> to vector<1x16xf32>
          tpu.vector_store %arg21[%swap3A_945, %swap3A_946], %swap3A_949 {strides = array<i32>} : memref<64x128xf32, #tpu.memory_space<vmem>>, vector<1x16xf32>,
          %mul3A_950 = arith.mulf %exp3A_919, %get3A_731 : vector<16xf32>
          %swap3A_951 = arith.index_cast %scan3A_697 : i32 to index
          %swap3A_952 = arith.constant 80 : index
          %swap3A_953 = tpu.vector_load %arg21[%swap3A_951, %swap3A_952] {strides = array<i32>} : memref<64x128xf32, #tpu.memory_space<vmem>>, vector<1x16xf32>,
          %swap3A_954 = vector.shape_cast %swap3A_953 : vector<1x16xf32> to vector<16xf32>
          %swap3A_955 = vector.shape_cast %mul3A_950 : vector<16xf32> to vector<1x16xf32>
          tpu.vector_store %arg21[%swap3A_951, %swap3A_952], %swap3A_955 {strides = array<i32>} : memref<64x128xf32, #tpu.memory_space<vmem>>, vector<1x16xf32>,
          %mul3A_956 = arith.mulf %exp3A_919, %get3A_735 : vector<16xf32>
          %swap3A_957 = arith.index_cast %scan3A_697 : i32 to index
          %swap3A_958 = arith.constant 96 : index
          %swap3A_959 = tpu.vector_load %arg21[%swap3A_957, %swap3A_958] {strides = array<i32>} : memref<64x128xf32, #tpu.memory_space<vmem>>, vector<1x16xf32>,
          %swap3A_960 = vector.shape_cast %swap3A_959 : vector<1x16xf32> to vector<16xf32>
          %swap3A_961 = vector.shape_cast %mul3A_956 : vector<16xf32> to vector<1x16xf32>
          tpu.vector_store %arg21[%swap3A_957, %swap3A_958], %swap3A_961 {strides = array<i32>} : memref<64x128xf32, #tpu.memory_space<vmem>>, vector<1x16xf32>,
          %mul3A_962 = arith.mulf %exp3A_919, %get3A_739 : vector<16xf32>
          %swap3A_963 = arith.index_cast %scan3A_697 : i32 to index
          %swap3A_964 = arith.constant 112 : index
          %swap3A_965 = tpu.vector_load %arg21[%swap3A_963, %swap3A_964] {strides = array<i32>} : memref<64x128xf32, #tpu.memory_space<vmem>>, vector<1x16xf32>,
          %swap3A_966 = vector.shape_cast %swap3A_965 : vector<1x16xf32> to vector<16xf32>
          %swap3A_967 = vector.shape_cast %mul3A_962 : vector<16xf32> to vector<1x16xf32>
          tpu.vector_store %arg21[%swap3A_963, %swap3A_964], %swap3A_967 {strides = array<i32>} : memref<64x128xf32, #tpu.memory_space<vmem>>, vector<1x16xf32>,
          %and3A = arith.constant 63 : i32
          %and3A_968 = arith.andi %squeeze3A_707, %and3A : i32
          %mul3A_969 = arith.constant 2 : i32
          %mul3A_970 = arith.muli %and3A_968, %mul3A_969 : i32
          %shift_right_logical3A = arith.constant 6 : i32
          %shift_right_logical3A_971 = arith.shrui %squeeze3A_707, %shift_right_logical3A : i32
          %and3A_972 = arith.constant 112 : i32
          %and3A_973 = arith.andi %mul3A_970, %and3A_972 : i32
          %and3A_974 = arith.constant 15 : i32
          %and3A_975 = arith.andi %mul3A_970, %and3A_974 : i32
          %broadcast_in_dim3A_976 = vector.broadcast %and3A_975 : i32 to vector<16xi32>
          %get3A_977 = arith.index_cast %shift_right_logical3A_971 : i32 to index
          %get3A_978 = arith.index_cast %and3A_973 : i32 to index
          %get3A_979 = tpu.vector_load %arg26[%get3A_977, %get3A_978] {strides = array<i32>} : memref<160x128xf32, #tpu.memory_space<vmem>>, vector<1x16xf32>,
          %get3A_980 = vector.shape_cast %get3A_979 : vector<1x16xf32> to vector<16xf32>
          %eq3A_981 = arith.cmpi eq, %iota3A, %broadcast_in_dim3A_976 : vector<16xi32>
          %select_n3A_982 = arith.select %eq3A_981, %exp3A, %broadcast_in_dim3A_618 : vector<16xi1>, vector<16xf32>
          %add3A_983 = arith.addf %get3A_980, %select_n3A_982 : vector<16xf32>
          %add3A_984 = arith.constant 1 : i32
          %add3A_985 = vector.broadcast %add3A_984 : i32 to vector<16xi32>
          %add3A_986 = arith.addi %broadcast_in_dim3A_976, %add3A_985 : vector<16xi32>
          %eq3A_987 = arith.cmpi eq, %iota3A, %add3A_986 : vector<16xi32>
          %select_n3A_988 = arith.select %eq3A_987, %exp3A_919, %broadcast_in_dim3A_618 : vector<16xi1>, vector<16xf32>
          %add3A_989 = arith.addf %add3A_983, %select_n3A_988 : vector<16xf32>
          %swap3A_990 = arith.index_cast %shift_right_logical3A_971 : i32 to index
          %swap3A_991 = arith.index_cast %and3A_973 : i32 to index
          %swap3A_992 = tpu.vector_load %arg26[%swap3A_990, %swap3A_991] {strides = array<i32>} : memref<160x128xf32, #tpu.memory_space<vmem>>, vector<1x16xf32>,
          %swap3A_993 = vector.shape_cast %swap3A_992 : vector<1x16xf32> to vector<16xf32>
          %swap3A_994 = vector.shape_cast %add3A_989 : vector<16xf32> to vector<1x16xf32>
          tpu.vector_store %arg26[%swap3A_990, %swap3A_991], %swap3A_994 {strides = array<i32>} : memref<160x128xf32, #tpu.memory_space<vmem>>, vector<1x16xf32>,
          %scan3A_995 = arith.constant 0 : i32
          scf.yield %scan3A_995 : i32
        }
        %scan3A_695 = arith.constant 64 : i32
        "tpu.region"() ({
          %run_scoped3A = tpu.sem_alloc : memref<!tpu.dma_semaphore, #tpu.memory_space<semaphore_mem>>
          %dma_start3A_697 = arith.constant 0 : i32
          %dma_start3A_698 = arith.constant 0 : i32
          %dma_start3A_699 = tpu.memref_slice %arg27[%dma_start3A_697, %dma_start3A_698] : memref<10112x128xf32, #tpu.memory_space<vmem_shared>> -> memref<10112x128xf32, #tpu.memory_space<vmem_shared>>
          tpu.enqueue_indirect_dma source(%arg21 : memref<64x128xf32, #tpu.memory_space<vmem>>) target(%dma_start3A_699 : memref<10112x128xf32, #tpu.memory_space<vmem_shared>>) offsets(%arg16 : memref<64xi32, #tpu.memory_space<vmem>>) semaphore(%run_scoped3A : memref<!tpu.dma_semaphore, #tpu.memory_space<semaphore_mem>>) {add = true}
          %dma_wait3A_700 = arith.constant 0 : i32
          %dma_wait3A_701 = arith.constant 0 : i32
          %dma_wait3A_702 = tpu.memref_slice %arg27[%dma_wait3A_700, %dma_wait3A_701] : memref<10112x128xf32, #tpu.memory_space<vmem_shared>> -> memref<10112x128xf32, #tpu.memory_space<vmem_shared>>
          tpu.wait_indirect_dma semaphore(%run_scoped3A : memref<!tpu.dma_semaphore, #tpu.memory_space<semaphore_mem>>) src(%arg21 : memref<64x128xf32, #tpu.memory_space<vmem>>) dst(%dma_wait3A_702 : memref<10112x128xf32, #tpu.memory_space<vmem_shared>>)
          tpu.yield
        }) : () -> ()
        %scan3A_696 = arith.constant 0 : i32
        scf.yield %scan3A_696 : i32
      }
      %scan3A_625 = arith.constant 316 : i32
    } else {
    }
    "tpu.region"() ({
      %run_scoped3A = tpu.sem_alloc : memref<!tpu.dma_semaphore, #tpu.memory_space<semaphore_mem>>
      %dma_start3A = arith.constant 0 : i32
      %dma_start3A_568 = arith.constant 0 : i32
      %dma_start3A_569 = tpu.memref_slice %arg26[%dma_start3A, %dma_start3A_568] : memref<160x128xf32, #tpu.memory_space<vmem>> -> memref<80x128xf32, #tpu.memory_space<vmem>>
      %dma_start3A_570 = arith.constant 0 : i32
      %dma_start3A_571 = arith.constant 0 : i32
      %dma_start3A_572 = tpu.memref_slice %arg28[%dma_start3A_570, %dma_start3A_571] : memref<160x128xf32, #tpu.memory_space<vmem_shared>> -> memref<160x128xf32, #tpu.memory_space<vmem_shared>>
      tpu.enqueue_indirect_dma source(%dma_start3A_569 : memref<80x128xf32, #tpu.memory_space<vmem>>) target(%dma_start3A_572 : memref<160x128xf32, #tpu.memory_space<vmem_shared>>) offsets(%arg24 : memref<80xi32, #tpu.memory_space<vmem>>) semaphore(%run_scoped3A : memref<!tpu.dma_semaphore, #tpu.memory_space<semaphore_mem>>) {add = true}
      %dma_wait3A = arith.constant 0 : i32
      %dma_wait3A_573 = arith.constant 0 : i32
      %dma_wait3A_574 = tpu.memref_slice %arg26[%dma_wait3A, %dma_wait3A_573] : memref<160x128xf32, #tpu.memory_space<vmem>> -> memref<80x128xf32, #tpu.memory_space<vmem>>
      %dma_wait3A_575 = arith.constant 0 : i32
      %dma_wait3A_576 = arith.constant 0 : i32
      %dma_wait3A_577 = tpu.memref_slice %arg28[%dma_wait3A_575, %dma_wait3A_576] : memref<160x128xf32, #tpu.memory_space<vmem_shared>> -> memref<160x128xf32, #tpu.memory_space<vmem_shared>>
      tpu.wait_indirect_dma semaphore(%run_scoped3A : memref<!tpu.dma_semaphore, #tpu.memory_space<semaphore_mem>>) src(%dma_wait3A_574 : memref<80x128xf32, #tpu.memory_space<vmem>>) dst(%dma_wait3A_577 : memref<160x128xf32, #tpu.memory_space<vmem_shared>>)
      tpu.yield
    }) : () -> ()
    "tpu.region"() ({
      %run_scoped3A = tpu.sem_alloc : memref<!tpu.dma_semaphore, #tpu.memory_space<semaphore_mem>>
      %dma_start3A = arith.constant 80 : i32
      %dma_start3A_568 = arith.constant 0 : i32
      %dma_start3A_569 = tpu.memref_slice %arg26[%dma_start3A, %dma_start3A_568] : memref<160x128xf32, #tpu.memory_space<vmem>> -> memref<80x128xf32, #tpu.memory_space<vmem>>
      %dma_start3A_570 = arith.constant 0 : i32
      %dma_start3A_571 = arith.constant 0 : i32
      %dma_start3A_572 = tpu.memref_slice %arg28[%dma_start3A_570, %dma_start3A_571] : memref<160x128xf32, #tpu.memory_space<vmem_shared>> -> memref<160x128xf32, #tpu.memory_space<vmem_shared>>
      tpu.enqueue_indirect_dma source(%dma_start3A_569 : memref<80x128xf32, #tpu.memory_space<vmem>>) target(%dma_start3A_572 : memref<160x128xf32, #tpu.memory_space<vmem_shared>>) offsets(%arg25 : memref<80xi32, #tpu.memory_space<vmem>>) semaphore(%run_scoped3A : memref<!tpu.dma_semaphore, #tpu.memory_space<semaphore_mem>>) {add = true}
      %dma_wait3A = arith.constant 80 : i32
      %dma_wait3A_573 = arith.constant 0 : i32
      %dma_wait3A_574 = tpu.memref_slice %arg26[%dma_wait3A, %dma_wait3A_573] : memref<160x128xf32, #tpu.memory_space<vmem>> -> memref<80x128xf32, #tpu.memory_space<vmem>>
      %dma_wait3A_575 = arith.constant 0 : i32
      %dma_wait3A_576 = arith.constant 0 : i32
      %dma_wait3A_577 = tpu.memref_slice %arg28[%dma_wait3A_575, %dma_wait3A_576] : memref<160x128xf32, #tpu.memory_space<vmem_shared>> -> memref<160x128xf32, #tpu.memory_space<vmem_shared>>
      tpu.wait_indirect_dma semaphore(%run_scoped3A : memref<!tpu.dma_semaphore, #tpu.memory_space<semaphore_mem>>) src(%dma_wait3A_574 : memref<80x128xf32, #tpu.memory_space<vmem>>) dst(%dma_wait3A_577 : memref<160x128xf32, #tpu.memory_space<vmem_shared>>)
      tpu.yield
    }) : () -> ()
    %barrier3A_557 = arith.constant 0 : index
    tpu.barrier barrier_id(%barrier3A_557)
    %eq3A_558 = arith.constant 0 : i32
    %eq3A_559 = arith.cmpi eq, %arg0, %eq3A_558 : i32
    %convert_element_type3A_560 = arith.extui %eq3A_559 : i1 to i32
    %cond3A_561 = arith.constant 0 : i32
    %cond3A_562 = arith.cmpi ne, %convert_element_type3A_560, %cond3A_561 : i32
    scf.if %cond3A_562 {
      %mul3A_568 = arith.constant 632 : i32
      %mul3A_569 = arith.muli %arg1, %mul3A_568 : i32
      "tpu.region"() ({
        %run_scoped3A = tpu.sem_alloc : memref<!tpu.dma_semaphore, #tpu.memory_space<semaphore_mem>>
        %dma_start3A = arith.constant 0 : i32
        %dma_start3A_584 = tpu.memref_slice %arg11[%mul3A_569, %dma_start3A] : memref<10112x128xf32, #tpu.memory_space<hbm>> -> memref<632x128xf32, #tpu.memory_space<hbm>>
        %dma_start3A_585 = arith.constant 0 : i32
        %dma_start3A_586 = tpu.memref_slice %arg27[%mul3A_569, %dma_start3A_585] : memref<10112x128xf32, #tpu.memory_space<vmem_shared>> -> memref<632x128xf32, #tpu.memory_space<vmem_shared>>
        tpu.enqueue_dma source(%dma_start3A_586 : memref<632x128xf32, #tpu.memory_space<vmem_shared>>) target(%dma_start3A_584 : memref<632x128xf32, #tpu.memory_space<hbm>>) target_semaphore(%run_scoped3A : memref<!tpu.dma_semaphore, #tpu.memory_space<semaphore_mem>>)
        %dma_wait3A = arith.constant 0 : i32
        %dma_wait3A_587 = tpu.memref_slice %arg11[%mul3A_569, %dma_wait3A] : memref<10112x128xf32, #tpu.memory_space<hbm>> -> memref<632x128xf32, #tpu.memory_space<hbm>>
        %dma_wait3A_588 = arith.constant 0 : i32
        %dma_wait3A_589 = tpu.memref_slice %arg27[%mul3A_569, %dma_wait3A_588] : memref<10112x128xf32, #tpu.memory_space<vmem_shared>> -> memref<632x128xf32, #tpu.memory_space<vmem_shared>>
        tpu.wait_dma2 semaphore(%run_scoped3A : memref<!tpu.dma_semaphore, #tpu.memory_space<semaphore_mem>>) src(%dma_wait3A_589 : memref<632x128xf32, #tpu.memory_space<vmem_shared>>) dst(%dma_wait3A_587 : memref<632x128xf32, #tpu.memory_space<hbm>>)
        tpu.yield
      }) : () -> ()
      %add3A_570 = arith.constant 0 : i32
      %add3A_571 = arith.addi %arg1, %add3A_570 : i32
      %lt3A_572 = arith.constant 20 : i32
      %lt3A_573 = arith.cmpi slt, %add3A_571, %lt3A_572 : i32
      %convert_element_type3A_574 = arith.extui %lt3A_573 : i1 to i32
      %cond3A_575 = arith.constant 0 : i32
      %cond3A_576 = arith.cmpi ne, %convert_element_type3A_574, %cond3A_575 : i32
      scf.if %cond3A_576 {
        %mul3A_584 = arith.constant 8 : i32
        %mul3A_585 = arith.muli %add3A_571, %mul3A_584 : i32
        %mul3A_586 = arith.constant 8 : i32
        %mul3A_587 = arith.muli %add3A_571, %mul3A_586 : i32
        "tpu.region"() ({
          %run_scoped3A = tpu.sem_alloc : memref<!tpu.dma_semaphore, #tpu.memory_space<semaphore_mem>>
          %dma_start3A = arith.constant 0 : i32
          %dma_start3A_588 = tpu.memref_slice %arg13[%mul3A_587, %dma_start3A] : memref<160x128xf32, #tpu.memory_space<hbm>> -> memref<8x128xf32, #tpu.memory_space<hbm>>
          %dma_start3A_589 = arith.constant 0 : i32
          %dma_start3A_590 = tpu.memref_slice %arg28[%mul3A_585, %dma_start3A_589] : memref<160x128xf32, #tpu.memory_space<vmem_shared>> -> memref<8x128xf32, #tpu.memory_space<vmem_shared>>
          tpu.enqueue_dma source(%dma_start3A_590 : memref<8x128xf32, #tpu.memory_space<vmem_shared>>) target(%dma_start3A_588 : memref<8x128xf32, #tpu.memory_space<hbm>>) target_semaphore(%run_scoped3A : memref<!tpu.dma_semaphore, #tpu.memory_space<semaphore_mem>>)
          %dma_wait3A = arith.constant 0 : i32
          %dma_wait3A_591 = tpu.memref_slice %arg13[%mul3A_587, %dma_wait3A] : memref<160x128xf32, #tpu.memory_space<hbm>> -> memref<8x128xf32, #tpu.memory_space<hbm>>
          %dma_wait3A_592 = arith.constant 0 : i32
          %dma_wait3A_593 = tpu.memref_slice %arg28[%mul3A_585, %dma_wait3A_592] : memref<160x128xf32, #tpu.memory_space<vmem_shared>> -> memref<8x128xf32, #tpu.memory_space<vmem_shared>>
          tpu.wait_dma2 semaphore(%run_scoped3A : memref<!tpu.dma_semaphore, #tpu.memory_space<semaphore_mem>>) src(%dma_wait3A_593 : memref<8x128xf32, #tpu.memory_space<vmem_shared>>) dst(%dma_wait3A_591 : memref<8x128xf32, #tpu.memory_space<hbm>>)
          tpu.yield
        }) : () -> ()
      } else {
      }
      %add3A_577 = arith.constant 16 : i32
      %add3A_578 = arith.addi %arg1, %add3A_577 : i32
      %lt3A_579 = arith.constant 20 : i32
      %lt3A_580 = arith.cmpi slt, %add3A_578, %lt3A_579 : i32
      %convert_element_type3A_581 = arith.extui %lt3A_580 : i1 to i32
      %cond3A_582 = arith.constant 0 : i32
      %cond3A_583 = arith.cmpi ne, %convert_element_type3A_581, %cond3A_582 : i32
      scf.if %cond3A_583 {
        %mul3A_584 = arith.constant 8 : i32
        %mul3A_585 = arith.muli %add3A_578, %mul3A_584 : i32
        %mul3A_586 = arith.constant 8 : i32
        %mul3A_587 = arith.muli %add3A_578, %mul3A_586 : i32
        "tpu.region"() ({
          %run_scoped3A = tpu.sem_alloc : memref<!tpu.dma_semaphore, #tpu.memory_space<semaphore_mem>>
          %dma_start3A = arith.constant 0 : i32
          %dma_start3A_588 = tpu.memref_slice %arg13[%mul3A_587, %dma_start3A] : memref<160x128xf32, #tpu.memory_space<hbm>> -> memref<8x128xf32, #tpu.memory_space<hbm>>
          %dma_start3A_589 = arith.constant 0 : i32
          %dma_start3A_590 = tpu.memref_slice %arg28[%mul3A_585, %dma_start3A_589] : memref<160x128xf32, #tpu.memory_space<vmem_shared>> -> memref<8x128xf32, #tpu.memory_space<vmem_shared>>
          tpu.enqueue_dma source(%dma_start3A_590 : memref<8x128xf32, #tpu.memory_space<vmem_shared>>) target(%dma_start3A_588 : memref<8x128xf32, #tpu.memory_space<hbm>>) target_semaphore(%run_scoped3A : memref<!tpu.dma_semaphore, #tpu.memory_space<semaphore_mem>>)
          %dma_wait3A = arith.constant 0 : i32
          %dma_wait3A_591 = tpu.memref_slice %arg13[%mul3A_587, %dma_wait3A] : memref<160x128xf32, #tpu.memory_space<hbm>> -> memref<8x128xf32, #tpu.memory_space<hbm>>
          %dma_wait3A_592 = arith.constant 0 : i32
          %dma_wait3A_593 = tpu.memref_slice %arg28[%mul3A_585, %dma_wait3A_592] : memref<160x128xf32, #tpu.memory_space<vmem_shared>> -> memref<8x128xf32, #tpu.memory_space<vmem_shared>>
          tpu.wait_dma2 semaphore(%run_scoped3A : memref<!tpu.dma_semaphore, #tpu.memory_space<semaphore_mem>>) src(%dma_wait3A_593 : memref<8x128xf32, #tpu.memory_space<vmem_shared>>) dst(%dma_wait3A_591 : memref<8x128xf32, #tpu.memory_space<hbm>>)
          tpu.yield
        }) : () -> ()
      } else {
      }
    } else {
    }
    %eq3A_563 = arith.constant 1 : i32
    %eq3A_564 = arith.cmpi eq, %arg0, %eq3A_563 : i32
    %convert_element_type3A_565 = arith.extui %eq3A_564 : i1 to i32
    %cond3A_566 = arith.constant 0 : i32
    %cond3A_567 = arith.cmpi ne, %convert_element_type3A_565, %cond3A_566 : i32
    scf.if %cond3A_567 {
      %mul3A_568 = arith.constant 632 : i32
      %mul3A_569 = arith.muli %arg1, %mul3A_568 : i32
      "tpu.region"() ({
        %run_scoped3A = tpu.sem_alloc : memref<!tpu.dma_semaphore, #tpu.memory_space<semaphore_mem>>
        %dma_start3A = arith.constant 0 : i32
        %dma_start3A_584 = tpu.memref_slice %arg12[%mul3A_569, %dma_start3A] : memref<10112x128xf32, #tpu.memory_space<hbm>> -> memref<632x128xf32, #tpu.memory_space<hbm>>
        %dma_start3A_585 = arith.constant 0 : i32
        %dma_start3A_586 = tpu.memref_slice %arg27[%mul3A_569, %dma_start3A_585] : memref<10112x128xf32, #tpu.memory_space<vmem_shared>> -> memref<632x128xf32, #tpu.memory_space<vmem_shared>>
        tpu.enqueue_dma source(%dma_start3A_586 : memref<632x128xf32, #tpu.memory_space<vmem_shared>>) target(%dma_start3A_584 : memref<632x128xf32, #tpu.memory_space<hbm>>) target_semaphore(%run_scoped3A : memref<!tpu.dma_semaphore, #tpu.memory_space<semaphore_mem>>)
        %dma_wait3A = arith.constant 0 : i32
        %dma_wait3A_587 = tpu.memref_slice %arg12[%mul3A_569, %dma_wait3A] : memref<10112x128xf32, #tpu.memory_space<hbm>> -> memref<632x128xf32, #tpu.memory_space<hbm>>
        %dma_wait3A_588 = arith.constant 0 : i32
        %dma_wait3A_589 = tpu.memref_slice %arg27[%mul3A_569, %dma_wait3A_588] : memref<10112x128xf32, #tpu.memory_space<vmem_shared>> -> memref<632x128xf32, #tpu.memory_space<vmem_shared>>
        tpu.wait_dma2 semaphore(%run_scoped3A : memref<!tpu.dma_semaphore, #tpu.memory_space<semaphore_mem>>) src(%dma_wait3A_589 : memref<632x128xf32, #tpu.memory_space<vmem_shared>>) dst(%dma_wait3A_587 : memref<632x128xf32, #tpu.memory_space<hbm>>)
        tpu.yield
      }) : () -> ()
      %add3A_570 = arith.constant 0 : i32
      %add3A_571 = arith.addi %arg1, %add3A_570 : i32
      %lt3A_572 = arith.constant 20 : i32
      %lt3A_573 = arith.cmpi slt, %add3A_571, %lt3A_572 : i32
      %convert_element_type3A_574 = arith.extui %lt3A_573 : i1 to i32
      %cond3A_575 = arith.constant 0 : i32
      %cond3A_576 = arith.cmpi ne, %convert_element_type3A_574, %cond3A_575 : i32
      scf.if %cond3A_576 {
        %mul3A_584 = arith.constant 8 : i32
        %mul3A_585 = arith.muli %add3A_571, %mul3A_584 : i32
        %mul3A_586 = arith.constant 8 : i32
        %mul3A_587 = arith.muli %add3A_571, %mul3A_586 : i32
        "tpu.region"() ({
          %run_scoped3A = tpu.sem_alloc : memref<!tpu.dma_semaphore, #tpu.memory_space<semaphore_mem>>
          %dma_start3A = arith.constant 0 : i32
          %dma_start3A_588 = tpu.memref_slice %arg14[%mul3A_587, %dma_start3A] : memref<160x128xf32, #tpu.memory_space<hbm>> -> memref<8x128xf32, #tpu.memory_space<hbm>>
          %dma_start3A_589 = arith.constant 0 : i32
          %dma_start3A_590 = tpu.memref_slice %arg28[%mul3A_585, %dma_start3A_589] : memref<160x128xf32, #tpu.memory_space<vmem_shared>> -> memref<8x128xf32, #tpu.memory_space<vmem_shared>>
          tpu.enqueue_dma source(%dma_start3A_590 : memref<8x128xf32, #tpu.memory_space<vmem_shared>>) target(%dma_start3A_588 : memref<8x128xf32, #tpu.memory_space<hbm>>) target_semaphore(%run_scoped3A : memref<!tpu.dma_semaphore, #tpu.memory_space<semaphore_mem>>)
          %dma_wait3A = arith.constant 0 : i32
          %dma_wait3A_591 = tpu.memref_slice %arg14[%mul3A_587, %dma_wait3A] : memref<160x128xf32, #tpu.memory_space<hbm>> -> memref<8x128xf32, #tpu.memory_space<hbm>>
          %dma_wait3A_592 = arith.constant 0 : i32
          %dma_wait3A_593 = tpu.memref_slice %arg28[%mul3A_585, %dma_wait3A_592] : memref<160x128xf32, #tpu.memory_space<vmem_shared>> -> memref<8x128xf32, #tpu.memory_space<vmem_shared>>
          tpu.wait_dma2 semaphore(%run_scoped3A : memref<!tpu.dma_semaphore, #tpu.memory_space<semaphore_mem>>) src(%dma_wait3A_593 : memref<8x128xf32, #tpu.memory_space<vmem_shared>>) dst(%dma_wait3A_591 : memref<8x128xf32, #tpu.memory_space<hbm>>)
          tpu.yield
        }) : () -> ()
      } else {
      }
      %add3A_577 = arith.constant 16 : i32
      %add3A_578 = arith.addi %arg1, %add3A_577 : i32
      %lt3A_579 = arith.constant 20 : i32
      %lt3A_580 = arith.cmpi slt, %add3A_578, %lt3A_579 : i32
      %convert_element_type3A_581 = arith.extui %lt3A_580 : i1 to i32
      %cond3A_582 = arith.constant 0 : i32
      %cond3A_583 = arith.cmpi ne, %convert_element_type3A_581, %cond3A_582 : i32
      scf.if %cond3A_583 {
        %mul3A_584 = arith.constant 8 : i32
        %mul3A_585 = arith.muli %add3A_578, %mul3A_584 : i32
        %mul3A_586 = arith.constant 8 : i32
        %mul3A_587 = arith.muli %add3A_578, %mul3A_586 : i32
        "tpu.region"() ({
          %run_scoped3A = tpu.sem_alloc : memref<!tpu.dma_semaphore, #tpu.memory_space<semaphore_mem>>
          %dma_start3A = arith.constant 0 : i32
          %dma_start3A_588 = tpu.memref_slice %arg14[%mul3A_587, %dma_start3A] : memref<160x128xf32, #tpu.memory_space<hbm>> -> memref<8x128xf32, #tpu.memory_space<hbm>>
          %dma_start3A_589 = arith.constant 0 : i32
          %dma_start3A_590 = tpu.memref_slice %arg28[%mul3A_585, %dma_start3A_589] : memref<160x128xf32, #tpu.memory_space<vmem_shared>> -> memref<8x128xf32, #tpu.memory_space<vmem_shared>>
          tpu.enqueue_dma source(%dma_start3A_590 : memref<8x128xf32, #tpu.memory_space<vmem_shared>>) target(%dma_start3A_588 : memref<8x128xf32, #tpu.memory_space<hbm>>) target_semaphore(%run_scoped3A : memref<!tpu.dma_semaphore, #tpu.memory_space<semaphore_mem>>)
          %dma_wait3A = arith.constant 0 : i32
          %dma_wait3A_591 = tpu.memref_slice %arg14[%mul3A_587, %dma_wait3A] : memref<160x128xf32, #tpu.memory_space<hbm>> -> memref<8x128xf32, #tpu.memory_space<hbm>>
          %dma_wait3A_592 = arith.constant 0 : i32
          %dma_wait3A_593 = tpu.memref_slice %arg28[%mul3A_585, %dma_wait3A_592] : memref<160x128xf32, #tpu.memory_space<vmem_shared>> -> memref<8x128xf32, #tpu.memory_space<vmem_shared>>
          tpu.wait_dma2 semaphore(%run_scoped3A : memref<!tpu.dma_semaphore, #tpu.memory_space<semaphore_mem>>) src(%dma_wait3A_593 : memref<8x128xf32, #tpu.memory_space<vmem_shared>>) dst(%dma_wait3A_591 : memref<8x128xf32, #tpu.memory_space<hbm>>)
          tpu.yield
        }) : () -> ()
      } else {
      }
    } else {
    }
    return
  }
}

</mosaic_0001>

<sc_bundles>
// kernel: _gat1_call.3.cloned.1.call-start
scs
__scs_entry_jumppad:
0x0: {  	(pc) =	sbr.rel $0x88, $3  }
0x1: {  	(tag) =	ssettag $0x0;
	lr =	simm.s32 $0x1  }
0x2: {  	[smem:$0x3F98] =	sst lr;
	_ =	strace $0xD0000000  }
0x3: {  	_ = 	snop  }
0x4: {  	_ = 	snop  }
0x5: {  	_ = 	snop  }
0x6: {  	_ = 	snop  }
0x7: {  	_ = 	snop  }
__scs_overlays_trampoline_lowered:
0x8: {  	[smem:$0x3FA7] =	sst s0  }
0x9: {  	[smem:$0x3FA8] =	sst s1  }
0xa: {  	[smem:$0x3FA9] =	sst s2  }
0xb: {  	[smem:$0x3FAA] =	sst s3  }
0xc: {  	[smem:$0x3FAB] =	sst s4  }
0xd: {  	[smem:$0x3FAC] =	sst s5  }
0xe: {  	[smem:$0x3FAD] =	sst s6  }
0xf: {  	[smem:$0x3FAE] =	sst s7  }
0x10: {  	[smem:$0x3FAF] =	sst s8  }
0x11: {  	[smem:$0x3FB0] =	sst s9;
	s0 =	simm.s32 @!p0 $0x0  }
0x12: {  	s1 =	sld [smem:$0x3F96];
	s0 =	simm.s32 @p0 $0x1  }
0x13: {  	[smem:$0x3FB1] =	sst s0;
	s0 =	simm.s32 @!p1 $0x0  }
0x14: {  	s2 =	sld [smem:$0x3F95];
	s0 =	simm.s32 @p1 $0x1  }
0x15: {  	[smem:$0x3FB2] =	sst s0;
	s0 =	simm.s32 @!p2 $0x0  }
0x16: {  	s3 =	sld [smem:$0x3FDB];
	s0 =	simm.s32 @p2 $0x1  }
0x17: {  	s4 =	simm.s32 $0x1BF5;
	[smem:$0x3FB4] =	sst s0  }
0x18: {  	s0 =	sld [smem:$0x3F97];
	_ =	swait.ge [sflag:s4], $0x0  }
0x19: {  	s7 =	sld [smem:$0x3F98]  }
0x1a: {  	s8 =	sadd.s32 $0xFFFFE003, lr  }
0x1b: {  	s9 =	sadd.s32 $0xFFFFFEF7, lr;
	s5 =	simm.s32 $0xFFFFFFFF;
	p2 =	slt.u32 s8, $0xFFFFF086  }
0x1c: {  	p1 =	slt.u32 s9, $0xF7A;
	s5 =	simm.s32 @!p2 $0x0  }
0x1d: {  	s5 =	simm.s32 @p1 $0x1;
	p0 =	seq.s32 s7, s2  }
0x1e: {  	s7 =	smul.u32 @!p0 $0xF7A, s2;
	p2 =	seq.s32 @!p0 s5, $0x0  }
0x1f: {  	s9 =	smul.u32 $0xF7A, s1;
	s8 =	simm.s32 @!p0 $0x1BF5;
	p2 =	por !p2, p0  }
0x20: {  	[sflag:s8] =	ssyncset.s32 @!p0 $0xFFFFF086;
	s6 =	sadd.s32 @!p0 s3, s7;
	s7 =	simm.s32 @!p0 $0x108  }
0x21: {  	s3 =	sadd.s32 s3, s9;
	s6 =	sadd.s32 @!p0 $0x88, s6;
	s7 =	simm.s32 @p2 $0x1082  }
0x22: {  	[simem:s7], [sflag:s8] =	dma.local @!p0 [hbm:s6], $0xF7A  }
0x23: {  	s9 =	sor.u32 $0xD0000000, s2;
	s6 =	simm.s32 $0x108;
	_ =	swait.ge @!p0 [sflag:s8], $0x0  }
0x24: {  	s3 =	sadd.s32 $0x88, s3;
	s6 =	simm.s32 @!p1 $0x1082;
	[sflag:s4] =	ssyncset.s32 $0xFFFFF086  }
0x25: {  	[simem:s6], [sflag:s4] =	dma.local [hbm:s3], $0xF7A  }
0x26: {  	[smem:$0x3F98] =	sst s1;
	(tag) =	ssettag s2;
	_ =	strace s9  }
0x27: {  	s1 =	sld [smem:$0x3FA8]  }
0x28: {  	s2 =	sld [smem:$0x3FA9]  }
0x29: {  	s4 =	sld [smem:$0x3FAB]  }
0x2a: {  	p0 =	seq.s32 s5, $0x0;
	s5 =	sld [smem:$0x3FAC]  }
0x2b: {  	s6 =	sld [smem:$0x3FAD]  }
0x2c: {  	s7 =	sld [smem:$0x3FAE]  }
0x2d: {  	s3 =	simm.s32 $0x108;
	s8 =	sld [smem:$0x3FAF]  }
0x2e: {  	s3 =	simm.s32 @!p0 $0x1082;
	s9 =	sld [smem:$0x3FB0]  }
0x2f: {  	lr =	sadd.s32 s0, s3;
	s0 =	sld [smem:$0x3FA7]  }
0x30: {  	s3 =	sld [smem:$0x3FAA]  }
0x31: {  	[smem:$0x3FB3] =	sst s10  }
0x32: {  	s10 =	sld [smem:$0x3FB1];
	_ =	sdelay $0x3  }
0x33: {  	p0 =	seq.s32 s10, $0x1;
	s10 =	sld [smem:$0x3FB3];
	_ =	sdelay $0x3  }
0x34: {  	[smem:$0x3FB3] =	sst s10  }
0x35: {  	s10 =	sld [smem:$0x3FB2];
	_ =	sdelay $0x3  }
0x36: {  	p1 =	seq.s32 s10, $0x1;
	s10 =	sld [smem:$0x3FB3];
	_ =	sdelay $0x3  }
0x37: {  	[smem:$0x3FB3] =	sst s10  }
0x38: {  	s10 =	sld [smem:$0x3FB4]  }
0x39: {  	_ = 	snop;
	(pc) =	sbr.ind lr, $3  }
0x3a: {  	_ = 	snop  }
0x3b: {  	_ = 	snop  }
0x3c: {  	p2 =	seq.s32 s10, $0x1;
	s10 =	sld [smem:$0x3FB3]  }
0x3d: {  	_ =	shalt  }
0x3e: {  	_ =	shalt  }
0x3f: {  	_ =	shalt  }
0x40: {  	_ =	shalt  }
0x41: {  	_ =	shalt  }
0x42: {  	_ =	shalt  }
0x43: {  	_ =	shalt  }
0x44: {  	_ =	shalt  }
0x45: {  	_ =	shalt  }
0x46: {  	_ =	shalt  }
0x47: {  	_ =	shalt  }
0x48: {  	_ =	shalt  }
0x49: {  	_ =	shalt  }
0x4a: {  	_ =	shalt  }
0x4b: {  	_ =	shalt  }
0x4c: {  	_ =	shalt  }
0x4d: {  	_ =	shalt  }
0x4e: {  	_ =	shalt  }
0x4f: {  	_ =	shalt  }
0x50: {  	_ =	shalt  }
0x51: {  	_ =	shalt  }
0x52: {  	_ =	shalt  }
0x53: {  	_ =	shalt  }
0x54: {  	_ =	shalt  }
0x55: {  	_ =	shalt  }
0x56: {  	_ =	shalt  }
0x57: {  	_ =	shalt  }
0x58: {  	_ =	shalt  }
0x59: {  	_ =	shalt  }
0x5a: {  	_ =	shalt  }
0x5b: {  	_ =	shalt  }
0x5c: {  	_ =	shalt  }
0x5d: {  	_ =	shalt  }
0x5e: {  	_ =	shalt  }
0x5f: {  	_ =	shalt  }
0x60: {  	_ =	shalt  }
0x61: {  	_ =	shalt  }
0x62: {  	_ =	shalt  }
0x63: {  	_ =	shalt  }
0x64: {  	_ =	shalt  }
0x65: {  	_ =	shalt  }
0x66: {  	_ =	shalt  }
0x67: {  	_ =	shalt  }
0x68: {  	_ =	shalt  }
0x69: {  	_ =	shalt  }
0x6a: {  	_ =	shalt  }
0x6b: {  	_ =	shalt  }
0x6c: {  	_ =	shalt  }
0x6d: {  	_ =	shalt  }
0x6e: {  	_ =	shalt  }
0x6f: {  	_ =	shalt  }
0x70: {  	_ =	shalt  }
0x71: {  	_ =	shalt  }
0x72: {  	_ =	shalt  }
0x73: {  	_ =	shalt  }
0x74: {  	_ =	shalt  }
0x75: {  	_ =	shalt  }
0x76: {  	_ =	shalt  }
0x77: {  	_ =	shalt  }
0x78: {  	_ =	shalt  }
0x79: {  	_ =	shalt  }
0x7a: {  	_ =	shalt  }
0x7b: {  	_ =	shalt  }
0x7c: {  	_ =	shalt  }
0x7d: {  	_ =	shalt  }
0x7e: {  	_ =	shalt  }
0x7f: {  	_ =	shalt  }
0x80: {  	_ =	shalt  }
0x81: {  	_ =	shalt  }
0x82: {  	_ =	shalt  }
0x83: {  	_ =	shalt  }
0x84: {  	_ =	shalt  }
0x85: {  	_ =	shalt  }
0x86: {  	_ =	shalt  }
0x87: {  	_ =	shalt  }
.Lfunc_end0:
.L_simem_size_0:
called_computation_lowered:
.L_overlay_start_0:
0x88: {  	s2 =	sld [smem:$0x3FD9]  }
0x89: {  	s3 =	sld [smem:$0x3FFE];
	_ =	sdelay $0x1  }
0x8a: {  	s1 =	srdreg.scid  }
0x8b: {  	s0 =	sand.u32 $0x1, s1  }
0x8c: {  	s26 =	sshll.u32 s0, $0xA;
	s2 =	sadd.s32 s3, s2  }
0x8d: {  	s2 =	sadd.s32 s2, s26  }
0x8e: {  	[smem:$0x3FBF] =	sst s2  }
0x8f: {  	_ = 	snop  }
0x90: {  	s2 =	sld [smem:$0x3FC9]  }
0x91: {  	s3 =	sld [smem:$0x3FC8]  }
0x92: {  	s4 =	sld [smem:$0x3FC7]  }
0x93: {  	s5 =	sld [smem:$0x3FC6]  }
0x94: {  	s6 =	sld [smem:$0x3FC5]  }
0x95: {  	s7 =	sld [smem:$0x3FC4]  }
0x96: {  	s11 =	sld [smem:$0x3FD0]  }
0x97: {  	s8 =	sld [smem:$0x3FC3]  }
0x98: {  	s9 =	sld [smem:$0x3FC2]  }
0x99: {  	s14 =	simm.s32 $0xA;
	s12 =	simm.s32 $0x10;
	s10 =	sld [smem:$0x3FC1]  }
0x9a: {  	[smem:s12], [sflag:s14] =	dma.local [hbm:s11], $0x1  }
0x9b: {  	_ =	swait.eq [sflag:s14], $0x1  }
0x9c: {  	s11 =	sld [smem:$0x10]  }
0x9d: {  	s12 =	sld [smem:$0x11];
	[sflag:s14] =	ssyncset.done $0x0  }
0x9e: {  	s13 =	sld [smem:$0x12];
	[sflag:s14] =	ssyncadd.s32 $0xFFFFFFFF  }
0x9f: {  	s14 =	sld [smem:$0x13];
	(tm) =	ssettm $0x1  }
0xa0: {  	s15 =	sld [smem:$0x3FFB];
	_ =	sdelay $0x3  }
0xa1: {  	_ =	strace s15  }
0xa2: {  	s15 =	sld [smem:$0x3FFC];
	_ =	sdelay $0x3  }
0xa3: {  	_ =	strace s15  }
0xa4: {  	s15 =	sld [smem:$0x3FFD];
	_ =	sdelay $0x3  }
0xa5: {  	_ =	strace s15  }
0xa6: {  	_ =	strace $0x8FFFFFFF  }
0xa7: {  	s28 =	sld [smem:$0x3FDB];
	_ =	sdelay $0x1  }
0xa8: {  	s16 =	simm.s32 $_scs_section_size  }
0xa9: {  	s17 =	simm.s32 $_size__tile_task_arg_handler_lowered;
	s18 =	simm.s32 $_tile_task_arg_handler_lowered  }
0xaa: {  	s31 =	simm.s32 $0x1BFF;
	s30 =	sshll.u32 s18, $0x1;
	s16 =	sadd.s32 s16, s28  }
0xab: {  	s19 =	simm.s32 $0x60;
	s29 =	sshll.u32 s17, $0x1;
	s17 =	sadd.s32 s30, s16  }
0xac: {  	[timem:s19], [sflag:s31] =	dma.local [hbm:s17], s29  }
0xad: {  	_ =	swait.ge [sflag:s31], s29  }
0xae: {  	s15 =	ssub.s32 $0x0, s29;
	s19 =	simm.s32 $_tile_overlayer_lowered;
	[sflag:s31] =	ssyncset.done $0x0  }
0xaf: {  	s20 =	simm.s32 $_size__tile_overlayer_lowered;
	s17 =	sshll.u32 s19, $0x1;
	[sflag:s31] =	ssyncadd.s32 s15  }
0xb0: {  	s22 =	simm.s32 $0x0;
	s21 =	sshll.u32 s20, $0x1;
	s17 =	sadd.s32 s17, s16  }
0xb1: {  	[timem:s22], [sflag:s31] =	dma.local [hbm:s17], s21  }
0xb2: {  	_ =	swait.ge [sflag:s31], s21  }
0xb3: {  	s23 =	ssub.s32 $0x0, s21;
	[sflag:s31] =	ssyncset.done $0x0  }
0xb4: {  	[sflag:s31] =	ssyncadd.s32 s23;
	_ =	sdelay $0x1  }
0xb5: {  	s24 =	simm.s32 $0x1B8B  }
0xb6: {  	_ =	swait.ge [sflag:s24], $0x1  }
0xb7: {  	[sflag:s24] =	ssyncset.done $0x0  }
0xb8: {  	s25 =	simm.s32 $0x1B8E;
	[sflag:s24] =	ssyncadd.s32 $0xFFFFFFFF  }
0xb9: {  	s26 =	simm.s32 $execute0_lowered;
	[smem:$0x3FD2] =	sst s25  }
0xba: {  	s17 =	sshll.u32 s26, $0x1;
	_ =	strace $0x80000046;
	[dreg:$0x1] =	wrdreg $0xFFFFFFFF  }
0xbb: {  	s28 =	simm.s32 $_size_execute0_lowered;
	s16 =	sadd.s32 s16, s17;
	[dreg:$0x0] =	wrdreg $0x0  }
0xbc: {  	s17 =	sshll.u32 s28, $0x1;
	[dreg:$0x2] =	wrdreg s16  }
0xbd: {  	[dreg:$0x3] =	wrdreg s17  }
0xbe: {  	[dreg:$0x4] =	wrdreg $0xC0  }
0xbf: {  	_ =	task [dreg:s22], $0x5FFFF  }
0xc0: {  	[dreg:$0x1] =	wrdreg $0xFFFFFFFF  }
0xc1: {  	[dreg:$0x0] =	wrdreg $0x30  }
0xc2: {  	[dreg:$0x2] =	wrdreg $0x0  }
0xc3: {  	[dreg:$0x3] =	wrdreg $0x1F4000  }
0xc4: {  	[dreg:$0x4] =	wrdreg $0x9  }
0xc5: {  	_ =	task [dreg:s22], $0x5FFFF  }
0xc6: {  	[dreg:$0x1] =	wrdreg $0xFFFFFFFF  }
0xc7: {  	[dreg:$0x0] =	wrdreg $0x60  }
0xc8: {  	[dreg:$0x2] =	wrdreg s2  }
0xc9: {  	[dreg:$0x3] =	wrdreg s3  }
0xca: {  	[dreg:$0x4] =	wrdreg s4  }
0xcb: {  	[dreg:$0x5] =	wrdreg s5  }
0xcc: {  	[dreg:$0x6] =	wrdreg s6  }
0xcd: {  	[dreg:$0x7] =	wrdreg s7  }
0xce: {  	[dreg:$0x8] =	wrdreg s8  }
0xcf: {  	[dreg:$0x9] =	wrdreg s9  }
0xd0: {  	[dreg:$0xa] =	wrdreg s10  }
0xd1: {  	[dreg:$0xb] =	wrdreg s11  }
0xd2: {  	[dreg:$0xc] =	wrdreg s12  }
0xd3: {  	[dreg:$0xd] =	wrdreg s13  }
0xd4: {  	[dreg:$0xe] =	wrdreg s14  }
0xd5: {  	[dreg:$0xf] =	wrdreg $0xB8000  }
0xd6: {  	_ =	task.clear_ibuf [dreg:s22], $0x10FFFF;
	_ =	strace $0x90000046  }
0xd7: {  	s29 =	simm.s32 $0x9;
	_ =	strace $0x80000048  }
0xd8: {  	_ =	swait.ge [sflag:s29], $0x1  }
0xd9: {  	[sflag:s29] =	ssyncadd.s32 $0xFFFFFFFF  }
0xda: {  	_ =	strace $0x90000048  }
0xdb: {  	_ =	sfence  }
0xdc: {  	s30 =	sld [smem:$0x0];
	_ =	sdelay $0x2  }
0xdd: {  	s31 =	sshll.u32 s1, $0xD;
	s1 =	sshrl.u32 s1, $0x2  }
0xde: {  	s3 =	sand.u32 $0x4000, s31;
	s1 =	sadd.s32 s1, s30  }
0xdf: {  	s0 =	sor.u32 s3, s0;
	s1 =	sshll.u32 s1, $0x11  }
0xe0: {  	s0 =	sor.u32 s1, s0  }
0xe1: {  	s0 =	sadd.s32 $0x8F2B, s0  }
0xe2: {  	[sflag:s0] =	ssyncadd.remote.s32 $0x1  }
0xe3: {  	_ =	sfence.sel $0xFFFF  }
0xe4: {  	[dreg:$0x0] =	wrdreg $0xFFFFFFFF;
	(pc) =	sbr.abs _section_cstart, $3  }
0xe5: {  	[dreg:$0x1] =	wrdreg $0xFFFFFFFF  }
0xe6: {  	_ =	task.clear_ibuf [dreg:s22], $0x2FFFF;
	_ =	strace $0x9FFFFFFF  }
0xe7: {  	(tm) =	ssettm $0x7FFFFFFF  }
tec
_tile_task_arg_handler_lowered:
.L_overlay_start_1:
0x0: {  	(tag) =	ssettag $0x1  }
0x1: {  	s0 =	rddreg [dreg:$0x0]  }
0x2: {  	s1 =	rddreg [dreg:$0x1]  }
0x3: {  	s2 =	rddreg [dreg:$0x2]  }
0x4: {  	s3 =	rddreg [dreg:$0x3]  }
0x5: {  	s4 =	rddreg [dreg:$0x4]  }
0x6: {  	s5 =	rddreg [dreg:$0x5]  }
0x7: {  	s6 =	rddreg [dreg:$0x6]  }
0x8: {  	s7 =	rddreg [dreg:$0x7]  }
0x9: {  	s8 =	rddreg [dreg:$0x8]  }
0xa: {  	s9 =	rddreg [dreg:$0x9]  }
0xb: {  	s10 =	rddreg [dreg:$0xa]  }
0xc: {  	s11 =	rddreg [dreg:$0xb]  }
0xd: {  	s12 =	rddreg [dreg:$0xc]  }
0xe: {  	s13 =	rddreg [dreg:$0xd]  }
0xf: {  	[smem:s0] =	sst s1  }
0x10: {  	[smem:s0+$0x1] =	sst s2  }
0x11: {  	[smem:s0+$0x2] =	sst s3  }
0x12: {  	[smem:s0+$0x3] =	sst s4  }
0x13: {  	[smem:s0+$0x4] =	sst s5  }
0x14: {  	[smem:s0+$0x5] =	sst s6  }
0x15: {  	[smem:s0+$0x6] =	sst s7  }
0x16: {  	[smem:s0+$0x7] =	sst s8  }
0x17: {  	[smem:s0+$0x8] =	sst s9  }
0x18: {  	[smem:s0+$0x9] =	sst s10  }
0x19: {  	[smem:s0+$0xA] =	sst s11  }
0x1a: {  	[smem:s0+$0xB] =	sst s12  }
0x1b: {  	[smem:s0+$0xC] =	sst s13;
	_ =	shalt  }
.Lfunc_end2:
execute0_lowered:
.L_overlay_start_2:
0x1c: {  	(tag) =	ssettag $0x2  }
0x1d: {  	s0 =	rddreg [dreg:$0x0]  }
0x1e: {  	s1 =	rddreg [dreg:$0x1]  }
0x1f: {  	s2 =	rddreg [dreg:$0x2]  }
0x20: {  	s3 =	rddreg [dreg:$0x3]  }
0x21: {  	s4 =	rddreg [dreg:$0x4]  }
0x22: {  	s5 =	rddreg [dreg:$0x5]  }
0x23: {  	s6 =	rddreg [dreg:$0x6]  }
0x24: {  	s7 =	rddreg [dreg:$0x9]  }
0x25: {  	s8 =	rddreg [dreg:$0xa]  }
0x26: {  	s22 =	rddreg [dreg:$0xb]  }
0x27: {  	s23 =	rddreg [dreg:$0xc]  }
0x28: {  	s12 =	rddreg [dreg:$0xd]  }
0x29: {  	s13 =	simm.s32 $0x0;
	s9 =	srdreg.scid;
	s24 =	stileid.u32  }
0x2a: {  	v0 =	vimm.f32 $0.0e+00;
	s28 =	simm.s32 $0x3;
	s30 =	simm.s32 $0x80;
	s31 =	simm.s32 $0x1  }
0x2b: {  	v1 =	vlaneseq.u32;
	v3 =	vimm.s32 $0xEFCDAB89;
	v4 =	vimm.s32 $0x67452301;
	[smem:$0x7FF] =	sst s13;
	s9 =	sand.u32 $0x1, s9;
	s11 =	smul.u32 $0x4F000, s24  }
0x2c: {  	v7 =	vimm.s32 $0xDCFE98BA;
	v5 =	vunpack.c.l.s4.s8 v3;
	v6 =	vunpack.c.l.s4.s8 v4;
	s18 =	sshll.u32 s24, $0xA;
	s20 =	sor.u32 $0x10, s24;
	s21 =	smul.u32 $0x2780, s24  }
0x2d: {  	v12 =	vimm.s32 $0x32107654;
	v13 =	vimm.s32 $0xFEDCBA98;
	v2 =	vor.u32 $0x10, v1;
	p1 =	sgt.u32 s24, $0x3;
	p2 =	slt.u32 s24, $0x4;
	s15 =	sld [smem:$0x0]  }
0x2e: {  	v3 =	vor.u32 $0x20, v1;
	s10 =	ssub.s32 $0x2, s9;
	s14 =	sld [smem:$0x1];
	s19 =	sshll.u32 s20, $0xA;
	v8 =	vunpack.c.0.s8.s32 v5;
	v9 =	vunpack.c.0.s8.s32 v6  }
0x2f: {  	v4 =	vor.u32 $0x30, v1;
	v10 =	vunpack.c.l.s4.s8 v7;
	v7 =	vor.u32 $0x60, v1;
	p0 =	sne.s32 s9, $0x0;
	s26 =	sshll.u32 s20, $0x7;
	s9 =	simm.s32 $0x2  }
0x30: {  	v13 =	vunpack.c.l.s4.s8 v13;
	s17 =	sshrl.u32 s10, $0x1;
	s11 =	sshrl.u32 s11, $0x2;
	s8 =	sadd.s32 s8, s21;
	v11 =	vcombine.low v9, v8;
	v8 =	vimm.s32 $0x54761032  }
0x31: {  	s7 =	sadd.s32 s7, s21;
	s21 =	sshll.u32 s24, $0x7;
	s10 =	ssub.s32 s10, s17;
	v9 =	vunpack.c.0.s8.s32 v10;
	v10 =	vimm.s32 $0xBA98FEDC;
	v8 =	vunpack.c.l.s4.s8 v8  }
0x32: {  	v12 =	vunpack.c.l.s4.s8 v12;
	v5 =	vor.u32 $0x40, v1;
	s16 =	sadd.s32 s11, s12;
	s25 =	sadd.s32 s23, s21;
	[dreg:$0xe] =	wrdreg s14;
	v10 =	vunpack.c.l.s4.s8 v10  }
0x33: {  	v13 =	vunpack.c.0.s8.s32 v13;
	s17 =	sadd.s32 s18, s15;
	_ =	strace $0x80000047;
	[dreg:$0xf] =	wrdreg s8;
	v14 =	vunpack.c.0.s8.s32 v8;
	v8 =	vimm.s32 $0x76543210  }
.Ltmp0:
0x34: {  	v12 =	vunpack.c.0.s8.s32 v12;
	s18 =	sadd.s32 s19, s15;
	[dreg:$0x10] =	wrdreg s7;
	v10 =	vunpack.c.0.s8.s32 v10;
	v15 =	vunpack.c.l.s4.s8 v8;
	(pc) =	sbr.rel .LBB3_1-.Ltmp0, $4  }
0x35: {  	v6 =	vor.u32 $0x50, v1;
	s19 =	smul.u32 $0x4F00, s24;
	s29 =	smax.u32 s10, $0x1;
	v17 =	vand.u32 $0xF, v13;
	[dreg:$0x11] =	wrdreg s25;
	v11 =	vand.u32 $0xF, v11  }
0x36: {  	s14 =	simm.s32 $0x40;
	s10 =	simm.s32 $0x4200;
	[dreg:$0x12] =	wrdreg s26;
	v14 =	vcombine.low v14, v9;
	v16 =	vcombine.low v12, v10;
	v15 =	vunpack.c.0.s8.s32 v15  }
0x37: {  	s7 =	sadd.s32 s22, s21;
	[dreg:$0x14] =	wrdreg s29;
	s26 =	simm.s32 $0x6300;
	v8 =	vor.u32 $0x70, v1;
	v9 =	vor.u32 $0x80, v1;
	v10 =	vor.u32 $0x90, v1  }
0x38: {  	s8 =	simm.s32 $0x2200;
	[dreg:$0x13] =	wrdreg s7;
	s7 =	simm.s32 $0x200;
	v12 =	vand.u32 $0xF, v14;
	v13 =	vand.u32 $0xF, v16;
	v14 =	vcombine.low v17, v15  }
.LBB3_16:
0x39: {  	s21 =	rddreg [dreg:$0x12]  }
0x3a: {  	s29 =	sshrl.u32 s18, $0x3;
	s20 =	sadd.s32 s20, s21  }
0x3b: {  	[hbm:s20], [sflag:s11] =	dma.local [spmem:s29], $0x80  }
0x3c: {  	_ =	swait.ge [sflag:s28], $0x80  }
0x3d: {  	[sflag:s28] =	ssyncset.done $0x0  }
0x3e: {  	[sflag:s28] =	ssyncadd.s32 $0xFFFFFF80  }
.LBB3_17:
0x3f: {  	s13 =	sadd.s32 $0x1, s13;
	s11 =	rddreg [dreg:$0x14]  }
0x40: {  	p3 =	sne.s32 s13, s11  }
.Ltmp1:
0x41: {  	_ = 	snop;
	(pc) =	sbr.rel @!p3 .LBB3_18-.Ltmp1, $1  }
0x42: {  	_ =	sdelay $0x3  }
.LBB3_1:
0x43: {  	[tilespmem:$0x6300] =	vst v0  }
0x44: {  	[tilespmem:$0x6310] =	vst v0  }
0x45: {  	[tilespmem:$0x6320] =	vst v0  }
0x46: {  	[tilespmem:$0x6330] =	vst v0  }
0x47: {  	[tilespmem:$0x6340] =	vst v0  }
0x48: {  	[tilespmem:$0x6350] =	vst v0  }
0x49: {  	[tilespmem:$0x6360] =	vst v0  }
0x4a: {  	[tilespmem:$0x6370] =	vst v0  }
0x4b: {  	[tilespmem:$0x6380] =	vst v0  }
0x4c: {  	[tilespmem:$0x6390] =	vst v0  }
0x4d: {  	[tilespmem:$0x63A0] =	vst v0  }
0x4e: {  	[tilespmem:$0x63B0] =	vst v0  }
0x4f: {  	[tilespmem:$0x63C0] =	vst v0  }
0x50: {  	[tilespmem:$0x63D0] =	vst v0  }
0x51: {  	[tilespmem:$0x63E0] =	vst v0  }
0x52: {  	[tilespmem:$0x63F0] =	vst v0  }
0x53: {  	[tilespmem:$0x6400] =	vst v0  }
0x54: {  	[tilespmem:$0x6410] =	vst v0  }
0x55: {  	[tilespmem:$0x6420] =	vst v0  }
0x56: {  	[tilespmem:$0x6430] =	vst v0  }
0x57: {  	[tilespmem:$0x6440] =	vst v0  }
0x58: {  	[tilespmem:$0x6450] =	vst v0  }
0x59: {  	[tilespmem:$0x6460] =	vst v0  }
0x5a: {  	[tilespmem:$0x6470] =	vst v0  }
0x5b: {  	[tilespmem:$0x6480] =	vst v0  }
0x5c: {  	[tilespmem:$0x6490] =	vst v0  }
0x5d: {  	[tilespmem:$0x64A0] =	vst v0  }
0x5e: {  	[tilespmem:$0x64B0] =	vst v0  }
0x5f: {  	[tilespmem:$0x64C0] =	vst v0  }
0x60: {  	[tilespmem:$0x64D0] =	vst v0  }
0x61: {  	[tilespmem:$0x64E0] =	vst v0  }
0x62: {  	[tilespmem:$0x64F0] =	vst v0  }
0x63: {  	[tilespmem:$0x6500] =	vst v0  }
0x64: {  	[tilespmem:$0x6510] =	vst v0  }
0x65: {  	[tilespmem:$0x6520] =	vst v0  }
0x66: {  	[tilespmem:$0x6530] =	vst v0  }
0x67: {  	[tilespmem:$0x6540] =	vst v0  }
0x68: {  	[tilespmem:$0x6550] =	vst v0  }
0x69: {  	[tilespmem:$0x6560] =	vst v0  }
0x6a: {  	[tilespmem:$0x6570] =	vst v0  }
0x6b: {  	[tilespmem:$0x6580] =	vst v0  }
0x6c: {  	[tilespmem:$0x6590] =	vst v0  }
0x6d: {  	[tilespmem:$0x65A0] =	vst v0  }
0x6e: {  	[tilespmem:$0x65B0] =	vst v0  }
0x6f: {  	[tilespmem:$0x65C0] =	vst v0  }
0x70: {  	[tilespmem:$0x65D0] =	vst v0  }
0x71: {  	[tilespmem:$0x65E0] =	vst v0  }
0x72: {  	[tilespmem:$0x65F0] =	vst v0  }
0x73: {  	[tilespmem:$0x6600] =	vst v0  }
0x74: {  	[tilespmem:$0x6610] =	vst v0  }
0x75: {  	[tilespmem:$0x6620] =	vst v0  }
0x76: {  	[tilespmem:$0x6630] =	vst v0  }
0x77: {  	[tilespmem:$0x6640] =	vst v0  }
0x78: {  	[tilespmem:$0x6650] =	vst v0  }
0x79: {  	[tilespmem:$0x6660] =	vst v0  }
0x7a: {  	[tilespmem:$0x6670] =	vst v0  }
0x7b: {  	[tilespmem:$0x6680] =	vst v0  }
0x7c: {  	[tilespmem:$0x6690] =	vst v0  }
0x7d: {  	[tilespmem:$0x66A0] =	vst v0  }
0x7e: {  	[tilespmem:$0x66B0] =	vst v0  }
0x7f: {  	[tilespmem:$0x66C0] =	vst v0  }
0x80: {  	[tilespmem:$0x66D0] =	vst v0  }
0x81: {  	[tilespmem:$0x66E0] =	vst v0  }
0x82: {  	[tilespmem:$0x66F0] =	vst v0;
	s11 =	simm.s32 $0x0;
	s20 =	simm.s32 $0x200  }
.LBB3_2:
0x83: {  	p3 =	sne.s32 s20, $0x13E00;
	[tilespmem:s11+$0x6870] =	vst v0  }
0x84: {  	[tilespmem:s11+$0x6800] =	vst v0  }
0x85: {  	[tilespmem:s11+$0x6810] =	vst v0  }
.Ltmp2:
0x86: {  	[tilespmem:s11+$0x6820] =	vst v0;
	(pc) =	sbr.rel @p3 .LBB3_2-.Ltmp2, $4  }
0x87: {  	[tilespmem:s11+$0x6830] =	vst v0  }
0x88: {  	[tilespmem:s11+$0x6840] =	vst v0  }
0x89: {  	[tilespmem:s11+$0x6850] =	vst v0  }
0x8a: {  	[tilespmem:s11+$0x6860] =	vst v0;
	s11 =	sshra.s32 s20, $0x2;
	s20 =	sadd.s32 $0x200, s20  }
0x8b: {  	[tilespmem:s11+$0x6870] =	vst v0  }
0x8c: {  	[tilespmem:s11+$0x6800] =	vst v0  }
0x8d: {  	[tilespmem:s11+$0x6810] =	vst v0  }
0x8e: {  	[tilespmem:s11+$0x6820] =	vst v0  }
0x8f: {  	[tilespmem:s11+$0x6830] =	vst v0  }
0x90: {  	[tilespmem:s11+$0x6840] =	vst v0  }
0x91: {  	[tilespmem:s11+$0x6850] =	vst v0  }
0x92: {  	[tilespmem:s11+$0x6860] =	vst v0;
	s29 =	sadd.s32 $0x0, s16  }
0x93: {  	[spmem:s29] =	stream.linear.scatter [tilespmem:s26], [sflag:$0x3], $0x400, $0x38;
	[tilespmem:$0x1F900] =	vst v63  }
0x94: {  	s11 =	simm.s32 $0x1000;
	_ =	swait.ge [sflag:s28], $0x400  }
.LBB3_4:
0x95: {  	s20 =	sshra.s32 s11, $0x2;
	[sflag:s28] =	ssyncset.done $0x0;
	p3 =	sne.s32 s11, $0x4E000  }
.Ltmp3:
0x96: {  	s20 =	sadd.s32 s20, s16;
	[sflag:s28] =	ssyncadd.s32 $0xFFFFFC00;
	(pc) =	sbr.rel @p3 .LBB3_4-.Ltmp3, $3  }
0x97: {  	[spmem:s20] =	stream.linear.scatter [tilespmem:s26], [sflag:$0x3], $0x400, $0x38;
	[tilespmem:$0x1F900] =	vst v63  }
0x98: {  	s11 =	sadd.s32 $0x1000, s11;
	_ =	sdelay $0x1  }
0x99: {  	_ =	swait.ge [sflag:s28], $0x400  }
0x9a: {  	[sflag:s28] =	ssyncset.done $0x0  }
0x9b: {  	[sflag:s28] =	ssyncadd.s32 $0xFFFFFC00  }
0x9c: {  	[spmem:s17] =	stream.linear.scatter [tilespmem:s26], [sflag:$0x3], $0x400, $0x38;
	[tilespmem:$0x1F900] =	vst v63  }
0x9d: {  	_ =	swait.ge [sflag:s28], $0x400  }
0x9e: {  	[sflag:s28] =	ssyncset.done $0x0  }
0x9f: {  	s11 =	simm.s32 @!p1 $0x6300;
	[sflag:s28] =	ssyncadd.s32 $0xFFFFFC00  }
0xa0: {  	[spmem:s18] =	stream.linear.scatter @!p1 [tilespmem:s11], [sflag:$0x3], $0x400, $0x38;
	[tilespmem:$0x1F900] =	vst v63  }
0xa1: {  	s11 =	simm.s32 @!p1 $0x3  }
0xa2: {  	_ =	swait.ge @!p1 [sflag:s11], $0x400  }
0xa3: {  	[sflag:s11] =	ssyncset.done @!p1 $0x0  }
0xa4: {  	[sflag:s11] =	ssyncadd.s32 @!p1 $0xFFFFFC00  }
0xa5: {  	[tilespmem:$0x6700] =	vst v1  }
0xa6: {  	[tilespmem:$0x6710] =	vst v2  }
0xa7: {  	[tilespmem:$0x6720] =	vst v3  }
0xa8: {  	[tilespmem:$0x6730] =	vst v4  }
0xa9: {  	[tilespmem:$0x6740] =	vst v5  }
0xaa: {  	[tilespmem:$0x6780] =	vst v6  }
0xab: {  	[tilespmem:$0x6790] =	vst v7  }
.Ltmp4:
0xac: {  	[tilespmem:$0x67A0] =	vst v8;
	(pc) =	sbr.rel @p0 .LBB3_11-.Ltmp4, $4  }
0xad: {  	[tilespmem:$0x67B0] =	vst v9  }
0xae: {  	[tilespmem:$0x67C0] =	vst v10  }
0xaf: {  	[bflag:$0x0] =	sbarrier.arrive $0xFFFF  }
0xb0: {  	s20 =	simm.s32 $0x0  }
0xb1: {  	s11 =	rddreg [dreg:$0x7];
	s21 =	simm.s32 $0x6200  }
0xb2: {  	[tilespmem:s21], [sflag:$0x3] =	stream.linear.gather [hbm4b:s11+s20], $0x100, $0x38;
	[tilespmem:$0x1F900] =	vst v63  }
0xb3: {  	_ =	swait.ge [sflag:s28], $0x100  }
0xb4: {  	[sflag:s28] =	ssyncset.done $0x0  }
0xb5: {  	[sflag:s28] =	ssyncadd.s32 $0xFFFFFF00  }
0xb6: {  	v15 =	vld [tilespmem:$0x6200]  }
0xb7: {  	v16 =	vld [tilespmem:$0x6210]  }
0xb8: {  	v17 =	vld [tilespmem:$0x6220]  }
0xb9: {  	v18 =	vld [tilespmem:$0x6230]  }
0xba: {  	v19 =	vld [tilespmem:$0x6240]  }
0xbb: {  	v20 =	vld [tilespmem:$0x6250]  }
0xbc: {  	v21 =	vld [tilespmem:$0x6260]  }
0xbd: {  	v22 =	vld [tilespmem:$0x6270]  }
0xbe: {  	v23 =	vld [tilespmem:$0x6280]  }
0xbf: {  	v24 =	vld [tilespmem:$0x6290]  }
0xc0: {  	v25 =	vld [tilespmem:$0x62A0]  }
0xc1: {  	v26 =	vld [tilespmem:$0x62B0]  }
0xc2: {  	v27 =	vld [tilespmem:$0x62C0]  }
0xc3: {  	v28 =	vld [tilespmem:$0x62D0]  }
0xc4: {  	v29 =	vld [tilespmem:$0x62E0]  }
0xc5: {  	s24 =	simm.s32 $0x0;
	v30 =	vld [tilespmem:$0x62F0]  }
.LBB3_7:
0xc6: {  	s11 =	sshll.u32 s24, $0x6  }
0xc7: {  	s11 =	sadd.s32 s19, s11  }
0xc8: {  	s11 =	sshrl.u32 s11, $0x3  }
0xc9: {  	s21 =	sadd.s32 s4, s11  }
0xca: {  	[tilespmem:s20], [sflag:$0x1] =	stream.linear.gather [hbm4b:s21+s20], $0x40, $0x38;
	[tilespmem:$0x1F900] =	vst v63  }
0xcb: {  	s29 =	sadd.s32 s5, s11  }
0xcc: {  	[tilespmem:s30], [sflag:$0x1] =	stream.linear.gather [hbm4b:s29+s20], $0x40, $0x38;
	[tilespmem:$0x1F900] =	vst v63  }
0xcd: {  	s11 =	sadd.s32 s6, s11;
	s21 =	simm.s32 $0x180  }
0xce: {  	[tilespmem:s21], [sflag:$0x1] =	stream.linear.gather [hbm4b:s11+s20], $0x40, $0x38;
	[tilespmem:$0x1F900] =	vst v63  }
0xcf: {  	_ =	swait.ge [sflag:s31], $0x40  }
0xd0: {  	[sflag:s31] =	ssyncset.done $0x0  }
0xd1: {  	[sflag:s31] =	ssyncadd.s32 $0xFFFFFFC0  }
0xd2: {  	_ =	swait.ge [sflag:s31], $0x40  }
0xd3: {  	[sflag:s31] =	ssyncset.done $0x0  }
0xd4: {  	[sflag:s31] =	ssyncadd.s32 $0xFFFFFFC0  }
0xd5: {  	_ =	swait.ge [sflag:s31], $0x40  }
0xd6: {  	[sflag:s31] =	ssyncset.done $0x0  }
0xd7: {  	[sflag:s31] =	ssyncadd.s32 $0xFFFFFFC0  }
0xd8: {  	v31 =	vld [tilespmem:$0x80]  }
0xd9: {  	v32 =	vld [tilespmem:$0x90]  }
0xda: {  	v33 =	vld [tilespmem:$0xA0]  }
0xdb: {  	v34 =	vld [tilespmem:$0xB0];
	_ =	sdelay $0x1  }
0xdc: {  	[tilespmem:$0x100] =	vst v31  }
0xdd: {  	[tilespmem:$0x110] =	vst v32  }
0xde: {  	[tilespmem:$0x120] =	vst v33  }
0xdf: {  	[tilespmem:$0x130] =	vst v34  }
0xe0: {  	[tilespmem:s7], [sflag:$0x2] =	stream.indirect.gather [hbm4b:s0+s14], $0x80, s20, s14, $0xb8;
	[tilespmem:$0x1F900] =	vst v63  }
0xe1: {  	_ = 	snop  }
0xe2: {  	[tilespmem:s8], [sflag:$0x2] =	stream.indirect.gather [hbm4b:s1+s14], $0x80, s30, s14, $0xb8;
	[tilespmem:$0x1F900] =	vst v63  }
0xe3: {  	_ =	swait.ge [sflag:s9], $0x2000  }
0xe4: {  	[sflag:s9] =	ssyncset.done $0x0  }
0xe5: {  	[sflag:s9] =	ssyncadd.s32 $0xFFFFE000  }
0xe6: {  	_ =	swait.ge [sflag:s9], $0x2000  }
0xe7: {  	[sflag:s9] =	ssyncset.done $0x0  }
0xe8: {  	[sflag:s9] =	ssyncadd.s32 $0xFFFFE000  }
0xe9: {  	s22 =	simm.s32 $0x0;
	v35 =	vld.msk [tilespmem:s21+$0x0 ss:$0x0], $0xffff  }
0xea: {  	v36 =	vld [tilespmem:s22+$0x210]  }
0xeb: {  	v52 =	vld [tilespmem:s22+$0x2210]  }
0xec: {  	v53 =	vld [tilespmem:s22+$0x2200]  }
0xed: {  	v37 =	vld [tilespmem:s22+$0x200]  }
0xee: {  	v31 =	vld [tilespmem:s22+$0x250]  }
0xef: {  	v54 =	vld [tilespmem:s22+$0x2250]  }
0xf0: {  	v38 =	vld [tilespmem:s22+$0x2220]  }
0xf1: {  	v40 =	vld [tilespmem:s22+$0x220]  }
0xf2: {  	v41 =	vld [tilespmem:s22+$0x2230]  }
0xf3: {  	v42 =	vld [tilespmem:s22+$0x230]  }
0xf4: {  	v33 =	vadd.f32 v53, v37  }
0xf5: {  	v39 =	vmul.f32 v35, v15;
	v32 =	vadd.f32 v52, v36;
	v43 =	vmul.f32 v35, v16  }
0xf6: {  	v55 =	vadd.f32 v54, v31;
	v44 =	vmul.f32 v35, v20;
	v45 =	vmul.f32 v35, v17  }
0xf7: {  	v38 =	vadd.f32 v38, v40;
	v47 =	vmul.f32 v35, v18;
	v33 =	vadd.f32 v33, v39  }
0xf8: {  	v57 =	vld [tilespmem:s22+$0x2240];
	v41 =	vadd.f32 v41, v42;
	v58 =	vmul.f32 v35, v19;
	v62 =	vmul.f32 v35, v21  }
0xf9: {  	v35 =	vmul.f32 v35, v22;
	v56 =	vadd.f32 v32, v43;
	v32 =	vld [tilespmem:s22+$0x240];
	v46 =	vmul.f32 $2.000000030e-01, v33  }
0xfa: {  	v38 =	vadd.f32 v38, v45;
	v41 =	vadd.f32 v41, v47;
	vm0 =	vge.f32 v33, $0.0e+00  }
0xfb: {  	v60 =	vld [tilespmem:s22+$0x2260];
	v48 =	vmul.f32 $2.000000030e-01, v56;
	vm10 =	vge.f32 v56, $0.0e+00;
	v33 =	vsel vm0, v33, v46  }
0xfc: {  	v61 =	vld [tilespmem:s22+$0x2270];
	v59 =	vmul.f32 $2.000000030e-01, v38;
	vm11 =	vge.f32 v38, $0.0e+00;
	v46 =	vmul.f32 v33, v23  }
0xfd: {  	v50 =	vmul.f32 $2.000000030e-01, v41;
	vm12 =	vge.f32 v41, $0.0e+00;
	v34 =	vsel vm10, v56, v48;
	v33 =	vld [tilespmem:s22+$0x260]  }
0xfe: {  	v49 =	vmul.f32 v34, v24;
	v43 =	vadd.f32 v57, v32;
	v34 =	vld [tilespmem:s22+$0x270];
	v46 =	vadd.f32 $0.0e+00, v46  }
0xff: {  	v39 =	vadd.f32 v55, v44;
	v38 =	vsel vm11, v38, v59;
	v41 =	vsel vm12, v41, v50  }
0x100: {  	v38 =	vmul.f32 v38, v25;
	v43 =	vadd.f32 v43, v58;
	v46 =	vadd.f32 v49, v46  }
0x101: {  	v53 =	vmul.f32 $2.000000030e-01, v39;
	v41 =	vmul.f32 v41, v26  }
0x102: {  	v63 =	vmul.f32 $2.000000030e-01, v43;
	v52 =	vadd.f32 v60, v33;
	v38 =	vadd.f32 v38, v46  }
0x103: {  	vm1 =	vge.f32 v39, $0.0e+00;
	vm13 =	vge.f32 v43, $0.0e+00;
	v56 =	vadd.f32 v61, v34  }
0x104: {  	v54 =	vsel vm13, v43, v63;
	v55 =	vadd.f32 v52, v62;
	v38 =	vadd.f32 v41, v38  }
0x105: {  	v39 =	vsel vm1, v39, v53;
	v41 =	vmul.f32 v54, v27  }
0x106: {  	v35 =	vadd.f32 v56, v35;
	v58 =	vmul.f32 $2.000000030e-01, v55;
	v57 =	vperm.xlane v38, v11  }
0x107: {  	v39 =	vmul.f32 v39, v28;
	vm14 =	vge.f32 v55, $0.0e+00;
	v41 =	vadd.f32 $0.0e+00, v41  }
0x108: {  	v44 =	vmul.f32 $2.000000030e-01, v35;
	v43 =	vsel vm14, v55, v58;
	v38 =	vadd.f32 v38, v57  }
0x109: {  	vm15 =	vge.f32 v35, $0.0e+00;
	v39 =	vadd.f32 v39, v41;
	v59 =	vmul.f32 v43, v29  }
0x10a: {  	v35 =	vsel vm15, v35, v44;
	v45 =	vperm.xlane v38, v12  }
0x10b: {  	v35 =	vmul.f32 v35, v30;
	v39 =	vadd.f32 v59, v39  }
0x10c: {  	v38 =	vadd.f32 v38, v45  }
0x10d: {  	v35 =	vadd.f32 v35, v39  }
0x10e: {  	v60 =	vperm.xlane v38, v13  }
0x10f: {  	v39 =	vperm.xlane v35, v11  }
0x110: {  	v38 =	vadd.f32 v38, v60  }
0x111: {  	v35 =	vadd.f32 v35, v39  }
0x112: {  	v41 =	vperm.xlane v38, v14  }
0x113: {  	v39 =	vperm.xlane v35, v12  }
0x114: {  	v38 =	vadd.f32 v38, v41  }
0x115: {  	v35 =	vadd.f32 v35, v39  }
0x116: {  	v38 =	vmul.f32 $1.442695020e+00, v38  }
0x117: {  	v61 =	vperm.xlane v35, v13  }
0x118: {  	(erf) = vpow2.f32 v38  }
0x119: {  	s23 =	simm.s32 $0x100;
	v35 =	vadd.f32 v35, v61  }
0x11a: {  	v62 =	vld [tilespmem:s23+$0x0]  }
0x11b: {  	v38 =	vperm.xlane v35, v14;
	_ =	sdelay $0x1  }
0x11c: {  	v35 =	vadd.f32 v35, v38;
	_ =	sdelay $0x1  }
0x11d: {  	(v2sf) =	vpush v62, $0x0;
	v35 =	vmul.f32 $1.442695020e+00, v35;
	_ =	sdelay $0x1  }
0x11e: {  	v39 =	vpop (erf);
	(erf) = vpow2.f32 v35;
	_ =	sdelay $0x5  }
0x11f: {  	v63 =	vmul.f32 v39, v37  }
0x120: {  	v36 =	vmul.f32 v39, v36  }
0x121: {  	s11 =	simm.s32 $0x200;
	v35 =	vmul.f32 v39, v40;
	v37 =	vmul.f32 v39, v42;
	[tilespmem:s22+$0x4200] =	vst v63  }
.LBB3_8:
0x122: {  	p3 =	sne.s32 s11, $0x7E00;
	[tilespmem:s22+$0x4210] =	vst v36;
	s21 =	sadd.s32 $0x1, s21;
	s23 =	sadd.s32 $0x1, s23;
	v36 =	vpop (erf)  }
0x123: {  	s25 =	smov.u32 s11;
	s11 =	sadd.s32 $0x200, s11;
	[tilespmem:s22+$0x4230] =	vst v37;
	v32 =	vmul.f32 v36, v32;
	v31 =	vmul.f32 v36, v31  }
0x124: {  	v33 =	vmul.f32 v36, v33;
	v34 =	vmul.f32 v36, v34;
	[tilespmem:s22+$0x4220] =	vst v35  }
0x125: {  	[tilespmem:s22+$0x4240] =	vst v32  }
0x126: {  	[tilespmem:s22+$0x4250] =	vst v31;
	s29 =	spop (v2sf)  }
0x127: {  	[tilespmem:s22+$0x4260] =	vst v33;
	s29 =	sshll.u32 s29, $0x1  }
0x128: {  	[tilespmem:s22+$0x4270] =	vst v34;
	s22 =	sand.u32 $0xE, s29;
	s29 =	sand.u32 $0xFFFFFFF0, s29  }
0x129: {  	v31 =	vmov s22;
	v32 =	vld [tilespmem:s29+$0x6800]  }
0x12a: {  	v33 =	vor.u32 $0x1, v31;
	_ =	sdelay $0x1  }
0x12b: {  	vm0 =	veq.s32 v31, v1  }
0x12c: {  	v31 =	vnsel vm0, $0x0, v39  }
0x12d: {  	vm0 =	veq.s32 v33, v1;
	v31 =	vadd.f32 v32, v31  }
0x12e: {  	v32 =	vnsel vm0, $0x0, v36  }
0x12f: {  	v31 =	vadd.f32 v31, v32;
	_ =	sdelay $0x1  }
0x130: {  	[tilespmem:s29+$0x6800] =	vst v31;
	_ =	sdelay $0x1  }
0x131: {  	s22 =	sshra.s32 s25, $0x2;
	v39 =	vld.msk [tilespmem:s21+$0x0 ss:$0x0], $0xffff  }
0x132: {  	v35 =	vld [tilespmem:s22+$0x210]  }
0x133: {  	v33 =	vld [tilespmem:s22+$0x2210]  }
0x134: {  	v31 =	vld [tilespmem:s22+$0x250]  }
0x135: {  	v34 =	vld [tilespmem:s22+$0x2250]  }
0x136: {  	v38 =	vld [tilespmem:s22+$0x2200]  }
0x137: {  	v36 =	vld [tilespmem:s22+$0x200]  }
0x138: {  	v40 =	vld [tilespmem:s22+$0x2240]  }
0x139: {  	v32 =	vld [tilespmem:s22+$0x240]  }
0x13a: {  	v42 =	vmul.f32 v39, v20;
	v41 =	vld [tilespmem:s22+$0x2220];
	v34 =	vadd.f32 v34, v31  }
0x13b: {  	v43 =	vmul.f32 v39, v17;
	v44 =	vmul.f32 v39, v21;
	v37 =	vld [tilespmem:s22+$0x220]  }
0x13c: {  	v46 =	vmul.f32 v39, v15;
	v45 =	vadd.f32 v38, v36;
	v47 =	vld [tilespmem:s22+$0x2230];
	v34 =	vadd.f32 v34, v42  }
0x13d: {  	v48 =	vmul.f32 v39, v16;
	v49 =	vmul.f32 v39, v19;
	v42 =	vadd.f32 v33, v35;
	v38 =	vld [tilespmem:s22+$0x230]  }
0x13e: {  	v33 =	vld [tilespmem:s22+$0x260];
	v45 =	vadd.f32 v45, v46;
	v40 =	vadd.f32 v40, v32;
	v46 =	vmul.f32 $2.000000030e-01, v34  }
0x13f: {  	v42 =	vadd.f32 v42, v48;
	v48 =	vmul.f32 v39, v18;
	vm0 =	vge.f32 v34, $0.0e+00;
	v50 =	vld [tilespmem:s22+$0x2260]  }
0x140: {  	v51 =	vmul.f32 $2.000000030e-01, v45;
	v40 =	vadd.f32 v40, v49;
	v46 =	vsel vm0, v34, v46  }
0x141: {  	vm0 =	vge.f32 v45, $0.0e+00;
	v49 =	vmul.f32 $2.000000030e-01, v42;
	v41 =	vadd.f32 v41, v37;
	v34 =	vld [tilespmem:s22+$0x270]  }
0x142: {  	v46 =	vmul.f32 v46, v28;
	v45 =	vsel vm0, v45, v51;
	v47 =	vadd.f32 v47, v38  }
0x143: {  	vm0 =	vge.f32 v42, $0.0e+00;
	v51 =	vmul.f32 $2.000000030e-01, v40;
	v45 =	vmul.f32 v45, v23;
	v52 =	vld [tilespmem:s22+$0x2270]  }
0x144: {  	v42 =	vsel vm0, v42, v49;
	vm0 =	vge.f32 v40, $0.0e+00;
	v49 =	vadd.f32 v50, v33  }
0x145: {  	v42 =	vmul.f32 v42, v24;
	v40 =	vsel vm0, v40, v51;
	v45 =	vadd.f32 $0.0e+00, v45  }
0x146: {  	v41 =	vadd.f32 v41, v43;
	v43 =	vadd.f32 v47, v48;
	v40 =	vmul.f32 v40, v27  }
0x147: {  	v39 =	vmul.f32 v39, v22;
	v44 =	vadd.f32 v49, v44;
	v42 =	vadd.f32 v42, v45  }
0x148: {  	v45 =	vmul.f32 $2.000000030e-01, v41;
	v40 =	vadd.f32 $0.0e+00, v40;
	v47 =	vadd.f32 v52, v34  }
0x149: {  	vm0 =	vge.f32 v41, $0.0e+00;
	v48 =	vmul.f32 $2.000000030e-01, v43;
	v49 =	vmul.f32 $2.000000030e-01, v44  }
0x14a: {  	v41 =	vsel vm0, v41, v45;
	v40 =	vadd.f32 v46, v40;
	vm0 =	vge.f32 v44, $0.0e+00  }
0x14b: {  	vm1 =	vge.f32 v43, $0.0e+00;
	v41 =	vmul.f32 v41, v25;
	v44 =	vsel vm0, v44, v49  }
0x14c: {  	v43 =	vsel vm1, v43, v48;
	v39 =	vadd.f32 v47, v39;
	v44 =	vmul.f32 v44, v29  }
0x14d: {  	v41 =	vadd.f32 v41, v42;
	v42 =	vmul.f32 v43, v26  }
0x14e: {  	v43 =	vmul.f32 $2.000000030e-01, v39;
	v40 =	vadd.f32 v44, v40  }
0x14f: {  	vm0 =	vge.f32 v39, $0.0e+00;
	v41 =	vadd.f32 v42, v41  }
0x150: {  	v39 =	vsel vm0, v39, v43  }
0x151: {  	v39 =	vmul.f32 v39, v30;
	v42 =	vperm.xlane v41, v11;
	_ =	sdelay $0x1  }
0x152: {  	v39 =	vadd.f32 v39, v40;
	v40 =	vadd.f32 v41, v42;
	_ =	sdelay $0x1  }
0x153: {  	v42 =	vperm.xlane v39, v11;
	v41 =	vperm.xlane v40, v12;
	_ =	sdelay $0x1  }
0x154: {  	v39 =	vadd.f32 v39, v42;
	v40 =	vadd.f32 v40, v41;
	_ =	sdelay $0x1  }
0x155: {  	v42 =	vperm.xlane v39, v12;
	v41 =	vperm.xlane v40, v13;
	_ =	sdelay $0x1  }
0x156: {  	v39 =	vadd.f32 v39, v42;
	v40 =	vadd.f32 v40, v41;
	_ =	sdelay $0x1  }
0x157: {  	v42 =	vperm.xlane v39, v13;
	v41 =	vperm.xlane v40, v14;
	_ =	sdelay $0x1  }
0x158: {  	v39 =	vadd.f32 v39, v42;
	v40 =	vadd.f32 v40, v41  }
0x159: {  	v41 =	vld [tilespmem:s23+$0x0]  }
0x15a: {  	v42 =	vperm.xlane v39, v14;
	v40 =	vmul.f32 $1.442695020e+00, v40;
	_ =	sdelay $0x1  }
0x15b: {  	v39 =	vadd.f32 v39, v42;
	(erf) = vpow2.f32 v40;
	_ =	sdelay $0x1  }
0x15c: {  	v39 =	vmul.f32 $1.442695020e+00, v39;
	(v2sf) =	vpush v41, $0x0;
	_ =	sdelay $0x1  }
0x15d: {  	(erf) = vpow2.f32 v39;
	_ =	sdelay $0x3  }
.Ltmp5:
0x15e: {  	(pc) =	sbr.rel @p3 .LBB3_8-.Ltmp5, $4  }
0x15f: {  	v39 =	vpop (erf)  }
0x160: {  	v40 =	vmul.f32 v39, v36;
	v36 =	vmul.f32 v39, v35  }
0x161: {  	v35 =	vmul.f32 v39, v37;
	v37 =	vmul.f32 v39, v38  }
0x162: {  	[tilespmem:s22+$0x4200] =	vst v40  }
0x163: {  	[tilespmem:s22+$0x4210] =	vst v36;
	v60 =	vpop (erf)  }
0x164: {  	[tilespmem:s22+$0x4230] =	vst v37;
	v32 =	vmul.f32 v60, v32  }
0x165: {  	[tilespmem:s22+$0x4220] =	vst v35;
	v31 =	vmul.f32 v60, v31  }
0x166: {  	v33 =	vmul.f32 v60, v33;
	[tilespmem:s22+$0x4240] =	vst v32  }
0x167: {  	v61 =	vmul.f32 v60, v34;
	[tilespmem:s22+$0x4250] =	vst v31;
	s11 =	spop (v2sf)  }
0x168: {  	[tilespmem:s22+$0x4260] =	vst v33;
	s11 =	sshll.u32 s11, $0x1  }
0x169: {  	[tilespmem:s22+$0x4270] =	vst v61;
	s21 =	sand.u32 $0xFFFFFFF0, s11  }
0x16a: {  	v31 =	vld [tilespmem:s21+$0x6800]  }
0x16b: {  	s11 =	sand.u32 $0xE, s11  }
0x16c: {  	v62 =	vmov s11  }
0x16d: {  	vm0 =	veq.s32 v62, v1  }
0x16e: {  	v32 =	vor.u32 $0x1, v62;
	v63 =	vnsel vm0, $0x0, v39  }
0x16f: {  	vm15 =	veq.s32 v32, v1;
	v31 =	vadd.f32 v31, v63  }
0x170: {  	v32 =	vnsel vm15, $0x0, v60  }
0x171: {  	s24 =	sadd.s32 $0x1, s24;
	v31 =	vadd.f32 v31, v32  }
0x172: {  	p3 =	seq.s32 s24, $0x13C  }
.Ltmp6:
0x173: {  	[tilespmem:s21+$0x6800] =	vst v31;
	(pc) =	sbr.rel @!p3 .LBB3_7-.Ltmp6, $4  }
0x174: {  	[spmem:s12] =	stream.indirect.scatter.add.f32 [tilespmem:s10], [sflag:$0x3], $0x80, s30, s14, $0xb8;
	[tilespmem:$0x1F900] =	vst v63  }
0x175: {  	_ =	swait.ge [sflag:s28], $0x2000  }
0x176: {  	[sflag:s28] =	ssyncset.done $0x0  }
0x177: {  	[sflag:s28] =	ssyncadd.s32 $0xFFFFE000  }
0x178: {  	s11 =	simm.s32 $0x50;
	s20 =	simm.s32 $0x6700;
	s21 =	simm.s32 $0x6800  }
0x179: {  	[spmem:s15] =	stream.indirect.scatter.add.f32 [tilespmem:s21], [sflag:$0x3], $0x80, s20, s11, $0xb8;
	[tilespmem:$0x1F900] =	vst v63  }
0x17a: {  	_ =	swait.ge [sflag:s28], $0x2800  }
0x17b: {  	[sflag:s28] =	ssyncset.done $0x0  }
0x17c: {  	s25 =	simm.s32 $0x6780;
	s29 =	simm.s32 $0x9000;
	[sflag:s28] =	ssyncadd.s32 $0xFFFFD800  }
0x17d: {  	[spmem:s15] =	stream.indirect.scatter.add.f32 [tilespmem:s29], [sflag:$0x3], $0x80, s25, s11, $0xb8;
	[tilespmem:$0x1F900] =	vst v63  }
0x17e: {  	_ =	swait.ge [sflag:s28], $0x2800  }
0x17f: {  	[sflag:s28] =	ssyncset.done $0x0  }
0x180: {  	s22 =	stileid.u32;
	[sflag:s28] =	ssyncadd.s32 $0xFFFFD800  }
0x181: {  	s11 =	sshll.u32 s22, $0x6;
	[bflag:$0x0] =	sbarrier.arrive $0xFFFF  }
0x182: {  	s23 =	sshrl.u32 s16, $0x3;
	s11 =	sor.u32 $0x1C03, s11;
	s24 =	rddreg [dreg:$0x10]  }
0x183: {  	[hbm:s24], [sflag:s11] =	dma.local [spmem:s23], $0x2780  }
0x184: {  	_ =	swait.ge [sflag:s28], $0x2780  }
0x185: {  	[sflag:s28] =	ssyncset.done $0x0  }
0x186: {  	s25 =	sshrl.u32 s17, $0x3;
	s29 =	rddreg [dreg:$0x13];
	[sflag:s28] =	ssyncadd.s32 $0xFFFFD880  }
0x187: {  	[hbm:s29], [sflag:s11] =	dma.local [spmem:s25], $0x80  }
.Ltmp7:
0x188: {  	_ = 	snop;
	(pc) =	sbr.rel @p1 .LBB3_17-.Ltmp7, $4  }
.Ltmp8:
0x189: {  	_ =	swait.ge [sflag:s28], $0x80;
	(pc) =	sbr.rel @!p1 .LBB3_16-.Ltmp8, $4  }
0x18a: {  	[sflag:s28] =	ssyncset.done $0x0  }
0x18b: {  	[sflag:s28] =	ssyncadd.s32 $0xFFFFFF80  }
0x18c: {  	s20 =	rddreg [dreg:$0xb]  }
0x18d: {  	_ = 	snop  }
.LBB3_11:
0x18e: {  	s11 =	rddreg [dreg:$0x8];
	s21 =	simm.s32 $0x6200  }
0x18f: {  	[tilespmem:s21], [sflag:$0x3] =	stream.linear.gather [hbm4b:s11+s20], $0x100, $0x38;
	[tilespmem:$0x1F900] =	vst v63  }
0x190: {  	_ =	swait.ge [sflag:s28], $0x100  }
0x191: {  	[sflag:s28] =	ssyncset.done $0x0  }
0x192: {  	[sflag:s28] =	ssyncadd.s32 $0xFFFFFF00  }
0x193: {  	v15 =	vld [tilespmem:$0x6200]  }
0x194: {  	v16 =	vld [tilespmem:$0x6210]  }
0x195: {  	v17 =	vld [tilespmem:$0x6220]  }
0x196: {  	v18 =	vld [tilespmem:$0x6230]  }
0x197: {  	v19 =	vld [tilespmem:$0x6240]  }
0x198: {  	v20 =	vld [tilespmem:$0x6250]  }
0x199: {  	v21 =	vld [tilespmem:$0x6260]  }
0x19a: {  	v22 =	vld [tilespmem:$0x6270]  }
0x19b: {  	v23 =	vld [tilespmem:$0x6280]  }
0x19c: {  	v24 =	vld [tilespmem:$0x6290]  }
0x19d: {  	v25 =	vld [tilespmem:$0x62A0]  }
0x19e: {  	v26 =	vld [tilespmem:$0x62B0]  }
0x19f: {  	v27 =	vld [tilespmem:$0x62C0]  }
0x1a0: {  	v28 =	vld [tilespmem:$0x62D0]  }
0x1a1: {  	v29 =	vld [tilespmem:$0x62E0]  }
0x1a2: {  	s24 =	simm.s32 $0x0;
	v30 =	vld [tilespmem:$0x62F0]  }
.LBB3_12:
0x1a3: {  	s11 =	sshll.u32 s24, $0x6  }
0x1a4: {  	s11 =	sadd.s32 s19, s11  }
0x1a5: {  	s11 =	sshrl.u32 s11, $0x3  }
0x1a6: {  	s21 =	sadd.s32 s4, s11  }
0x1a7: {  	[tilespmem:s20], [sflag:$0x1] =	stream.linear.gather [hbm4b:s21+s20], $0x40, $0x38;
	[tilespmem:$0x1F900] =	vst v63  }
0x1a8: {  	s29 =	sadd.s32 s5, s11  }
0x1a9: {  	[tilespmem:s30], [sflag:$0x1] =	stream.linear.gather [hbm4b:s29+s20], $0x40, $0x38;
	[tilespmem:$0x1F900] =	vst v63  }
0x1aa: {  	s11 =	sadd.s32 s6, s11;
	s21 =	simm.s32 $0x180  }
0x1ab: {  	[tilespmem:s21], [sflag:$0x1] =	stream.linear.gather [hbm4b:s11+s20], $0x40, $0x38;
	[tilespmem:$0x1F900] =	vst v63  }
0x1ac: {  	_ =	swait.ge [sflag:s31], $0x40  }
0x1ad: {  	[sflag:s31] =	ssyncset.done $0x0  }
0x1ae: {  	[sflag:s31] =	ssyncadd.s32 $0xFFFFFFC0  }
0x1af: {  	_ =	swait.ge [sflag:s31], $0x40  }
0x1b0: {  	[sflag:s31] =	ssyncset.done $0x0  }
0x1b1: {  	[sflag:s31] =	ssyncadd.s32 $0xFFFFFFC0  }
0x1b2: {  	_ =	swait.ge [sflag:s31], $0x40  }
0x1b3: {  	[sflag:s31] =	ssyncset.done $0x0  }
0x1b4: {  	[sflag:s31] =	ssyncadd.s32 $0xFFFFFFC0  }
0x1b5: {  	v31 =	vld [tilespmem:$0x80]  }
0x1b6: {  	v32 =	vld [tilespmem:$0x90]  }
0x1b7: {  	v33 =	vld [tilespmem:$0xA0]  }
0x1b8: {  	v34 =	vld [tilespmem:$0xB0];
	_ =	sdelay $0x1  }
0x1b9: {  	[tilespmem:$0x100] =	vst v31  }
0x1ba: {  	[tilespmem:$0x110] =	vst v32  }
0x1bb: {  	[tilespmem:$0x120] =	vst v33  }
0x1bc: {  	[tilespmem:$0x130] =	vst v34  }
0x1bd: {  	[tilespmem:s7], [sflag:$0x2] =	stream.indirect.gather [hbm4b:s2+s14], $0x80, s20, s14, $0xb8;
	[tilespmem:$0x1F900] =	vst v63  }
0x1be: {  	_ = 	snop  }
0x1bf: {  	[tilespmem:s8], [sflag:$0x2] =	stream.indirect.gather [hbm4b:s3+s14], $0x80, s30, s14, $0xb8;
	[tilespmem:$0x1F900] =	vst v63  }
0x1c0: {  	_ =	swait.ge [sflag:s9], $0x2000  }
0x1c1: {  	[sflag:s9] =	ssyncset.done $0x0  }
0x1c2: {  	[sflag:s9] =	ssyncadd.s32 $0xFFFFE000  }
0x1c3: {  	_ =	swait.ge [sflag:s9], $0x2000  }
0x1c4: {  	[sflag:s9] =	ssyncset.done $0x0  }
0x1c5: {  	[sflag:s9] =	ssyncadd.s32 $0xFFFFE000  }
0x1c6: {  	s22 =	simm.s32 $0x0;
	v35 =	vld.msk [tilespmem:s21+$0x0 ss:$0x0], $0xffff  }
0x1c7: {  	v36 =	vld [tilespmem:s22+$0x210]  }
0x1c8: {  	v52 =	vld [tilespmem:s22+$0x2210]  }
0x1c9: {  	v53 =	vld [tilespmem:s22+$0x2200]  }
0x1ca: {  	v37 =	vld [tilespmem:s22+$0x200]  }
0x1cb: {  	v31 =	vld [tilespmem:s22+$0x250]  }
0x1cc: {  	v54 =	vld [tilespmem:s22+$0x2250]  }
0x1cd: {  	v38 =	vld [tilespmem:s22+$0x2220]  }
0x1ce: {  	v40 =	vld [tilespmem:s22+$0x220]  }
0x1cf: {  	v41 =	vld [tilespmem:s22+$0x2230]  }
0x1d0: {  	v42 =	vld [tilespmem:s22+$0x230]  }
0x1d1: {  	v33 =	vadd.f32 v53, v37  }
0x1d2: {  	v39 =	vmul.f32 v35, v15;
	v32 =	vadd.f32 v52, v36;
	v43 =	vmul.f32 v35, v16  }
0x1d3: {  	v55 =	vadd.f32 v54, v31;
	v44 =	vmul.f32 v35, v20;
	v45 =	vmul.f32 v35, v17  }
0x1d4: {  	v38 =	vadd.f32 v38, v40;
	v47 =	vmul.f32 v35, v18;
	v33 =	vadd.f32 v33, v39  }
0x1d5: {  	v57 =	vld [tilespmem:s22+$0x2240];
	v41 =	vadd.f32 v41, v42;
	v58 =	vmul.f32 v35, v19;
	v62 =	vmul.f32 v35, v21  }
0x1d6: {  	v35 =	vmul.f32 v35, v22;
	v56 =	vadd.f32 v32, v43;
	v32 =	vld [tilespmem:s22+$0x240];
	v46 =	vmul.f32 $2.000000030e-01, v33  }
0x1d7: {  	v38 =	vadd.f32 v38, v45;
	v41 =	vadd.f32 v41, v47;
	vm0 =	vge.f32 v33, $0.0e+00  }
0x1d8: {  	v60 =	vld [tilespmem:s22+$0x2260];
	v48 =	vmul.f32 $2.000000030e-01, v56;
	vm10 =	vge.f32 v56, $0.0e+00;
	v33 =	vsel vm0, v33, v46  }
0x1d9: {  	v61 =	vld [tilespmem:s22+$0x2270];
	v59 =	vmul.f32 $2.000000030e-01, v38;
	vm11 =	vge.f32 v38, $0.0e+00;
	v46 =	vmul.f32 v33, v23  }
0x1da: {  	v50 =	vmul.f32 $2.000000030e-01, v41;
	vm12 =	vge.f32 v41, $0.0e+00;
	v34 =	vsel vm10, v56, v48;
	v33 =	vld [tilespmem:s22+$0x260]  }
0x1db: {  	v49 =	vmul.f32 v34, v24;
	v43 =	vadd.f32 v57, v32;
	v34 =	vld [tilespmem:s22+$0x270];
	v46 =	vadd.f32 $0.0e+00, v46  }
0x1dc: {  	v39 =	vadd.f32 v55, v44;
	v38 =	vsel vm11, v38, v59;
	v41 =	vsel vm12, v41, v50  }
0x1dd: {  	v38 =	vmul.f32 v38, v25;
	v43 =	vadd.f32 v43, v58;
	v46 =	vadd.f32 v49, v46  }
0x1de: {  	v53 =	vmul.f32 $2.000000030e-01, v39;
	v41 =	vmul.f32 v41, v26  }
0x1df: {  	v63 =	vmul.f32 $2.000000030e-01, v43;
	v52 =	vadd.f32 v60, v33;
	v38 =	vadd.f32 v38, v46  }
0x1e0: {  	vm1 =	vge.f32 v39, $0.0e+00;
	vm13 =	vge.f32 v43, $0.0e+00;
	v56 =	vadd.f32 v61, v34  }
0x1e1: {  	v54 =	vsel vm13, v43, v63;
	v55 =	vadd.f32 v52, v62;
	v38 =	vadd.f32 v41, v38  }
0x1e2: {  	v39 =	vsel vm1, v39, v53;
	v41 =	vmul.f32 v54, v27  }
0x1e3: {  	v35 =	vadd.f32 v56, v35;
	v58 =	vmul.f32 $2.000000030e-01, v55;
	v57 =	vperm.xlane v38, v11  }
0x1e4: {  	v39 =	vmul.f32 v39, v28;
	vm14 =	vge.f32 v55, $0.0e+00;
	v41 =	vadd.f32 $0.0e+00, v41  }
0x1e5: {  	v44 =	vmul.f32 $2.000000030e-01, v35;
	v43 =	vsel vm14, v55, v58;
	v38 =	vadd.f32 v38, v57  }
0x1e6: {  	vm15 =	vge.f32 v35, $0.0e+00;
	v39 =	vadd.f32 v39, v41;
	v59 =	vmul.f32 v43, v29  }
0x1e7: {  	v35 =	vsel vm15, v35, v44;
	v45 =	vperm.xlane v38, v12  }
0x1e8: {  	v35 =	vmul.f32 v35, v30;
	v39 =	vadd.f32 v59, v39  }
0x1e9: {  	v38 =	vadd.f32 v38, v45  }
0x1ea: {  	v35 =	vadd.f32 v35, v39  }
0x1eb: {  	v60 =	vperm.xlane v38, v13  }
0x1ec: {  	v39 =	vperm.xlane v35, v11  }
0x1ed: {  	v38 =	vadd.f32 v38, v60  }
0x1ee: {  	v35 =	vadd.f32 v35, v39  }
0x1ef: {  	v41 =	vperm.xlane v38, v14  }
0x1f0: {  	v39 =	vperm.xlane v35, v12  }
0x1f1: {  	v38 =	vadd.f32 v38, v41  }
0x1f2: {  	v35 =	vadd.f32 v35, v39  }
0x1f3: {  	v38 =	vmul.f32 $1.442695020e+00, v38  }
0x1f4: {  	v61 =	vperm.xlane v35, v13  }
0x1f5: {  	(erf) = vpow2.f32 v38  }
0x1f6: {  	s23 =	simm.s32 $0x100;
	v35 =	vadd.f32 v35, v61  }
0x1f7: {  	v62 =	vld [tilespmem:s23+$0x0]  }
0x1f8: {  	v38 =	vperm.xlane v35, v14;
	_ =	sdelay $0x1  }
0x1f9: {  	v35 =	vadd.f32 v35, v38;
	_ =	sdelay $0x1  }
0x1fa: {  	(v2sf) =	vpush v62, $0x0;
	v35 =	vmul.f32 $1.442695020e+00, v35;
	_ =	sdelay $0x1  }
0x1fb: {  	v39 =	vpop (erf);
	(erf) = vpow2.f32 v35;
	_ =	sdelay $0x5  }
0x1fc: {  	v63 =	vmul.f32 v39, v37  }
0x1fd: {  	v36 =	vmul.f32 v39, v36  }
0x1fe: {  	s11 =	simm.s32 $0x200;
	v35 =	vmul.f32 v39, v40;
	v37 =	vmul.f32 v39, v42;
	[tilespmem:s22+$0x4200] =	vst v63  }
.LBB3_13:
0x1ff: {  	p3 =	sne.s32 s11, $0x7E00;
	[tilespmem:s22+$0x4210] =	vst v36;
	s21 =	sadd.s32 $0x1, s21;
	s23 =	sadd.s32 $0x1, s23;
	v36 =	vpop (erf)  }
0x200: {  	s25 =	smov.u32 s11;
	s11 =	sadd.s32 $0x200, s11;
	[tilespmem:s22+$0x4230] =	vst v37;
	v32 =	vmul.f32 v36, v32;
	v31 =	vmul.f32 v36, v31  }
0x201: {  	v33 =	vmul.f32 v36, v33;
	v34 =	vmul.f32 v36, v34;
	[tilespmem:s22+$0x4220] =	vst v35  }
0x202: {  	[tilespmem:s22+$0x4240] =	vst v32  }
0x203: {  	[tilespmem:s22+$0x4250] =	vst v31;
	s29 =	spop (v2sf)  }
0x204: {  	[tilespmem:s22+$0x4260] =	vst v33;
	s29 =	sshll.u32 s29, $0x1  }
0x205: {  	[tilespmem:s22+$0x4270] =	vst v34;
	s22 =	sand.u32 $0xE, s29;
	s29 =	sand.u32 $0xFFFFFFF0, s29  }
0x206: {  	v31 =	vmov s22;
	v32 =	vld [tilespmem:s29+$0x6800]  }
0x207: {  	v33 =	vor.u32 $0x1, v31;
	_ =	sdelay $0x1  }
0x208: {  	vm0 =	veq.s32 v31, v1  }
0x209: {  	v31 =	vnsel vm0, $0x0, v39  }
0x20a: {  	vm0 =	veq.s32 v33, v1;
	v31 =	vadd.f32 v32, v31  }
0x20b: {  	v32 =	vnsel vm0, $0x0, v36  }
0x20c: {  	v31 =	vadd.f32 v31, v32;
	_ =	sdelay $0x1  }
0x20d: {  	[tilespmem:s29+$0x6800] =	vst v31;
	_ =	sdelay $0x1  }
0x20e: {  	s22 =	sshra.s32 s25, $0x2;
	v39 =	vld.msk [tilespmem:s21+$0x0 ss:$0x0], $0xffff  }
0x20f: {  	v35 =	vld [tilespmem:s22+$0x210]  }
0x210: {  	v33 =	vld [tilespmem:s22+$0x2210]  }
0x211: {  	v31 =	vld [tilespmem:s22+$0x250]  }
0x212: {  	v34 =	vld [tilespmem:s22+$0x2250]  }
0x213: {  	v38 =	vld [tilespmem:s22+$0x2200]  }
0x214: {  	v36 =	vld [tilespmem:s22+$0x200]  }
0x215: {  	v40 =	vld [tilespmem:s22+$0x2240]  }
0x216: {  	v32 =	vld [tilespmem:s22+$0x240]  }
0x217: {  	v42 =	vmul.f32 v39, v20;
	v41 =	vld [tilespmem:s22+$0x2220];
	v34 =	vadd.f32 v34, v31  }
0x218: {  	v43 =	vmul.f32 v39, v17;
	v44 =	vmul.f32 v39, v21;
	v37 =	vld [tilespmem:s22+$0x220]  }
0x219: {  	v46 =	vmul.f32 v39, v15;
	v45 =	vadd.f32 v38, v36;
	v47 =	vld [tilespmem:s22+$0x2230];
	v34 =	vadd.f32 v34, v42  }
0x21a: {  	v48 =	vmul.f32 v39, v16;
	v49 =	vmul.f32 v39, v19;
	v42 =	vadd.f32 v33, v35;
	v38 =	vld [tilespmem:s22+$0x230]  }
0x21b: {  	v33 =	vld [tilespmem:s22+$0x260];
	v45 =	vadd.f32 v45, v46;
	v40 =	vadd.f32 v40, v32;
	v46 =	vmul.f32 $2.000000030e-01, v34  }
0x21c: {  	v42 =	vadd.f32 v42, v48;
	v48 =	vmul.f32 v39, v18;
	vm0 =	vge.f32 v34, $0.0e+00;
	v50 =	vld [tilespmem:s22+$0x2260]  }
0x21d: {  	v51 =	vmul.f32 $2.000000030e-01, v45;
	v40 =	vadd.f32 v40, v49;
	v46 =	vsel vm0, v34, v46  }
0x21e: {  	vm0 =	vge.f32 v45, $0.0e+00;
	v49 =	vmul.f32 $2.000000030e-01, v42;
	v41 =	vadd.f32 v41, v37;
	v34 =	vld [tilespmem:s22+$0x270]  }
0x21f: {  	v46 =	vmul.f32 v46, v28;
	v45 =	vsel vm0, v45, v51;
	v47 =	vadd.f32 v47, v38  }
0x220: {  	vm0 =	vge.f32 v42, $0.0e+00;
	v51 =	vmul.f32 $2.000000030e-01, v40;
	v45 =	vmul.f32 v45, v23;
	v52 =	vld [tilespmem:s22+$0x2270]  }
0x221: {  	v42 =	vsel vm0, v42, v49;
	vm0 =	vge.f32 v40, $0.0e+00;
	v49 =	vadd.f32 v50, v33  }
0x222: {  	v42 =	vmul.f32 v42, v24;
	v40 =	vsel vm0, v40, v51;
	v45 =	vadd.f32 $0.0e+00, v45  }
0x223: {  	v41 =	vadd.f32 v41, v43;
	v43 =	vadd.f32 v47, v48;
	v40 =	vmul.f32 v40, v27  }
0x224: {  	v39 =	vmul.f32 v39, v22;
	v44 =	vadd.f32 v49, v44;
	v42 =	vadd.f32 v42, v45  }
0x225: {  	v45 =	vmul.f32 $2.000000030e-01, v41;
	v40 =	vadd.f32 $0.0e+00, v40;
	v47 =	vadd.f32 v52, v34  }
0x226: {  	vm0 =	vge.f32 v41, $0.0e+00;
	v48 =	vmul.f32 $2.000000030e-01, v43;
	v49 =	vmul.f32 $2.000000030e-01, v44  }
0x227: {  	v41 =	vsel vm0, v41, v45;
	v40 =	vadd.f32 v46, v40;
	vm0 =	vge.f32 v44, $0.0e+00  }
0x228: {  	vm1 =	vge.f32 v43, $0.0e+00;
	v41 =	vmul.f32 v41, v25;
	v44 =	vsel vm0, v44, v49  }
0x229: {  	v43 =	vsel vm1, v43, v48;
	v39 =	vadd.f32 v47, v39;
	v44 =	vmul.f32 v44, v29  }
0x22a: {  	v41 =	vadd.f32 v41, v42;
	v42 =	vmul.f32 v43, v26  }
0x22b: {  	v43 =	vmul.f32 $2.000000030e-01, v39;
	v40 =	vadd.f32 v44, v40  }
0x22c: {  	vm0 =	vge.f32 v39, $0.0e+00;
	v41 =	vadd.f32 v42, v41  }
0x22d: {  	v39 =	vsel vm0, v39, v43  }
0x22e: {  	v39 =	vmul.f32 v39, v30;
	v42 =	vperm.xlane v41, v11;
	_ =	sdelay $0x1  }
0x22f: {  	v39 =	vadd.f32 v39, v40;
	v40 =	vadd.f32 v41, v42;
	_ =	sdelay $0x1  }
0x230: {  	v42 =	vperm.xlane v39, v11;
	v41 =	vperm.xlane v40, v12;
	_ =	sdelay $0x1  }
0x231: {  	v39 =	vadd.f32 v39, v42;
	v40 =	vadd.f32 v40, v41;
	_ =	sdelay $0x1  }
0x232: {  	v42 =	vperm.xlane v39, v12;
	v41 =	vperm.xlane v40, v13;
	_ =	sdelay $0x1  }
0x233: {  	v39 =	vadd.f32 v39, v42;
	v40 =	vadd.f32 v40, v41;
	_ =	sdelay $0x1  }
0x234: {  	v42 =	vperm.xlane v39, v13;
	v41 =	vperm.xlane v40, v14;
	_ =	sdelay $0x1  }
0x235: {  	v39 =	vadd.f32 v39, v42;
	v40 =	vadd.f32 v40, v41  }
0x236: {  	v41 =	vld [tilespmem:s23+$0x0]  }
0x237: {  	v42 =	vperm.xlane v39, v14;
	v40 =	vmul.f32 $1.442695020e+00, v40;
	_ =	sdelay $0x1  }
0x238: {  	v39 =	vadd.f32 v39, v42;
	(erf) = vpow2.f32 v40;
	_ =	sdelay $0x1  }
0x239: {  	v39 =	vmul.f32 $1.442695020e+00, v39;
	(v2sf) =	vpush v41, $0x0;
	_ =	sdelay $0x1  }
0x23a: {  	(erf) = vpow2.f32 v39;
	_ =	sdelay $0x3  }
.Ltmp9:
0x23b: {  	(pc) =	sbr.rel @p3 .LBB3_13-.Ltmp9, $4  }
0x23c: {  	v39 =	vpop (erf)  }
0x23d: {  	v40 =	vmul.f32 v39, v36;
	v36 =	vmul.f32 v39, v35  }
0x23e: {  	v35 =	vmul.f32 v39, v37;
	v37 =	vmul.f32 v39, v38  }
0x23f: {  	[tilespmem:s22+$0x4200] =	vst v40  }
0x240: {  	[tilespmem:s22+$0x4210] =	vst v36;
	v60 =	vpop (erf)  }
0x241: {  	[tilespmem:s22+$0x4230] =	vst v37;
	v32 =	vmul.f32 v60, v32  }
0x242: {  	[tilespmem:s22+$0x4220] =	vst v35;
	v31 =	vmul.f32 v60, v31  }
0x243: {  	v33 =	vmul.f32 v60, v33;
	[tilespmem:s22+$0x4240] =	vst v32  }
0x244: {  	v61 =	vmul.f32 v60, v34;
	[tilespmem:s22+$0x4250] =	vst v31;
	s11 =	spop (v2sf)  }
0x245: {  	[tilespmem:s22+$0x4260] =	vst v33;
	s11 =	sshll.u32 s11, $0x1  }
0x246: {  	[tilespmem:s22+$0x4270] =	vst v61;
	s21 =	sand.u32 $0xFFFFFFF0, s11  }
0x247: {  	v31 =	vld [tilespmem:s21+$0x6800]  }
0x248: {  	s11 =	sand.u32 $0xE, s11  }
0x249: {  	v62 =	vmov s11  }
0x24a: {  	vm0 =	veq.s32 v62, v1  }
0x24b: {  	v32 =	vor.u32 $0x1, v62;
	v63 =	vnsel vm0, $0x0, v39  }
0x24c: {  	vm15 =	veq.s32 v32, v1;
	v31 =	vadd.f32 v31, v63  }
0x24d: {  	v32 =	vnsel vm15, $0x0, v60  }
0x24e: {  	s24 =	sadd.s32 $0x1, s24;
	v31 =	vadd.f32 v31, v32  }
0x24f: {  	p3 =	sne.s32 s24, $0x13C  }
.Ltmp10:
0x250: {  	[tilespmem:s21+$0x6800] =	vst v31;
	(pc) =	sbr.rel @p3 .LBB3_12-.Ltmp10, $4  }
0x251: {  	[spmem:s12] =	stream.indirect.scatter.add.f32 [tilespmem:s10], [sflag:$0x3], $0x80, s30, s14, $0xb8;
	[tilespmem:$0x1F900] =	vst v63  }
0x252: {  	_ =	swait.ge [sflag:s28], $0x2000  }
0x253: {  	[sflag:s28] =	ssyncset.done $0x0  }
0x254: {  	[sflag:s28] =	ssyncadd.s32 $0xFFFFE000  }
0x255: {  	s11 =	simm.s32 $0x50;
	s20 =	simm.s32 $0x6700;
	s21 =	simm.s32 $0x6800  }
0x256: {  	[spmem:s15] =	stream.indirect.scatter.add.f32 [tilespmem:s21], [sflag:$0x3], $0x80, s20, s11, $0xb8;
	[tilespmem:$0x1F900] =	vst v63  }
0x257: {  	_ =	swait.ge [sflag:s28], $0x2800  }
0x258: {  	[sflag:s28] =	ssyncset.done $0x0  }
0x259: {  	s25 =	simm.s32 $0x6780;
	s29 =	simm.s32 $0x9000;
	[sflag:s28] =	ssyncadd.s32 $0xFFFFD800  }
0x25a: {  	[spmem:s15] =	stream.indirect.scatter.add.f32 [tilespmem:s29], [sflag:$0x3], $0x80, s25, s11, $0xb8;
	[tilespmem:$0x1F900] =	vst v63  }
0x25b: {  	_ =	swait.ge [sflag:s28], $0x2800  }
0x25c: {  	[sflag:s28] =	ssyncset.done $0x0  }
0x25d: {  	s22 =	stileid.u32;
	[sflag:s28] =	ssyncadd.s32 $0xFFFFD800  }
0x25e: {  	s11 =	sshll.u32 s22, $0x6;
	[bflag:$0x0] =	sbarrier.arrive $0xFFFF  }
0x25f: {  	s23 =	sshrl.u32 s16, $0x3;
	s11 =	sor.u32 $0x1C03, s11;
	s24 =	rddreg [dreg:$0xf]  }
0x260: {  	[hbm:s24], [sflag:s11] =	dma.local [spmem:s23], $0x2780  }
0x261: {  	_ =	swait.ge [sflag:s28], $0x2780  }
0x262: {  	[sflag:s28] =	ssyncset.done $0x0  }
0x263: {  	s25 =	sshrl.u32 s17, $0x3;
	s29 =	rddreg [dreg:$0x11];
	[sflag:s28] =	ssyncadd.s32 $0xFFFFD880  }
0x264: {  	[hbm:s29], [sflag:s11] =	dma.local [spmem:s25], $0x80  }
.Ltmp11:
0x265: {  	_ = 	snop;
	(pc) =	sbr.rel @!p2 .LBB3_17-.Ltmp11, $4  }
.Ltmp12:
0x266: {  	_ =	swait.ge [sflag:s28], $0x80;
	(pc) =	sbr.rel @p2 .LBB3_16-.Ltmp12, $4  }
0x267: {  	[sflag:s28] =	ssyncset.done $0x0  }
0x268: {  	[sflag:s28] =	ssyncadd.s32 $0xFFFFFF80  }
0x269: {  	s20 =	rddreg [dreg:$0xc]  }
0x26a: {  	_ = 	snop  }
.LBB3_18:
0x26b: {  	_ =	sfence.sel $0x180000  }
0x26c: {  	[bflag:$0x0] =	sbarrier.arrive $0xFFFF  }
0x26d: {  	_ =	strace $0x90000047  }
0x26e: {  	s0 =	stileid.u32;
	[bflag:$0x2] =	sbarrier.arrive $0xFFFF  }
0x26f: {  	p0 =	sne.s32 s0, $0x0;
	s0 =	rddreg [dreg:$0xe]  }
0x270: {  	s0 =	sadd.s32 @!p0 $0x100000, s0  }
0x271: {  	[sflag:s0] =	ssyncadd.tile.s32 @!p0 $0x1;
	_ =	shalt  }
.Lfunc_end3:
_tile_overlayer_lowered:
.L_overlay_start_3:
0x272: {  	(tag) =	ssettag $0x3  }
0x273: {  	s0 =	rddreg [dreg:$0x0];
	s2 =	stileid.u32  }
0x274: {  	s1 =	rddreg [dreg:$0x1];
	p0 =	sne.s32 s2, $0x0  }
0x275: {  	s3 =	rddreg [dreg:$0x2];
	[bflag:$0x3] =	sbarrier.arrive $0xFFFF;
	s2 =	simm.s32 @!p0 $0x1C03  }
0x276: {  	[timem:s3], [sflag:s2] =	dma.local @!p0 [hbm:s0], s1  }
0x277: {  	s0 =	simm.s32 @!p0 $0x3  }
0x278: {  	_ =	swait.ge @!p0 [sflag:s0], s1  }
0x279: {  	s1 =	ssub.s32 @!p0 $0x0, s1;
	[sflag:s0] =	ssyncset.done @!p0 $0x0  }
0x27a: {  	[sflag:s0] =	ssyncadd.s32 @!p0 s1  }
0x27b: {  	[bflag:$0x3] =	sbarrier.arrive $0xFFFF  }
0x27c: {  	_ =	shalt  }

</sc_bundles>
